<compile_context>
chip_gen: v7x
topology: tpu7x:2x2x1
jax: 0.10.2.dev20260603
libtpu: 0.0.44.dev20260713+nightly
codegen_flags: <defaults>
</compile_context>

<pallas_src>
import functools

import jax
import jax.numpy as jnp
from jax import lax
from jax.experimental import pallas as pl
from jax.experimental.pallas import tpu as pltpu
from jax.experimental.pallas import tpu_sc as plsc

K = 16
Q = 256

_DN = (((1,), (1,)), ((), ()))


def _mm(a, b, precision=None):
    return lax.dot_general(a, b, _DN, precision=precision,
                           preferred_element_type=jnp.float32)


def _stage1_body(x_ref, w1a_ref, c1a_ref, g1a_ref,
                 w1b_ref, c1b_ref, g1b_ref,
                 w2_ref, c2_ref, g2_ref,
                 f1_ref, idx_ref, f2_ref):
    b = pl.program_id(0)
    qb = pl.program_id(1)
    x = x_ref[0]
    n = x.shape[1]
    xq = x_ref[0, :, pl.ds(qb * Q, Q)]
    xt = xq.T

    h = jnp.maximum(_mm(xt, w1a_ref[...]) * g1a_ref[...] + c1a_ref[...], 0.0)
    f1 = jnp.maximum(_mm(h, w1b_ref[...]) * g1b_ref[...] + c1b_ref[...], 0.0)
    f1_ref[0] = jnp.concatenate([f1, jnp.zeros((Q, 64), jnp.float32)], axis=1)

    d2qrow = jnp.sum(xq * xq, axis=0, keepdims=True)
    d2row = jnp.sum(x * x, axis=0, keepdims=True)
    lhs5 = jnp.concatenate(
        [xq * -2.0, jnp.ones((1, Q), jnp.float32), d2qrow], axis=0)
    rhs5 = jnp.concatenate(
        [x, d2row, jnp.ones((1, n), jnp.float32)], axis=0)
    dist = lax.dot_general(lhs5, rhs5, (((0,), (0,)), ((), ())),
                           preferred_element_type=jnp.float32)

    iota = lax.broadcasted_iota(jnp.int32, (Q, n), 1)
    qcol = lax.broadcasted_iota(jnp.int32, (Q, 1), 0) + qb * Q
    maxi = jnp.int32(0x7FFFFFFF)
    bits = lax.bitcast_convert_type(dist, jnp.int32)
    d = jnp.where(iota == qcol, maxi, (bits & ~jnp.int32(2047)) | iota)
    mask_acc = (iota == qcol).astype(jnp.int32)
    cols = []
    for _ in range(K - 1):
        m = jnp.min(d, axis=1, keepdims=True)
        oh = d == m
        mask_acc = mask_acc + oh.astype(jnp.int32)
        d = jnp.where(oh, maxi, d)
        cols.append(m & 2047)
    idx15 = jnp.concatenate(cols, axis=1)
    idx_ref[0, 0] = idx15.T + b * n

    p2 = jnp.concatenate(
        [x, x[0:1] * x, x[1:2] * x, x[2:3] * x], axis=0)
    sums = lax.dot_general(mask_acc.astype(jnp.float32), p2,
                           (((1,), (1,)), ((), ())),
                           preferred_element_type=jnp.float32)
    mean = sums[:, 0:3] * (1.0 / K)
    esq = sums[:, 3:12] * (1.0 / K)
    mm_ = jnp.concatenate([mean * mean[:, i:i + 1] for i in range(3)],
                          axis=1)
    cov9 = esq - mm_

    f2 = jnp.maximum(_mm(cov9, w2_ref[...]) * g2_ref[...] + c2_ref[...], 0.0)
    f2_ref[0] = f2


def _stage3_body(fk_ref, f1_ref, f2_ref, x_ref,
                 wa1_ref, ca1_ref, ga1_ref, wa2_ref, ba2_ref,
                 w3a_ref, c3a_ref, g3a_ref, w3b_ref, b3b_ref,
                 out_ref):
    f1p = f1_ref[0]
    fk = fk_ref[0, 0]

    z = _mm(fk, wa1_ref[...])
    s1 = _mm(f1p, wa1_ref[...])
    a1 = []
    for k in range(K - 1):
        zk = z[k * Q:(k + 1) * Q, :] - s1
        a1.append(jnp.maximum(zk * ga1_ref[...] + ca1_ref[...], 0.0))
    a2 = _mm(jnp.concatenate(a1, axis=0), wa2_ref[...]) + ba2_ref[...]

    mx = a2[0:Q, :]
    for k in range(1, K - 1):
        mx = jnp.maximum(mx, a2[k * Q:(k + 1) * Q, :])
    ssum = jnp.zeros((Q, 128), jnp.float32)
    agg = jnp.zeros((Q, 128), jnp.float32)
    for k in range(K - 1):
        e = jnp.exp(a2[k * Q:(k + 1) * Q, :] - mx)
        ssum = ssum + e
        agg = agg + e * fk[k * Q:(k + 1) * Q, :]
    f1_agg = agg / ssum - f1p

    f = jnp.concatenate([f1_agg[:, :64], f2_ref[0]], axis=1)
    h3 = jnp.maximum(_mm(f, w3a_ref[...]) * g3a_ref[...] + c3a_ref[...], 0.0)
    offt = lax.dot_general(w3b_ref[...], h3, _DN,
                           preferred_element_type=jnp.float32)
    offt = offt + b3b_ref[...]
    xq = x_ref[0]
    out_ref[0] = xq[:, None, :] + 0.15 * offt.reshape(3, 4, Q)


def _sc_gather(table, idx):
    nrow, d = table.shape
    nidx = idx.shape[0]
    info = plsc.get_sparse_core_info()
    nw = info.num_cores * info.num_subcores
    b_per_w = nidx // nw
    ch = 480
    nch = b_per_w // ch
    mesh = plsc.VectorSubcoreMesh(core_axis_name="c", subcore_axis_name="s")

    @functools.partial(
        pl.kernel, mesh=mesh,
        out_type=jax.ShapeDtypeStruct((nidx, d), jnp.float32),
        scratch_types=[
            pltpu.VMEM((ch,), jnp.int32),
            pltpu.VMEM((ch,), jnp.int32),
            pltpu.VMEM((ch, d), jnp.float32),
            pltpu.VMEM((ch, d), jnp.float32),
            pltpu.SemaphoreType.DMA,
            pltpu.SemaphoreType.DMA,
            pltpu.SemaphoreType.DMA,
            pltpu.SemaphoreType.DMA,
            pltpu.SemaphoreType.DMA,
        ],
    )
    def k(table_hbm, idx_hbm, out_hbm, idx_a, idx_b, rows_a, rows_b,
          sem_ia, sem_ib, sem_g, sem_wa, sem_wb):
        wid = lax.axis_index("s") * info.num_cores + lax.axis_index("c")
        base = wid * b_per_w
        idx_v = [idx_a, idx_b]
        rows_v = [rows_a, rows_b]
        sem_i = [sem_ia, sem_ib]
        sem_w = [sem_wa, sem_wb]
        pltpu.async_copy(idx_hbm.at[pl.ds(base, ch)], idx_v[0], sem_i[0])
        for i in range(nch):
            s = i % 2
            o = (i + 1) % 2
            if i + 1 < nch:
                pltpu.async_copy(idx_hbm.at[pl.ds(base + (i + 1) * ch, ch)],
                                 idx_v[o], sem_i[o])
            pltpu.make_async_copy(idx_hbm.at[pl.ds(base + i * ch, ch)],
                                  idx_v[s], sem_i[s]).wait()
            if i >= 2:
                pltpu.make_async_copy(
                    rows_v[s], out_hbm.at[pl.ds(base + (i - 2) * ch, ch)],
                    sem_w[s]).wait()
            pltpu.async_copy(table_hbm.at[idx_v[s]], rows_v[s],
                             sem_g).wait()
            pltpu.async_copy(rows_v[s],
                             out_hbm.at[pl.ds(base + i * ch, ch)], sem_w[s])
        for i in (nch - 2, nch - 1):
            s = i % 2
            pltpu.make_async_copy(rows_v[s],
                                  out_hbm.at[pl.ds(base + i * ch, ch)],
                                  sem_w[s]).wait()

    return k(table, idx)


def kernel(x, W1a, b1a, g1a, be1a, W1b, b1b, g1b, be1b, W2, b2, g2, be2,
           W3a, b3a, g3a, be3a, W3b, b3b, Wa1, ba1, ga1, bea1, Wa2, ba2):
    B, C, N = x.shape
    nb = N // Q
    row = lambda v: v.reshape(1, -1)
    fold = lambda b_, g_, be_: (b_ * g_ + be_).reshape(1, -1)

    wspec = lambda shp: pl.BlockSpec(shp, lambda b, q: (0,) * len(shp))

    wa1p = jnp.concatenate([Wa1, jnp.zeros((128, 64), jnp.float32)], axis=1)
    wa2p = jnp.concatenate([Wa2, jnp.zeros((64, 128), jnp.float32)], axis=0)
    ba2p = jnp.concatenate([ba2, jnp.zeros((64,), jnp.float32)])

    def _stage1(xh):
        bh = xh.shape[0]
        return pl.pallas_call(
            _stage1_body,
            grid=(bh, nb),
            in_specs=[
                pl.BlockSpec((1, C, N), lambda b, q: (b, 0, 0)),
                wspec((32, 3)), wspec((1, 32)), wspec((1, 32)),
                wspec((64, 32)), wspec((1, 64)), wspec((1, 64)),
                wspec((32, 9)), wspec((1, 32)), wspec((1, 32)),
            ],
            out_specs=[
                pl.BlockSpec((1, Q, 128), lambda b, q: (b, q, 0)),
                pl.BlockSpec((1, 1, K - 1, Q), lambda b, q: (b, q, 0, 0)),
                pl.BlockSpec((1, Q, 32), lambda b, q: (b, q, 0)),
            ],
            out_shape=[
                jax.ShapeDtypeStruct((bh, N, 128), jnp.float32),
                jax.ShapeDtypeStruct((bh, nb, K - 1, Q), jnp.int32),
                jax.ShapeDtypeStruct((bh, N, 32), jnp.float32),
            ],
        )(xh, W1a, fold(b1a, g1a, be1a), row(g1a),
          W1b, fold(b1b, g1b, be1b), row(g1b),
          W2, fold(b2, g2, be2), row(g2))

    def _stage3(xh, fk, f1, f2):
        bh = xh.shape[0]
        return pl.pallas_call(
            _stage3_body,
            grid=(bh, nb),
            in_specs=[
                pl.BlockSpec((1, 1, (K - 1) * Q, 128),
                             lambda b, q: (b, q, 0, 0)),
                pl.BlockSpec((1, Q, 128), lambda b, q: (b, q, 0)),
                pl.BlockSpec((1, Q, 32), lambda b, q: (b, q, 0)),
                pl.BlockSpec((1, C, Q), lambda b, q: (b, 0, q)),
                wspec((128, 128)), wspec((1, 128)), wspec((1, 128)),
                wspec((128, 128)), wspec((1, 128)),
                wspec((128, 96)), wspec((1, 128)), wspec((1, 128)),
                wspec((12, 128)), wspec((12, 1)),
            ],
            out_specs=pl.BlockSpec((1, C, 4, Q), lambda b, q: (b, 0, 0, q)),
            out_shape=jax.ShapeDtypeStruct((bh, C, 4, N), jnp.float32),
        )(fk.reshape(bh, nb, (K - 1) * Q, 128), f1, f2, xh,
          wa1p, fold(ba1, ga1, bea1), row(ga1), wa2p, row(ba2p),
          W3a, fold(b3a, g3a, be3a), row(g3a), W3b, b3b.reshape(12, 1))

    halves = [x[:B // 2], x[B // 2:]]
    s1 = [_stage1(xh) for xh in halves]
    fks = [_sc_gather(f1.reshape(-1, 128), idxg.reshape(-1))
           for (f1, idxg, _) in s1]
    outs = [_stage3(xh, fk, f1, f2)
            for xh, fk, (f1, _, f2) in zip(halves, fks, s1)]
    return jnp.concatenate(outs, axis=0).reshape(B, C, 4 * N)

# --- scband reference (transcript-rebuilt; emitter-appended) ---
"""Pipeline reference for scband-pe-86663850098730 (READ-ONLY COPY).

The authoritative reference and input builder live on the scoring server;
editing this copy changes nothing except your own understanding.
"""

import jax, jax.numpy as jnp
import numpy as np

K = 16
R = 4
B = 8
N = 2048

def _w(key, o, i):
    return jax.random.normal(key, (o, i), dtype=jnp.float32) * (1.0 / np.sqrt(i))

def setup_inputs(seed: int = 0):
    key = jax.random.key(seed)
    ks = jax.random.split(key, 32)
    inp = {}
    inp['x'] = jax.random.normal(ks[0], (B, 3, N), dtype=jnp.float32)
    inp['W1a'] = _w(ks[1], 32, 3)
    inp['b1a'] = jax.random.normal(ks[8], (32,), dtype=jnp.float32) * 0.05
    inp['g1a'] = jnp.ones((32,), jnp.float32)
    inp['be1a'] = jnp.zeros((32,), jnp.float32)
    inp['W1b'] = _w(ks[2], 64, 32)
    inp['b1b'] = jax.random.normal(ks[9], (64,), dtype=jnp.float32) * 0.05
    inp['g1b'] = jnp.ones((64,), jnp.float32)
    inp['be1b'] = jnp.zeros((64,), jnp.float32)
    inp['W2'] = _w(ks[3], 32, 9)
    inp['b2'] = jax.random.normal(ks[10], (32,), dtype=jnp.float32) * 0.05
    inp['g2'] = jnp.ones((32,), jnp.float32)
    inp['be2'] = jnp.zeros((32,), jnp.float32)
    inp['W3a'] = _w(ks[4], 128, 96)
    inp['b3a'] = jax.random.normal(ks[11], (128,), dtype=jnp.float32) * 0.05
    inp['g3a'] = jnp.ones((128,), jnp.float32)
    inp['be3a'] = jnp.zeros((128,), jnp.float32)
    inp['W3b'] = _w(ks[5], 12, 128)
    inp['b3b'] = jax.random.normal(ks[12], (12,), dtype=jnp.float32) * 0.05
    inp['Wa1'] = _w(ks[6], 128, 64)
    inp['ba1'] = jax.random.normal(ks[13], (128,), dtype=jnp.float32) * 0.05
    inp['ga1'] = jnp.ones((128,), jnp.float32)
    inp['bea1'] = jnp.zeros((128,), jnp.float32)
    inp['Wa2'] = _w(ks[7], 64, 128)
    inp['ba2'] = jax.random.normal(ks[14], (64,), dtype=jnp.float32) * 0.05
    return inp

def _conv1(x, W, b):
    return jnp.einsum('oc,bcn->bon', W, x) + b[None, :, None]

def _bn1(x, g, be):
    return x * g[None, :, None] + be[None, :, None]

def _conv2(x, W, b):
    return jnp.einsum('oc,bcnk->bonk', W, x) + b[None, :, None, None]

def _bn2(x, g, be):
    return x * g[None, :, None, None] + be[None, :, None, None]

def _group_points(f, idx):
    # f: [B, C, N], idx: [B, N, K] -> [B, C, N, K]
    return jax.vmap(lambda fb, ib: fb[:, ib])(f, idx)

def _forward(x, W1a, b1a, g1a, be1a, W1b, b1b, g1b, be1b, W2, b2, g2, be2,
             W3a, b3a, g3a, be3a, W3b, b3b, Wa1, ba1, ga1, bea1, Wa2, ba2):
    Bx, C, Nx = x.shape
    pts = jnp.transpose(x, (0, 2, 1))  # [B, N, 3]
    d2 = jnp.sum(pts * pts, axis=-1)
    dist = d2[:, :, None] - 2.0 * jnp.einsum('bnd,bmd->bnm', pts, pts) + d2[:, None, :]
    _, idx = jax.lax.top_k(-dist, K)  # [B, N, K], self is first
    # local covariance per point over its k neighbors -> [B, 9, N]
    nb = jax.vmap(lambda p, i: p[i])(pts, idx)  # [B, N, K, 3]
    cen = nb - jnp.mean(nb, axis=2, keepdims=True)
    covm = jnp.einsum('bnki,bnkj->bnij', cen, cen) / float(K)
    _cov = jnp.transpose(covm.reshape(Bx, Nx, 9), (0, 2, 1))
    # mlp1
    h = jax.nn.relu(_bn1(_conv1(x, W1a, b1a), g1a, be1a))
    f1 = jax.nn.relu(_bn1(_conv1(h, W1b, b1b), g1b, be1b))  # [B, 64, N]
    # grouped relative features (exclude self)
    f_knn = _group_points(f1, idx[:, :, 1:]) - f1[:, :, :, None]  # [B, 64, N, K-1]
    # attention (2D MLP, last_act=False)
    a = jax.nn.relu(_bn2(_conv2(f_knn, Wa1, ba1), ga1, bea1))
    a = _conv2(a, Wa2, ba2)
    w = jax.nn.softmax(a, axis=-1)
    f1_agg = jnp.sum(w * f_knn, axis=-1)  # [B, 64, N]
    # mlp2 on covariance
    f2 = jax.nn.relu(_bn1(_conv1(_cov, W2, b2), g2, be2))  # [B, 32, N]
    f = jnp.concatenate([f1_agg, f2], axis=1)  # [B, 96, N]
    # mlp3 (last_act=False)
    h3 = jax.nn.relu(_bn1(_conv1(f, W3a, b3a), g3a, be3a))
    off = _conv1(h3, W3b, b3b)  # [B, 3*R, N]
    out = jnp.tile(x, (1, 1, R)) + 0.15 * off.reshape(Bx, -1, R * Nx)
    return out

def reference(x, W1a, b1a, g1a, be1a, W1b, b1b, g1b, be1b, W2, b2, g2, be2,
              W3a, b3a, g3a, be3a, W3b, b3b, Wa1, ba1, ga1, bea1, Wa2, ba2):
    return _forward(x, W1a, b1a, g1a, be1a, W1b, b1b, g1b, be1b, W2, b2, g2, be2,
                    W3a, b3a, g3a, be3a, W3b, b3b, Wa1, ba1, ga1, bea1, Wa2, ba2)

if __name__ == "__main__":
    import jax
    _d = setup_inputs()
    print(jax.jit(kernel)(*tuple(_d.values())))

</pallas_src>

<mosaic_0001>
#map = affine_map<(d0, d1) -> (0, 0)>
#map1 = affine_map<(d0, d1) -> (0)>
module attributes {stable_mosaic.version = 14 : i64} {
  func.func @k(%arg0: i32, %arg1: i32, %arg2: memref<8192x128xf32, #tpu.memory_space<hbm>>, %arg3: memref<122880xi32, #tpu.memory_space<hbm>>, %arg4: memref<122880x128xf32, #tpu.memory_space<hbm>>, %arg5: memref<480xi32, #tpu.memory_space<vmem>>, %arg6: memref<480xi32, #tpu.memory_space<vmem>>, %arg7: memref<480x128xf32, #tpu.memory_space<vmem>>, %arg8: memref<480x128xf32, #tpu.memory_space<vmem>>, %arg9: memref<!tpu.dma_semaphore, #tpu.memory_space<semaphore_mem>>, %arg10: memref<!tpu.dma_semaphore, #tpu.memory_space<semaphore_mem>>, %arg11: memref<!tpu.dma_semaphore, #tpu.memory_space<semaphore_mem>>, %arg12: memref<!tpu.dma_semaphore, #tpu.memory_space<semaphore_mem>>, %arg13: memref<!tpu.dma_semaphore, #tpu.memory_space<semaphore_mem>>) attributes {dimension_semantics = [#tpu.dimension_semantics<core_parallel>, #tpu.dimension_semantics<subcore_parallel>], iteration_bounds = array<i64: 2, 16>, scalar_prefetch = 0 : i64, scratch_operands = 9 : i64, tpu.core_type = #tpu.core_type<sc_vector_subcore>, window_params = [{transform_indices = #map}, {transform_indices = #map1}, {transform_indices = #map}]} {
    %mul3A = arith.constant 2 : i32
    %mul3A_0 = arith.muli %arg1, %mul3A : i32
    %add3A = arith.addi %mul3A_0, %arg0 : i32
    %mul3A_1 = arith.constant 3840 : i32
    %mul3A_2 = arith.muli %add3A, %mul3A_1 : i32
    %dma_start3A = tpu.memref_slice %arg3[%mul3A_2] : memref<122880xi32, #tpu.memory_space<hbm>> -> memref<480xi32, #tpu.memory_space<hbm>>
    %dma_start3A_3 = tpu.memref_slice %arg3[%mul3A_2] : memref<122880xi32, #tpu.memory_space<hbm>> -> memref<480xi32, #tpu.memory_space<hbm>>
    tpu.enqueue_dma source(%dma_start3A_3 : memref<480xi32, #tpu.memory_space<hbm>>) target(%arg5 : memref<480xi32, #tpu.memory_space<vmem>>) target_semaphore(%arg9 : memref<!tpu.dma_semaphore, #tpu.memory_space<semaphore_mem>>)
    %add3A_4 = arith.constant 480 : i32
    %add3A_5 = arith.addi %mul3A_2, %add3A_4 : i32
    %dma_start3A_6 = tpu.memref_slice %arg3[%add3A_5] : memref<122880xi32, #tpu.memory_space<hbm>> -> memref<480xi32, #tpu.memory_space<hbm>>
    %dma_start3A_7 = tpu.memref_slice %arg3[%add3A_5] : memref<122880xi32, #tpu.memory_space<hbm>> -> memref<480xi32, #tpu.memory_space<hbm>>
    tpu.enqueue_dma source(%dma_start3A_7 : memref<480xi32, #tpu.memory_space<hbm>>) target(%arg6 : memref<480xi32, #tpu.memory_space<vmem>>) target_semaphore(%arg10 : memref<!tpu.dma_semaphore, #tpu.memory_space<semaphore_mem>>)
    %add3A_8 = arith.constant 0 : i32
    %add3A_9 = arith.addi %mul3A_2, %add3A_8 : i32
    %dma_wait3A = tpu.memref_slice %arg3[%add3A_9] : memref<122880xi32, #tpu.memory_space<hbm>> -> memref<480xi32, #tpu.memory_space<hbm>>
    %dma_wait3A_10 = tpu.memref_slice %arg3[%add3A_9] : memref<122880xi32, #tpu.memory_space<hbm>> -> memref<480xi32, #tpu.memory_space<hbm>>
    tpu.wait_dma2 semaphore(%arg9 : memref<!tpu.dma_semaphore, #tpu.memory_space<semaphore_mem>>) src(%dma_wait3A_10 : memref<480xi32, #tpu.memory_space<hbm>>) dst(%arg5 : memref<480xi32, #tpu.memory_space<vmem>>)
    %dma_start3A_11 = arith.constant 0 : i32
    %dma_start3A_12 = arith.constant 0 : i32
    %dma_start3A_13 = tpu.memref_slice %arg2[%dma_start3A_11, %dma_start3A_12] : memref<8192x128xf32, #tpu.memory_space<hbm>> -> memref<8192x128xf32, #tpu.memory_space<hbm>>
    tpu.enqueue_indirect_dma source(%dma_start3A_13 : memref<8192x128xf32, #tpu.memory_space<hbm>>) target(%arg7 : memref<480x128xf32, #tpu.memory_space<vmem>>) offsets(%arg5 : memref<480xi32, #tpu.memory_space<vmem>>) semaphore(%arg11 : memref<!tpu.dma_semaphore, #tpu.memory_space<semaphore_mem>>)
    %dma_wait3A_14 = arith.constant 0 : i32
    %dma_wait3A_15 = arith.constant 0 : i32
    %dma_wait3A_16 = tpu.memref_slice %arg2[%dma_wait3A_14, %dma_wait3A_15] : memref<8192x128xf32, #tpu.memory_space<hbm>> -> memref<8192x128xf32, #tpu.memory_space<hbm>>
    tpu.wait_indirect_dma semaphore(%arg11 : memref<!tpu.dma_semaphore, #tpu.memory_space<semaphore_mem>>) src(%dma_wait3A_16 : memref<8192x128xf32, #tpu.memory_space<hbm>>) dst(%arg7 : memref<480x128xf32, #tpu.memory_space<vmem>>)
    %add3A_17 = arith.constant 0 : i32
    %add3A_18 = arith.addi %mul3A_2, %add3A_17 : i32
    %dma_start3A_19 = arith.constant 0 : i32
    %dma_start3A_20 = tpu.memref_slice %arg4[%add3A_18, %dma_start3A_19] : memref<122880x128xf32, #tpu.memory_space<hbm>> -> memref<480x128xf32, #tpu.memory_space<hbm>>
    %dma_start3A_21 = arith.constant 0 : i32
    %dma_start3A_22 = tpu.memref_slice %arg4[%add3A_18, %dma_start3A_21] : memref<122880x128xf32, #tpu.memory_space<hbm>> -> memref<480x128xf32, #tpu.memory_space<hbm>>
    tpu.enqueue_dma source(%arg7 : memref<480x128xf32, #tpu.memory_space<vmem>>) target(%dma_start3A_22 : memref<480x128xf32, #tpu.memory_space<hbm>>) target_semaphore(%arg12 : memref<!tpu.dma_semaphore, #tpu.memory_space<semaphore_mem>>)
    %add3A_23 = arith.constant 960 : i32
    %add3A_24 = arith.addi %mul3A_2, %add3A_23 : i32
    %dma_start3A_25 = tpu.memref_slice %arg3[%add3A_24] : memref<122880xi32, #tpu.memory_space<hbm>> -> memref<480xi32, #tpu.memory_space<hbm>>
    %dma_start3A_26 = tpu.memref_slice %arg3[%add3A_24] : memref<122880xi32, #tpu.memory_space<hbm>> -> memref<480xi32, #tpu.memory_space<hbm>>
    tpu.enqueue_dma source(%dma_start3A_26 : memref<480xi32, #tpu.memory_space<hbm>>) target(%arg5 : memref<480xi32, #tpu.memory_space<vmem>>) target_semaphore(%arg9 : memref<!tpu.dma_semaphore, #tpu.memory_space<semaphore_mem>>)
    %add3A_27 = arith.constant 480 : i32
    %add3A_28 = arith.addi %mul3A_2, %add3A_27 : i32
    %dma_wait3A_29 = tpu.memref_slice %arg3[%add3A_28] : memref<122880xi32, #tpu.memory_space<hbm>> -> memref<480xi32, #tpu.memory_space<hbm>>
    %dma_wait3A_30 = tpu.memref_slice %arg3[%add3A_28] : memref<122880xi32, #tpu.memory_space<hbm>> -> memref<480xi32, #tpu.memory_space<hbm>>
    tpu.wait_dma2 semaphore(%arg10 : memref<!tpu.dma_semaphore, #tpu.memory_space<semaphore_mem>>) src(%dma_wait3A_30 : memref<480xi32, #tpu.memory_space<hbm>>) dst(%arg6 : memref<480xi32, #tpu.memory_space<vmem>>)
    %dma_start3A_31 = arith.constant 0 : i32
    %dma_start3A_32 = arith.constant 0 : i32
    %dma_start3A_33 = tpu.memref_slice %arg2[%dma_start3A_31, %dma_start3A_32] : memref<8192x128xf32, #tpu.memory_space<hbm>> -> memref<8192x128xf32, #tpu.memory_space<hbm>>
    tpu.enqueue_indirect_dma source(%dma_start3A_33 : memref<8192x128xf32, #tpu.memory_space<hbm>>) target(%arg8 : memref<480x128xf32, #tpu.memory_space<vmem>>) offsets(%arg6 : memref<480xi32, #tpu.memory_space<vmem>>) semaphore(%arg11 : memref<!tpu.dma_semaphore, #tpu.memory_space<semaphore_mem>>)
    %dma_wait3A_34 = arith.constant 0 : i32
    %dma_wait3A_35 = arith.constant 0 : i32
    %dma_wait3A_36 = tpu.memref_slice %arg2[%dma_wait3A_34, %dma_wait3A_35] : memref<8192x128xf32, #tpu.memory_space<hbm>> -> memref<8192x128xf32, #tpu.memory_space<hbm>>
    tpu.wait_indirect_dma semaphore(%arg11 : memref<!tpu.dma_semaphore, #tpu.memory_space<semaphore_mem>>) src(%dma_wait3A_36 : memref<8192x128xf32, #tpu.memory_space<hbm>>) dst(%arg8 : memref<480x128xf32, #tpu.memory_space<vmem>>)
    %add3A_37 = arith.constant 480 : i32
    %add3A_38 = arith.addi %mul3A_2, %add3A_37 : i32
    %dma_start3A_39 = arith.constant 0 : i32
    %dma_start3A_40 = tpu.memref_slice %arg4[%add3A_38, %dma_start3A_39] : memref<122880x128xf32, #tpu.memory_space<hbm>> -> memref<480x128xf32, #tpu.memory_space<hbm>>
    %dma_start3A_41 = arith.constant 0 : i32
    %dma_start3A_42 = tpu.memref_slice %arg4[%add3A_38, %dma_start3A_41] : memref<122880x128xf32, #tpu.memory_space<hbm>> -> memref<480x128xf32, #tpu.memory_space<hbm>>
    tpu.enqueue_dma source(%arg8 : memref<480x128xf32, #tpu.memory_space<vmem>>) target(%dma_start3A_42 : memref<480x128xf32, #tpu.memory_space<hbm>>) target_semaphore(%arg13 : memref<!tpu.dma_semaphore, #tpu.memory_space<semaphore_mem>>)
    %add3A_43 = arith.constant 1440 : i32
    %add3A_44 = arith.addi %mul3A_2, %add3A_43 : i32
    %dma_start3A_45 = tpu.memref_slice %arg3[%add3A_44] : memref<122880xi32, #tpu.memory_space<hbm>> -> memref<480xi32, #tpu.memory_space<hbm>>
    %dma_start3A_46 = tpu.memref_slice %arg3[%add3A_44] : memref<122880xi32, #tpu.memory_space<hbm>> -> memref<480xi32, #tpu.memory_space<hbm>>
    tpu.enqueue_dma source(%dma_start3A_46 : memref<480xi32, #tpu.memory_space<hbm>>) target(%arg6 : memref<480xi32, #tpu.memory_space<vmem>>) target_semaphore(%arg10 : memref<!tpu.dma_semaphore, #tpu.memory_space<semaphore_mem>>)
    %add3A_47 = arith.constant 960 : i32
    %add3A_48 = arith.addi %mul3A_2, %add3A_47 : i32
    %dma_wait3A_49 = tpu.memref_slice %arg3[%add3A_48] : memref<122880xi32, #tpu.memory_space<hbm>> -> memref<480xi32, #tpu.memory_space<hbm>>
    %dma_wait3A_50 = tpu.memref_slice %arg3[%add3A_48] : memref<122880xi32, #tpu.memory_space<hbm>> -> memref<480xi32, #tpu.memory_space<hbm>>
    tpu.wait_dma2 semaphore(%arg9 : memref<!tpu.dma_semaphore, #tpu.memory_space<semaphore_mem>>) src(%dma_wait3A_50 : memref<480xi32, #tpu.memory_space<hbm>>) dst(%arg5 : memref<480xi32, #tpu.memory_space<vmem>>)
    %add3A_51 = arith.constant 0 : i32
    %add3A_52 = arith.addi %mul3A_2, %add3A_51 : i32
    %dma_wait3A_53 = arith.constant 0 : i32
    %dma_wait3A_54 = tpu.memref_slice %arg4[%add3A_52, %dma_wait3A_53] : memref<122880x128xf32, #tpu.memory_space<hbm>> -> memref<480x128xf32, #tpu.memory_space<hbm>>
    %dma_wait3A_55 = arith.constant 0 : i32
    %dma_wait3A_56 = tpu.memref_slice %arg4[%add3A_52, %dma_wait3A_55] : memref<122880x128xf32, #tpu.memory_space<hbm>> -> memref<480x128xf32, #tpu.memory_space<hbm>>
    tpu.wait_dma2 semaphore(%arg12 : memref<!tpu.dma_semaphore, #tpu.memory_space<semaphore_mem>>) src(%arg7 : memref<480x128xf32, #tpu.memory_space<vmem>>) dst(%dma_wait3A_56 : memref<480x128xf32, #tpu.memory_space<hbm>>)
    %dma_start3A_57 = arith.constant 0 : i32
    %dma_start3A_58 = arith.constant 0 : i32
    %dma_start3A_59 = tpu.memref_slice %arg2[%dma_start3A_57, %dma_start3A_58] : memref<8192x128xf32, #tpu.memory_space<hbm>> -> memref<8192x128xf32, #tpu.memory_space<hbm>>
    tpu.enqueue_indirect_dma source(%dma_start3A_59 : memref<8192x128xf32, #tpu.memory_space<hbm>>) target(%arg7 : memref<480x128xf32, #tpu.memory_space<vmem>>) offsets(%arg5 : memref<480xi32, #tpu.memory_space<vmem>>) semaphore(%arg11 : memref<!tpu.dma_semaphore, #tpu.memory_space<semaphore_mem>>)
    %dma_wait3A_60 = arith.constant 0 : i32
    %dma_wait3A_61 = arith.constant 0 : i32
    %dma_wait3A_62 = tpu.memref_slice %arg2[%dma_wait3A_60, %dma_wait3A_61] : memref<8192x128xf32, #tpu.memory_space<hbm>> -> memref<8192x128xf32, #tpu.memory_space<hbm>>
    tpu.wait_indirect_dma semaphore(%arg11 : memref<!tpu.dma_semaphore, #tpu.memory_space<semaphore_mem>>) src(%dma_wait3A_62 : memref<8192x128xf32, #tpu.memory_space<hbm>>) dst(%arg7 : memref<480x128xf32, #tpu.memory_space<vmem>>)
    %add3A_63 = arith.constant 960 : i32
    %add3A_64 = arith.addi %mul3A_2, %add3A_63 : i32
    %dma_start3A_65 = arith.constant 0 : i32
    %dma_start3A_66 = tpu.memref_slice %arg4[%add3A_64, %dma_start3A_65] : memref<122880x128xf32, #tpu.memory_space<hbm>> -> memref<480x128xf32, #tpu.memory_space<hbm>>
    %dma_start3A_67 = arith.constant 0 : i32
    %dma_start3A_68 = tpu.memref_slice %arg4[%add3A_64, %dma_start3A_67] : memref<122880x128xf32, #tpu.memory_space<hbm>> -> memref<480x128xf32, #tpu.memory_space<hbm>>
    tpu.enqueue_dma source(%arg7 : memref<480x128xf32, #tpu.memory_space<vmem>>) target(%dma_start3A_68 : memref<480x128xf32, #tpu.memory_space<hbm>>) target_semaphore(%arg12 : memref<!tpu.dma_semaphore, #tpu.memory_space<semaphore_mem>>)
    %add3A_69 = arith.constant 1920 : i32
    %add3A_70 = arith.addi %mul3A_2, %add3A_69 : i32
    %dma_start3A_71 = tpu.memref_slice %arg3[%add3A_70] : memref<122880xi32, #tpu.memory_space<hbm>> -> memref<480xi32, #tpu.memory_space<hbm>>
    %dma_start3A_72 = tpu.memref_slice %arg3[%add3A_70] : memref<122880xi32, #tpu.memory_space<hbm>> -> memref<480xi32, #tpu.memory_space<hbm>>
    tpu.enqueue_dma source(%dma_start3A_72 : memref<480xi32, #tpu.memory_space<hbm>>) target(%arg5 : memref<480xi32, #tpu.memory_space<vmem>>) target_semaphore(%arg9 : memref<!tpu.dma_semaphore, #tpu.memory_space<semaphore_mem>>)
    %add3A_73 = arith.constant 1440 : i32
    %add3A_74 = arith.addi %mul3A_2, %add3A_73 : i32
    %dma_wait3A_75 = tpu.memref_slice %arg3[%add3A_74] : memref<122880xi32, #tpu.memory_space<hbm>> -> memref<480xi32, #tpu.memory_space<hbm>>
    %dma_wait3A_76 = tpu.memref_slice %arg3[%add3A_74] : memref<122880xi32, #tpu.memory_space<hbm>> -> memref<480xi32, #tpu.memory_space<hbm>>
    tpu.wait_dma2 semaphore(%arg10 : memref<!tpu.dma_semaphore, #tpu.memory_space<semaphore_mem>>) src(%dma_wait3A_76 : memref<480xi32, #tpu.memory_space<hbm>>) dst(%arg6 : memref<480xi32, #tpu.memory_space<vmem>>)
    %add3A_77 = arith.constant 480 : i32
    %add3A_78 = arith.addi %mul3A_2, %add3A_77 : i32
    %dma_wait3A_79 = arith.constant 0 : i32
    %dma_wait3A_80 = tpu.memref_slice %arg4[%add3A_78, %dma_wait3A_79] : memref<122880x128xf32, #tpu.memory_space<hbm>> -> memref<480x128xf32, #tpu.memory_space<hbm>>
    %dma_wait3A_81 = arith.constant 0 : i32
    %dma_wait3A_82 = tpu.memref_slice %arg4[%add3A_78, %dma_wait3A_81] : memref<122880x128xf32, #tpu.memory_space<hbm>> -> memref<480x128xf32, #tpu.memory_space<hbm>>
    tpu.wait_dma2 semaphore(%arg13 : memref<!tpu.dma_semaphore, #tpu.memory_space<semaphore_mem>>) src(%arg8 : memref<480x128xf32, #tpu.memory_space<vmem>>) dst(%dma_wait3A_82 : memref<480x128xf32, #tpu.memory_space<hbm>>)
    %dma_start3A_83 = arith.constant 0 : i32
    %dma_start3A_84 = arith.constant 0 : i32
    %dma_start3A_85 = tpu.memref_slice %arg2[%dma_start3A_83, %dma_start3A_84] : memref<8192x128xf32, #tpu.memory_space<hbm>> -> memref<8192x128xf32, #tpu.memory_space<hbm>>
    tpu.enqueue_indirect_dma source(%dma_start3A_85 : memref<8192x128xf32, #tpu.memory_space<hbm>>) target(%arg8 : memref<480x128xf32, #tpu.memory_space<vmem>>) offsets(%arg6 : memref<480xi32, #tpu.memory_space<vmem>>) semaphore(%arg11 : memref<!tpu.dma_semaphore, #tpu.memory_space<semaphore_mem>>)
    %dma_wait3A_86 = arith.constant 0 : i32
    %dma_wait3A_87 = arith.constant 0 : i32
    %dma_wait3A_88 = tpu.memref_slice %arg2[%dma_wait3A_86, %dma_wait3A_87] : memref<8192x128xf32, #tpu.memory_space<hbm>> -> memref<8192x128xf32, #tpu.memory_space<hbm>>
    tpu.wait_indirect_dma semaphore(%arg11 : memref<!tpu.dma_semaphore, #tpu.memory_space<semaphore_mem>>) src(%dma_wait3A_88 : memref<8192x128xf32, #tpu.memory_space<hbm>>) dst(%arg8 : memref<480x128xf32, #tpu.memory_space<vmem>>)
    %add3A_89 = arith.constant 1440 : i32
    %add3A_90 = arith.addi %mul3A_2, %add3A_89 : i32
    %dma_start3A_91 = arith.constant 0 : i32
    %dma_start3A_92 = tpu.memref_slice %arg4[%add3A_90, %dma_start3A_91] : memref<122880x128xf32, #tpu.memory_space<hbm>> -> memref<480x128xf32, #tpu.memory_space<hbm>>
    %dma_start3A_93 = arith.constant 0 : i32
    %dma_start3A_94 = tpu.memref_slice %arg4[%add3A_90, %dma_start3A_93] : memref<122880x128xf32, #tpu.memory_space<hbm>> -> memref<480x128xf32, #tpu.memory_space<hbm>>
    tpu.enqueue_dma source(%arg8 : memref<480x128xf32, #tpu.memory_space<vmem>>) target(%dma_start3A_94 : memref<480x128xf32, #tpu.memory_space<hbm>>) target_semaphore(%arg13 : memref<!tpu.dma_semaphore, #tpu.memory_space<semaphore_mem>>)
    %add3A_95 = arith.constant 2400 : i32
    %add3A_96 = arith.addi %mul3A_2, %add3A_95 : i32
    %dma_start3A_97 = tpu.memref_slice %arg3[%add3A_96] : memref<122880xi32, #tpu.memory_space<hbm>> -> memref<480xi32, #tpu.memory_space<hbm>>
    %dma_start3A_98 = tpu.memref_slice %arg3[%add3A_96] : memref<122880xi32, #tpu.memory_space<hbm>> -> memref<480xi32, #tpu.memory_space<hbm>>
    tpu.enqueue_dma source(%dma_start3A_98 : memref<480xi32, #tpu.memory_space<hbm>>) target(%arg6 : memref<480xi32, #tpu.memory_space<vmem>>) target_semaphore(%arg10 : memref<!tpu.dma_semaphore, #tpu.memory_space<semaphore_mem>>)
    %add3A_99 = arith.constant 1920 : i32
    %add3A_100 = arith.addi %mul3A_2, %add3A_99 : i32
    %dma_wait3A_101 = tpu.memref_slice %arg3[%add3A_100] : memref<122880xi32, #tpu.memory_space<hbm>> -> memref<480xi32, #tpu.memory_space<hbm>>
    %dma_wait3A_102 = tpu.memref_slice %arg3[%add3A_100] : memref<122880xi32, #tpu.memory_space<hbm>> -> memref<480xi32, #tpu.memory_space<hbm>>
    tpu.wait_dma2 semaphore(%arg9 : memref<!tpu.dma_semaphore, #tpu.memory_space<semaphore_mem>>) src(%dma_wait3A_102 : memref<480xi32, #tpu.memory_space<hbm>>) dst(%arg5 : memref<480xi32, #tpu.memory_space<vmem>>)
    %add3A_103 = arith.constant 960 : i32
    %add3A_104 = arith.addi %mul3A_2, %add3A_103 : i32
    %dma_wait3A_105 = arith.constant 0 : i32
    %dma_wait3A_106 = tpu.memref_slice %arg4[%add3A_104, %dma_wait3A_105] : memref<122880x128xf32, #tpu.memory_space<hbm>> -> memref<480x128xf32, #tpu.memory_space<hbm>>
    %dma_wait3A_107 = arith.constant 0 : i32
    %dma_wait3A_108 = tpu.memref_slice %arg4[%add3A_104, %dma_wait3A_107] : memref<122880x128xf32, #tpu.memory_space<hbm>> -> memref<480x128xf32, #tpu.memory_space<hbm>>
    tpu.wait_dma2 semaphore(%arg12 : memref<!tpu.dma_semaphore, #tpu.memory_space<semaphore_mem>>) src(%arg7 : memref<480x128xf32, #tpu.memory_space<vmem>>) dst(%dma_wait3A_108 : memref<480x128xf32, #tpu.memory_space<hbm>>)
    %dma_start3A_109 = arith.constant 0 : i32
    %dma_start3A_110 = arith.constant 0 : i32
    %dma_start3A_111 = tpu.memref_slice %arg2[%dma_start3A_109, %dma_start3A_110] : memref<8192x128xf32, #tpu.memory_space<hbm>> -> memref<8192x128xf32, #tpu.memory_space<hbm>>
    tpu.enqueue_indirect_dma source(%dma_start3A_111 : memref<8192x128xf32, #tpu.memory_space<hbm>>) target(%arg7 : memref<480x128xf32, #tpu.memory_space<vmem>>) offsets(%arg5 : memref<480xi32, #tpu.memory_space<vmem>>) semaphore(%arg11 : memref<!tpu.dma_semaphore, #tpu.memory_space<semaphore_mem>>)
    %dma_wait3A_112 = arith.constant 0 : i32
    %dma_wait3A_113 = arith.constant 0 : i32
    %dma_wait3A_114 = tpu.memref_slice %arg2[%dma_wait3A_112, %dma_wait3A_113] : memref<8192x128xf32, #tpu.memory_space<hbm>> -> memref<8192x128xf32, #tpu.memory_space<hbm>>
    tpu.wait_indirect_dma semaphore(%arg11 : memref<!tpu.dma_semaphore, #tpu.memory_space<semaphore_mem>>) src(%dma_wait3A_114 : memref<8192x128xf32, #tpu.memory_space<hbm>>) dst(%arg7 : memref<480x128xf32, #tpu.memory_space<vmem>>)
    %add3A_115 = arith.constant 1920 : i32
    %add3A_116 = arith.addi %mul3A_2, %add3A_115 : i32
    %dma_start3A_117 = arith.constant 0 : i32
    %dma_start3A_118 = tpu.memref_slice %arg4[%add3A_116, %dma_start3A_117] : memref<122880x128xf32, #tpu.memory_space<hbm>> -> memref<480x128xf32, #tpu.memory_space<hbm>>
    %dma_start3A_119 = arith.constant 0 : i32
    %dma_start3A_120 = tpu.memref_slice %arg4[%add3A_116, %dma_start3A_119] : memref<122880x128xf32, #tpu.memory_space<hbm>> -> memref<480x128xf32, #tpu.memory_space<hbm>>
    tpu.enqueue_dma source(%arg7 : memref<480x128xf32, #tpu.memory_space<vmem>>) target(%dma_start3A_120 : memref<480x128xf32, #tpu.memory_space<hbm>>) target_semaphore(%arg12 : memref<!tpu.dma_semaphore, #tpu.memory_space<semaphore_mem>>)
    %add3A_121 = arith.constant 2880 : i32
    %add3A_122 = arith.addi %mul3A_2, %add3A_121 : i32
    %dma_start3A_123 = tpu.memref_slice %arg3[%add3A_122] : memref<122880xi32, #tpu.memory_space<hbm>> -> memref<480xi32, #tpu.memory_space<hbm>>
    %dma_start3A_124 = tpu.memref_slice %arg3[%add3A_122] : memref<122880xi32, #tpu.memory_space<hbm>> -> memref<480xi32, #tpu.memory_space<hbm>>
    tpu.enqueue_dma source(%dma_start3A_124 : memref<480xi32, #tpu.memory_space<hbm>>) target(%arg5 : memref<480xi32, #tpu.memory_space<vmem>>) target_semaphore(%arg9 : memref<!tpu.dma_semaphore, #tpu.memory_space<semaphore_mem>>)
    %add3A_125 = arith.constant 2400 : i32
    %add3A_126 = arith.addi %mul3A_2, %add3A_125 : i32
    %dma_wait3A_127 = tpu.memref_slice %arg3[%add3A_126] : memref<122880xi32, #tpu.memory_space<hbm>> -> memref<480xi32, #tpu.memory_space<hbm>>
    %dma_wait3A_128 = tpu.memref_slice %arg3[%add3A_126] : memref<122880xi32, #tpu.memory_space<hbm>> -> memref<480xi32, #tpu.memory_space<hbm>>
    tpu.wait_dma2 semaphore(%arg10 : memref<!tpu.dma_semaphore, #tpu.memory_space<semaphore_mem>>) src(%dma_wait3A_128 : memref<480xi32, #tpu.memory_space<hbm>>) dst(%arg6 : memref<480xi32, #tpu.memory_space<vmem>>)
    %add3A_129 = arith.constant 1440 : i32
    %add3A_130 = arith.addi %mul3A_2, %add3A_129 : i32
    %dma_wait3A_131 = arith.constant 0 : i32
    %dma_wait3A_132 = tpu.memref_slice %arg4[%add3A_130, %dma_wait3A_131] : memref<122880x128xf32, #tpu.memory_space<hbm>> -> memref<480x128xf32, #tpu.memory_space<hbm>>
    %dma_wait3A_133 = arith.constant 0 : i32
    %dma_wait3A_134 = tpu.memref_slice %arg4[%add3A_130, %dma_wait3A_133] : memref<122880x128xf32, #tpu.memory_space<hbm>> -> memref<480x128xf32, #tpu.memory_space<hbm>>
    tpu.wait_dma2 semaphore(%arg13 : memref<!tpu.dma_semaphore, #tpu.memory_space<semaphore_mem>>) src(%arg8 : memref<480x128xf32, #tpu.memory_space<vmem>>) dst(%dma_wait3A_134 : memref<480x128xf32, #tpu.memory_space<hbm>>)
    %dma_start3A_135 = arith.constant 0 : i32
    %dma_start3A_136 = arith.constant 0 : i32
    %dma_start3A_137 = tpu.memref_slice %arg2[%dma_start3A_135, %dma_start3A_136] : memref<8192x128xf32, #tpu.memory_space<hbm>> -> memref<8192x128xf32, #tpu.memory_space<hbm>>
    tpu.enqueue_indirect_dma source(%dma_start3A_137 : memref<8192x128xf32, #tpu.memory_space<hbm>>) target(%arg8 : memref<480x128xf32, #tpu.memory_space<vmem>>) offsets(%arg6 : memref<480xi32, #tpu.memory_space<vmem>>) semaphore(%arg11 : memref<!tpu.dma_semaphore, #tpu.memory_space<semaphore_mem>>)
    %dma_wait3A_138 = arith.constant 0 : i32
    %dma_wait3A_139 = arith.constant 0 : i32
    %dma_wait3A_140 = tpu.memref_slice %arg2[%dma_wait3A_138, %dma_wait3A_139] : memref<8192x128xf32, #tpu.memory_space<hbm>> -> memref<8192x128xf32, #tpu.memory_space<hbm>>
    tpu.wait_indirect_dma semaphore(%arg11 : memref<!tpu.dma_semaphore, #tpu.memory_space<semaphore_mem>>) src(%dma_wait3A_140 : memref<8192x128xf32, #tpu.memory_space<hbm>>) dst(%arg8 : memref<480x128xf32, #tpu.memory_space<vmem>>)
    %add3A_141 = arith.constant 2400 : i32
    %add3A_142 = arith.addi %mul3A_2, %add3A_141 : i32
    %dma_start3A_143 = arith.constant 0 : i32
    %dma_start3A_144 = tpu.memref_slice %arg4[%add3A_142, %dma_start3A_143] : memref<122880x128xf32, #tpu.memory_space<hbm>> -> memref<480x128xf32, #tpu.memory_space<hbm>>
    %dma_start3A_145 = arith.constant 0 : i32
    %dma_start3A_146 = tpu.memref_slice %arg4[%add3A_142, %dma_start3A_145] : memref<122880x128xf32, #tpu.memory_space<hbm>> -> memref<480x128xf32, #tpu.memory_space<hbm>>
    tpu.enqueue_dma source(%arg8 : memref<480x128xf32, #tpu.memory_space<vmem>>) target(%dma_start3A_146 : memref<480x128xf32, #tpu.memory_space<hbm>>) target_semaphore(%arg13 : memref<!tpu.dma_semaphore, #tpu.memory_space<semaphore_mem>>)
    %add3A_147 = arith.constant 3360 : i32
    %add3A_148 = arith.addi %mul3A_2, %add3A_147 : i32
    %dma_start3A_149 = tpu.memref_slice %arg3[%add3A_148] : memref<122880xi32, #tpu.memory_space<hbm>> -> memref<480xi32, #tpu.memory_space<hbm>>
    %dma_start3A_150 = tpu.memref_slice %arg3[%add3A_148] : memref<122880xi32, #tpu.memory_space<hbm>> -> memref<480xi32, #tpu.memory_space<hbm>>
    tpu.enqueue_dma source(%dma_start3A_150 : memref<480xi32, #tpu.memory_space<hbm>>) target(%arg6 : memref<480xi32, #tpu.memory_space<vmem>>) target_semaphore(%arg10 : memref<!tpu.dma_semaphore, #tpu.memory_space<semaphore_mem>>)
    %add3A_151 = arith.constant 2880 : i32
    %add3A_152 = arith.addi %mul3A_2, %add3A_151 : i32
    %dma_wait3A_153 = tpu.memref_slice %arg3[%add3A_152] : memref<122880xi32, #tpu.memory_space<hbm>> -> memref<480xi32, #tpu.memory_space<hbm>>
    %dma_wait3A_154 = tpu.memref_slice %arg3[%add3A_152] : memref<122880xi32, #tpu.memory_space<hbm>> -> memref<480xi32, #tpu.memory_space<hbm>>
    tpu.wait_dma2 semaphore(%arg9 : memref<!tpu.dma_semaphore, #tpu.memory_space<semaphore_mem>>) src(%dma_wait3A_154 : memref<480xi32, #tpu.memory_space<hbm>>) dst(%arg5 : memref<480xi32, #tpu.memory_space<vmem>>)
    %add3A_155 = arith.constant 1920 : i32
    %add3A_156 = arith.addi %mul3A_2, %add3A_155 : i32
    %dma_wait3A_157 = arith.constant 0 : i32
    %dma_wait3A_158 = tpu.memref_slice %arg4[%add3A_156, %dma_wait3A_157] : memref<122880x128xf32, #tpu.memory_space<hbm>> -> memref<480x128xf32, #tpu.memory_space<hbm>>
    %dma_wait3A_159 = arith.constant 0 : i32
    %dma_wait3A_160 = tpu.memref_slice %arg4[%add3A_156, %dma_wait3A_159] : memref<122880x128xf32, #tpu.memory_space<hbm>> -> memref<480x128xf32, #tpu.memory_space<hbm>>
    tpu.wait_dma2 semaphore(%arg12 : memref<!tpu.dma_semaphore, #tpu.memory_space<semaphore_mem>>) src(%arg7 : memref<480x128xf32, #tpu.memory_space<vmem>>) dst(%dma_wait3A_160 : memref<480x128xf32, #tpu.memory_space<hbm>>)
    %dma_start3A_161 = arith.constant 0 : i32
    %dma_start3A_162 = arith.constant 0 : i32
    %dma_start3A_163 = tpu.memref_slice %arg2[%dma_start3A_161, %dma_start3A_162] : memref<8192x128xf32, #tpu.memory_space<hbm>> -> memref<8192x128xf32, #tpu.memory_space<hbm>>
    tpu.enqueue_indirect_dma source(%dma_start3A_163 : memref<8192x128xf32, #tpu.memory_space<hbm>>) target(%arg7 : memref<480x128xf32, #tpu.memory_space<vmem>>) offsets(%arg5 : memref<480xi32, #tpu.memory_space<vmem>>) semaphore(%arg11 : memref<!tpu.dma_semaphore, #tpu.memory_space<semaphore_mem>>)
    %dma_wait3A_164 = arith.constant 0 : i32
    %dma_wait3A_165 = arith.constant 0 : i32
    %dma_wait3A_166 = tpu.memref_slice %arg2[%dma_wait3A_164, %dma_wait3A_165] : memref<8192x128xf32, #tpu.memory_space<hbm>> -> memref<8192x128xf32, #tpu.memory_space<hbm>>
    tpu.wait_indirect_dma semaphore(%arg11 : memref<!tpu.dma_semaphore, #tpu.memory_space<semaphore_mem>>) src(%dma_wait3A_166 : memref<8192x128xf32, #tpu.memory_space<hbm>>) dst(%arg7 : memref<480x128xf32, #tpu.memory_space<vmem>>)
    %add3A_167 = arith.constant 2880 : i32
    %add3A_168 = arith.addi %mul3A_2, %add3A_167 : i32
    %dma_start3A_169 = arith.constant 0 : i32
    %dma_start3A_170 = tpu.memref_slice %arg4[%add3A_168, %dma_start3A_169] : memref<122880x128xf32, #tpu.memory_space<hbm>> -> memref<480x128xf32, #tpu.memory_space<hbm>>
    %dma_start3A_171 = arith.constant 0 : i32
    %dma_start3A_172 = tpu.memref_slice %arg4[%add3A_168, %dma_start3A_171] : memref<122880x128xf32, #tpu.memory_space<hbm>> -> memref<480x128xf32, #tpu.memory_space<hbm>>
    tpu.enqueue_dma source(%arg7 : memref<480x128xf32, #tpu.memory_space<vmem>>) target(%dma_start3A_172 : memref<480x128xf32, #tpu.memory_space<hbm>>) target_semaphore(%arg12 : memref<!tpu.dma_semaphore, #tpu.memory_space<semaphore_mem>>)
    %add3A_173 = arith.constant 3360 : i32
    %add3A_174 = arith.addi %mul3A_2, %add3A_173 : i32
    %dma_wait3A_175 = tpu.memref_slice %arg3[%add3A_174] : memref<122880xi32, #tpu.memory_space<hbm>> -> memref<480xi32, #tpu.memory_space<hbm>>
    %dma_wait3A_176 = tpu.memref_slice %arg3[%add3A_174] : memref<122880xi32, #tpu.memory_space<hbm>> -> memref<480xi32, #tpu.memory_space<hbm>>
    tpu.wait_dma2 semaphore(%arg10 : memref<!tpu.dma_semaphore, #tpu.memory_space<semaphore_mem>>) src(%dma_wait3A_176 : memref<480xi32, #tpu.memory_space<hbm>>) dst(%arg6 : memref<480xi32, #tpu.memory_space<vmem>>)
    %add3A_177 = arith.constant 2400 : i32
    %add3A_178 = arith.addi %mul3A_2, %add3A_177 : i32
    %dma_wait3A_179 = arith.constant 0 : i32
    %dma_wait3A_180 = tpu.memref_slice %arg4[%add3A_178, %dma_wait3A_179] : memref<122880x128xf32, #tpu.memory_space<hbm>> -> memref<480x128xf32, #tpu.memory_space<hbm>>
    %dma_wait3A_181 = arith.constant 0 : i32
    %dma_wait3A_182 = tpu.memref_slice %arg4[%add3A_178, %dma_wait3A_181] : memref<122880x128xf32, #tpu.memory_space<hbm>> -> memref<480x128xf32, #tpu.memory_space<hbm>>
    tpu.wait_dma2 semaphore(%arg13 : memref<!tpu.dma_semaphore, #tpu.memory_space<semaphore_mem>>) src(%arg8 : memref<480x128xf32, #tpu.memory_space<vmem>>) dst(%dma_wait3A_182 : memref<480x128xf32, #tpu.memory_space<hbm>>)
    %dma_start3A_183 = arith.constant 0 : i32
    %dma_start3A_184 = arith.constant 0 : i32
    %dma_start3A_185 = tpu.memref_slice %arg2[%dma_start3A_183, %dma_start3A_184] : memref<8192x128xf32, #tpu.memory_space<hbm>> -> memref<8192x128xf32, #tpu.memory_space<hbm>>
    tpu.enqueue_indirect_dma source(%dma_start3A_185 : memref<8192x128xf32, #tpu.memory_space<hbm>>) target(%arg8 : memref<480x128xf32, #tpu.memory_space<vmem>>) offsets(%arg6 : memref<480xi32, #tpu.memory_space<vmem>>) semaphore(%arg11 : memref<!tpu.dma_semaphore, #tpu.memory_space<semaphore_mem>>)
    %dma_wait3A_186 = arith.constant 0 : i32
    %dma_wait3A_187 = arith.constant 0 : i32
    %dma_wait3A_188 = tpu.memref_slice %arg2[%dma_wait3A_186, %dma_wait3A_187] : memref<8192x128xf32, #tpu.memory_space<hbm>> -> memref<8192x128xf32, #tpu.memory_space<hbm>>
    tpu.wait_indirect_dma semaphore(%arg11 : memref<!tpu.dma_semaphore, #tpu.memory_space<semaphore_mem>>) src(%dma_wait3A_188 : memref<8192x128xf32, #tpu.memory_space<hbm>>) dst(%arg8 : memref<480x128xf32, #tpu.memory_space<vmem>>)
    %add3A_189 = arith.constant 3360 : i32
    %add3A_190 = arith.addi %mul3A_2, %add3A_189 : i32
    %dma_start3A_191 = arith.constant 0 : i32
    %dma_start3A_192 = tpu.memref_slice %arg4[%add3A_190, %dma_start3A_191] : memref<122880x128xf32, #tpu.memory_space<hbm>> -> memref<480x128xf32, #tpu.memory_space<hbm>>
    %dma_start3A_193 = arith.constant 0 : i32
    %dma_start3A_194 = tpu.memref_slice %arg4[%add3A_190, %dma_start3A_193] : memref<122880x128xf32, #tpu.memory_space<hbm>> -> memref<480x128xf32, #tpu.memory_space<hbm>>
    tpu.enqueue_dma source(%arg8 : memref<480x128xf32, #tpu.memory_space<vmem>>) target(%dma_start3A_194 : memref<480x128xf32, #tpu.memory_space<hbm>>) target_semaphore(%arg13 : memref<!tpu.dma_semaphore, #tpu.memory_space<semaphore_mem>>)
    %add3A_195 = arith.constant 2880 : i32
    %add3A_196 = arith.addi %mul3A_2, %add3A_195 : i32
    %dma_wait3A_197 = arith.constant 0 : i32
    %dma_wait3A_198 = tpu.memref_slice %arg4[%add3A_196, %dma_wait3A_197] : memref<122880x128xf32, #tpu.memory_space<hbm>> -> memref<480x128xf32, #tpu.memory_space<hbm>>
    %dma_wait3A_199 = arith.constant 0 : i32
    %dma_wait3A_200 = tpu.memref_slice %arg4[%add3A_196, %dma_wait3A_199] : memref<122880x128xf32, #tpu.memory_space<hbm>> -> memref<480x128xf32, #tpu.memory_space<hbm>>
    tpu.wait_dma2 semaphore(%arg12 : memref<!tpu.dma_semaphore, #tpu.memory_space<semaphore_mem>>) src(%arg7 : memref<480x128xf32, #tpu.memory_space<vmem>>) dst(%dma_wait3A_200 : memref<480x128xf32, #tpu.memory_space<hbm>>)
    %add3A_201 = arith.constant 3360 : i32
    %add3A_202 = arith.addi %mul3A_2, %add3A_201 : i32
    %dma_wait3A_203 = arith.constant 0 : i32
    %dma_wait3A_204 = tpu.memref_slice %arg4[%add3A_202, %dma_wait3A_203] : memref<122880x128xf32, #tpu.memory_space<hbm>> -> memref<480x128xf32, #tpu.memory_space<hbm>>
    %dma_wait3A_205 = arith.constant 0 : i32
    %dma_wait3A_206 = tpu.memref_slice %arg4[%add3A_202, %dma_wait3A_205] : memref<122880x128xf32, #tpu.memory_space<hbm>> -> memref<480x128xf32, #tpu.memory_space<hbm>>
    tpu.wait_dma2 semaphore(%arg13 : memref<!tpu.dma_semaphore, #tpu.memory_space<semaphore_mem>>) src(%arg8 : memref<480x128xf32, #tpu.memory_space<vmem>>) dst(%dma_wait3A_206 : memref<480x128xf32, #tpu.memory_space<hbm>>)
    return
  }
}

#map = affine_map<(d0, d1) -> (0, 0)>
#map1 = affine_map<(d0, d1) -> (0)>
module attributes {stable_mosaic.version = 14 : i64} {
  func.func @k(%arg0: i32, %arg1: i32, %arg2: memref<8192x128xf32, #tpu.memory_space<hbm>>, %arg3: memref<122880xi32, #tpu.memory_space<hbm>>, %arg4: memref<122880x128xf32, #tpu.memory_space<hbm>>, %arg5: memref<480xi32, #tpu.memory_space<vmem>>, %arg6: memref<480xi32, #tpu.memory_space<vmem>>, %arg7: memref<480x128xf32, #tpu.memory_space<vmem>>, %arg8: memref<480x128xf32, #tpu.memory_space<vmem>>, %arg9: memref<!tpu.dma_semaphore, #tpu.memory_space<semaphore_mem>>, %arg10: memref<!tpu.dma_semaphore, #tpu.memory_space<semaphore_mem>>, %arg11: memref<!tpu.dma_semaphore, #tpu.memory_space<semaphore_mem>>, %arg12: memref<!tpu.dma_semaphore, #tpu.memory_space<semaphore_mem>>, %arg13: memref<!tpu.dma_semaphore, #tpu.memory_space<semaphore_mem>>) attributes {dimension_semantics = [#tpu.dimension_semantics<core_parallel>, #tpu.dimension_semantics<subcore_parallel>], iteration_bounds = array<i64: 2, 16>, scalar_prefetch = 0 : i64, scratch_operands = 9 : i64, tpu.core_type = #tpu.core_type<sc_vector_subcore>, window_params = [{transform_indices = #map}, {transform_indices = #map1}, {transform_indices = #map}]} {
    %mul3A = arith.constant 2 : i32
    %mul3A_0 = arith.muli %arg1, %mul3A : i32
    %add3A = arith.addi %mul3A_0, %arg0 : i32
    %mul3A_1 = arith.constant 3840 : i32
    %mul3A_2 = arith.muli %add3A, %mul3A_1 : i32
    %dma_start3A = tpu.memref_slice %arg3[%mul3A_2] : memref<122880xi32, #tpu.memory_space<hbm>> -> memref<480xi32, #tpu.memory_space<hbm>>
    %dma_start3A_3 = tpu.memref_slice %arg3[%mul3A_2] : memref<122880xi32, #tpu.memory_space<hbm>> -> memref<480xi32, #tpu.memory_space<hbm>>
    tpu.enqueue_dma source(%dma_start3A_3 : memref<480xi32, #tpu.memory_space<hbm>>) target(%arg5 : memref<480xi32, #tpu.memory_space<vmem>>) target_semaphore(%arg9 : memref<!tpu.dma_semaphore, #tpu.memory_space<semaphore_mem>>)
    %add3A_4 = arith.constant 480 : i32
    %add3A_5 = arith.addi %mul3A_2, %add3A_4 : i32
    %dma_start3A_6 = tpu.memref_slice %arg3[%add3A_5] : memref<122880xi32, #tpu.memory_space<hbm>> -> memref<480xi32, #tpu.memory_space<hbm>>
    %dma_start3A_7 = tpu.memref_slice %arg3[%add3A_5] : memref<122880xi32, #tpu.memory_space<hbm>> -> memref<480xi32, #tpu.memory_space<hbm>>
    tpu.enqueue_dma source(%dma_start3A_7 : memref<480xi32, #tpu.memory_space<hbm>>) target(%arg6 : memref<480xi32, #tpu.memory_space<vmem>>) target_semaphore(%arg10 : memref<!tpu.dma_semaphore, #tpu.memory_space<semaphore_mem>>)
    %add3A_8 = arith.constant 0 : i32
    %add3A_9 = arith.addi %mul3A_2, %add3A_8 : i32
    %dma_wait3A = tpu.memref_slice %arg3[%add3A_9] : memref<122880xi32, #tpu.memory_space<hbm>> -> memref<480xi32, #tpu.memory_space<hbm>>
    %dma_wait3A_10 = tpu.memref_slice %arg3[%add3A_9] : memref<122880xi32, #tpu.memory_space<hbm>> -> memref<480xi32, #tpu.memory_space<hbm>>
    tpu.wait_dma2 semaphore(%arg9 : memref<!tpu.dma_semaphore, #tpu.memory_space<semaphore_mem>>) src(%dma_wait3A_10 : memref<480xi32, #tpu.memory_space<hbm>>) dst(%arg5 : memref<480xi32, #tpu.memory_space<vmem>>)
    %dma_start3A_11 = arith.constant 0 : i32
    %dma_start3A_12 = arith.constant 0 : i32
    %dma_start3A_13 = tpu.memref_slice %arg2[%dma_start3A_11, %dma_start3A_12] : memref<8192x128xf32, #tpu.memory_space<hbm>> -> memref<8192x128xf32, #tpu.memory_space<hbm>>
    tpu.enqueue_indirect_dma source(%dma_start3A_13 : memref<8192x128xf32, #tpu.memory_space<hbm>>) target(%arg7 : memref<480x128xf32, #tpu.memory_space<vmem>>) offsets(%arg5 : memref<480xi32, #tpu.memory_space<vmem>>) semaphore(%arg11 : memref<!tpu.dma_semaphore, #tpu.memory_space<semaphore_mem>>)
    %dma_wait3A_14 = arith.constant 0 : i32
    %dma_wait3A_15 = arith.constant 0 : i32
    %dma_wait3A_16 = tpu.memref_slice %arg2[%dma_wait3A_14, %dma_wait3A_15] : memref<8192x128xf32, #tpu.memory_space<hbm>> -> memref<8192x128xf32, #tpu.memory_space<hbm>>
    tpu.wait_indirect_dma semaphore(%arg11 : memref<!tpu.dma_semaphore, #tpu.memory_space<semaphore_mem>>) src(%dma_wait3A_16 : memref<8192x128xf32, #tpu.memory_space<hbm>>) dst(%arg7 : memref<480x128xf32, #tpu.memory_space<vmem>>)
    %add3A_17 = arith.constant 0 : i32
    %add3A_18 = arith.addi %mul3A_2, %add3A_17 : i32
    %dma_start3A_19 = arith.constant 0 : i32
    %dma_start3A_20 = tpu.memref_slice %arg4[%add3A_18, %dma_start3A_19] : memref<122880x128xf32, #tpu.memory_space<hbm>> -> memref<480x128xf32, #tpu.memory_space<hbm>>
    %dma_start3A_21 = arith.constant 0 : i32
    %dma_start3A_22 = tpu.memref_slice %arg4[%add3A_18, %dma_start3A_21] : memref<122880x128xf32, #tpu.memory_space<hbm>> -> memref<480x128xf32, #tpu.memory_space<hbm>>
    tpu.enqueue_dma source(%arg7 : memref<480x128xf32, #tpu.memory_space<vmem>>) target(%dma_start3A_22 : memref<480x128xf32, #tpu.memory_space<hbm>>) target_semaphore(%arg12 : memref<!tpu.dma_semaphore, #tpu.memory_space<semaphore_mem>>)
    %add3A_23 = arith.constant 960 : i32
    %add3A_24 = arith.addi %mul3A_2, %add3A_23 : i32
    %dma_start3A_25 = tpu.memref_slice %arg3[%add3A_24] : memref<122880xi32, #tpu.memory_space<hbm>> -> memref<480xi32, #tpu.memory_space<hbm>>
    %dma_start3A_26 = tpu.memref_slice %arg3[%add3A_24] : memref<122880xi32, #tpu.memory_space<hbm>> -> memref<480xi32, #tpu.memory_space<hbm>>
    tpu.enqueue_dma source(%dma_start3A_26 : memref<480xi32, #tpu.memory_space<hbm>>) target(%arg5 : memref<480xi32, #tpu.memory_space<vmem>>) target_semaphore(%arg9 : memref<!tpu.dma_semaphore, #tpu.memory_space<semaphore_mem>>)
    %add3A_27 = arith.constant 480 : i32
    %add3A_28 = arith.addi %mul3A_2, %add3A_27 : i32
    %dma_wait3A_29 = tpu.memref_slice %arg3[%add3A_28] : memref<122880xi32, #tpu.memory_space<hbm>> -> memref<480xi32, #tpu.memory_space<hbm>>
    %dma_wait3A_30 = tpu.memref_slice %arg3[%add3A_28] : memref<122880xi32, #tpu.memory_space<hbm>> -> memref<480xi32, #tpu.memory_space<hbm>>
    tpu.wait_dma2 semaphore(%arg10 : memref<!tpu.dma_semaphore, #tpu.memory_space<semaphore_mem>>) src(%dma_wait3A_30 : memref<480xi32, #tpu.memory_space<hbm>>) dst(%arg6 : memref<480xi32, #tpu.memory_space<vmem>>)
    %dma_start3A_31 = arith.constant 0 : i32
    %dma_start3A_32 = arith.constant 0 : i32
    %dma_start3A_33 = tpu.memref_slice %arg2[%dma_start3A_31, %dma_start3A_32] : memref<8192x128xf32, #tpu.memory_space<hbm>> -> memref<8192x128xf32, #tpu.memory_space<hbm>>
    tpu.enqueue_indirect_dma source(%dma_start3A_33 : memref<8192x128xf32, #tpu.memory_space<hbm>>) target(%arg8 : memref<480x128xf32, #tpu.memory_space<vmem>>) offsets(%arg6 : memref<480xi32, #tpu.memory_space<vmem>>) semaphore(%arg11 : memref<!tpu.dma_semaphore, #tpu.memory_space<semaphore_mem>>)
    %dma_wait3A_34 = arith.constant 0 : i32
    %dma_wait3A_35 = arith.constant 0 : i32
    %dma_wait3A_36 = tpu.memref_slice %arg2[%dma_wait3A_34, %dma_wait3A_35] : memref<8192x128xf32, #tpu.memory_space<hbm>> -> memref<8192x128xf32, #tpu.memory_space<hbm>>
    tpu.wait_indirect_dma semaphore(%arg11 : memref<!tpu.dma_semaphore, #tpu.memory_space<semaphore_mem>>) src(%dma_wait3A_36 : memref<8192x128xf32, #tpu.memory_space<hbm>>) dst(%arg8 : memref<480x128xf32, #tpu.memory_space<vmem>>)
    %add3A_37 = arith.constant 480 : i32
    %add3A_38 = arith.addi %mul3A_2, %add3A_37 : i32
    %dma_start3A_39 = arith.constant 0 : i32
    %dma_start3A_40 = tpu.memref_slice %arg4[%add3A_38, %dma_start3A_39] : memref<122880x128xf32, #tpu.memory_space<hbm>> -> memref<480x128xf32, #tpu.memory_space<hbm>>
    %dma_start3A_41 = arith.constant 0 : i32
    %dma_start3A_42 = tpu.memref_slice %arg4[%add3A_38, %dma_start3A_41] : memref<122880x128xf32, #tpu.memory_space<hbm>> -> memref<480x128xf32, #tpu.memory_space<hbm>>
    tpu.enqueue_dma source(%arg8 : memref<480x128xf32, #tpu.memory_space<vmem>>) target(%dma_start3A_42 : memref<480x128xf32, #tpu.memory_space<hbm>>) target_semaphore(%arg13 : memref<!tpu.dma_semaphore, #tpu.memory_space<semaphore_mem>>)
    %add3A_43 = arith.constant 1440 : i32
    %add3A_44 = arith.addi %mul3A_2, %add3A_43 : i32
    %dma_start3A_45 = tpu.memref_slice %arg3[%add3A_44] : memref<122880xi32, #tpu.memory_space<hbm>> -> memref<480xi32, #tpu.memory_space<hbm>>
    %dma_start3A_46 = tpu.memref_slice %arg3[%add3A_44] : memref<122880xi32, #tpu.memory_space<hbm>> -> memref<480xi32, #tpu.memory_space<hbm>>
    tpu.enqueue_dma source(%dma_start3A_46 : memref<480xi32, #tpu.memory_space<hbm>>) target(%arg6 : memref<480xi32, #tpu.memory_space<vmem>>) target_semaphore(%arg10 : memref<!tpu.dma_semaphore, #tpu.memory_space<semaphore_mem>>)
    %add3A_47 = arith.constant 960 : i32
    %add3A_48 = arith.addi %mul3A_2, %add3A_47 : i32
    %dma_wait3A_49 = tpu.memref_slice %arg3[%add3A_48] : memref<122880xi32, #tpu.memory_space<hbm>> -> memref<480xi32, #tpu.memory_space<hbm>>
    %dma_wait3A_50 = tpu.memref_slice %arg3[%add3A_48] : memref<122880xi32, #tpu.memory_space<hbm>> -> memref<480xi32, #tpu.memory_space<hbm>>
    tpu.wait_dma2 semaphore(%arg9 : memref<!tpu.dma_semaphore, #tpu.memory_space<semaphore_mem>>) src(%dma_wait3A_50 : memref<480xi32, #tpu.memory_space<hbm>>) dst(%arg5 : memref<480xi32, #tpu.memory_space<vmem>>)
    %add3A_51 = arith.constant 0 : i32
    %add3A_52 = arith.addi %mul3A_2, %add3A_51 : i32
    %dma_wait3A_53 = arith.constant 0 : i32
    %dma_wait3A_54 = tpu.memref_slice %arg4[%add3A_52, %dma_wait3A_53] : memref<122880x128xf32, #tpu.memory_space<hbm>> -> memref<480x128xf32, #tpu.memory_space<hbm>>
    %dma_wait3A_55 = arith.constant 0 : i32
    %dma_wait3A_56 = tpu.memref_slice %arg4[%add3A_52, %dma_wait3A_55] : memref<122880x128xf32, #tpu.memory_space<hbm>> -> memref<480x128xf32, #tpu.memory_space<hbm>>
    tpu.wait_dma2 semaphore(%arg12 : memref<!tpu.dma_semaphore, #tpu.memory_space<semaphore_mem>>) src(%arg7 : memref<480x128xf32, #tpu.memory_space<vmem>>) dst(%dma_wait3A_56 : memref<480x128xf32, #tpu.memory_space<hbm>>)
    %dma_start3A_57 = arith.constant 0 : i32
    %dma_start3A_58 = arith.constant 0 : i32
    %dma_start3A_59 = tpu.memref_slice %arg2[%dma_start3A_57, %dma_start3A_58] : memref<8192x128xf32, #tpu.memory_space<hbm>> -> memref<8192x128xf32, #tpu.memory_space<hbm>>
    tpu.enqueue_indirect_dma source(%dma_start3A_59 : memref<8192x128xf32, #tpu.memory_space<hbm>>) target(%arg7 : memref<480x128xf32, #tpu.memory_space<vmem>>) offsets(%arg5 : memref<480xi32, #tpu.memory_space<vmem>>) semaphore(%arg11 : memref<!tpu.dma_semaphore, #tpu.memory_space<semaphore_mem>>)
    %dma_wait3A_60 = arith.constant 0 : i32
    %dma_wait3A_61 = arith.constant 0 : i32
    %dma_wait3A_62 = tpu.memref_slice %arg2[%dma_wait3A_60, %dma_wait3A_61] : memref<8192x128xf32, #tpu.memory_space<hbm>> -> memref<8192x128xf32, #tpu.memory_space<hbm>>
    tpu.wait_indirect_dma semaphore(%arg11 : memref<!tpu.dma_semaphore, #tpu.memory_space<semaphore_mem>>) src(%dma_wait3A_62 : memref<8192x128xf32, #tpu.memory_space<hbm>>) dst(%arg7 : memref<480x128xf32, #tpu.memory_space<vmem>>)
    %add3A_63 = arith.constant 960 : i32
    %add3A_64 = arith.addi %mul3A_2, %add3A_63 : i32
    %dma_start3A_65 = arith.constant 0 : i32
    %dma_start3A_66 = tpu.memref_slice %arg4[%add3A_64, %dma_start3A_65] : memref<122880x128xf32, #tpu.memory_space<hbm>> -> memref<480x128xf32, #tpu.memory_space<hbm>>
    %dma_start3A_67 = arith.constant 0 : i32
    %dma_start3A_68 = tpu.memref_slice %arg4[%add3A_64, %dma_start3A_67] : memref<122880x128xf32, #tpu.memory_space<hbm>> -> memref<480x128xf32, #tpu.memory_space<hbm>>
    tpu.enqueue_dma source(%arg7 : memref<480x128xf32, #tpu.memory_space<vmem>>) target(%dma_start3A_68 : memref<480x128xf32, #tpu.memory_space<hbm>>) target_semaphore(%arg12 : memref<!tpu.dma_semaphore, #tpu.memory_space<semaphore_mem>>)
    %add3A_69 = arith.constant 1920 : i32
    %add3A_70 = arith.addi %mul3A_2, %add3A_69 : i32
    %dma_start3A_71 = tpu.memref_slice %arg3[%add3A_70] : memref<122880xi32, #tpu.memory_space<hbm>> -> memref<480xi32, #tpu.memory_space<hbm>>
    %dma_start3A_72 = tpu.memref_slice %arg3[%add3A_70] : memref<122880xi32, #tpu.memory_space<hbm>> -> memref<480xi32, #tpu.memory_space<hbm>>
    tpu.enqueue_dma source(%dma_start3A_72 : memref<480xi32, #tpu.memory_space<hbm>>) target(%arg5 : memref<480xi32, #tpu.memory_space<vmem>>) target_semaphore(%arg9 : memref<!tpu.dma_semaphore, #tpu.memory_space<semaphore_mem>>)
    %add3A_73 = arith.constant 1440 : i32
    %add3A_74 = arith.addi %mul3A_2, %add3A_73 : i32
    %dma_wait3A_75 = tpu.memref_slice %arg3[%add3A_74] : memref<122880xi32, #tpu.memory_space<hbm>> -> memref<480xi32, #tpu.memory_space<hbm>>
    %dma_wait3A_76 = tpu.memref_slice %arg3[%add3A_74] : memref<122880xi32, #tpu.memory_space<hbm>> -> memref<480xi32, #tpu.memory_space<hbm>>
    tpu.wait_dma2 semaphore(%arg10 : memref<!tpu.dma_semaphore, #tpu.memory_space<semaphore_mem>>) src(%dma_wait3A_76 : memref<480xi32, #tpu.memory_space<hbm>>) dst(%arg6 : memref<480xi32, #tpu.memory_space<vmem>>)
    %add3A_77 = arith.constant 480 : i32
    %add3A_78 = arith.addi %mul3A_2, %add3A_77 : i32
    %dma_wait3A_79 = arith.constant 0 : i32
    %dma_wait3A_80 = tpu.memref_slice %arg4[%add3A_78, %dma_wait3A_79] : memref<122880x128xf32, #tpu.memory_space<hbm>> -> memref<480x128xf32, #tpu.memory_space<hbm>>
    %dma_wait3A_81 = arith.constant 0 : i32
    %dma_wait3A_82 = tpu.memref_slice %arg4[%add3A_78, %dma_wait3A_81] : memref<122880x128xf32, #tpu.memory_space<hbm>> -> memref<480x128xf32, #tpu.memory_space<hbm>>
    tpu.wait_dma2 semaphore(%arg13 : memref<!tpu.dma_semaphore, #tpu.memory_space<semaphore_mem>>) src(%arg8 : memref<480x128xf32, #tpu.memory_space<vmem>>) dst(%dma_wait3A_82 : memref<480x128xf32, #tpu.memory_space<hbm>>)
    %dma_start3A_83 = arith.constant 0 : i32
    %dma_start3A_84 = arith.constant 0 : i32
    %dma_start3A_85 = tpu.memref_slice %arg2[%dma_start3A_83, %dma_start3A_84] : memref<8192x128xf32, #tpu.memory_space<hbm>> -> memref<8192x128xf32, #tpu.memory_space<hbm>>
    tpu.enqueue_indirect_dma source(%dma_start3A_85 : memref<8192x128xf32, #tpu.memory_space<hbm>>) target(%arg8 : memref<480x128xf32, #tpu.memory_space<vmem>>) offsets(%arg6 : memref<480xi32, #tpu.memory_space<vmem>>) semaphore(%arg11 : memref<!tpu.dma_semaphore, #tpu.memory_space<semaphore_mem>>)
    %dma_wait3A_86 = arith.constant 0 : i32
    %dma_wait3A_87 = arith.constant 0 : i32
    %dma_wait3A_88 = tpu.memref_slice %arg2[%dma_wait3A_86, %dma_wait3A_87] : memref<8192x128xf32, #tpu.memory_space<hbm>> -> memref<8192x128xf32, #tpu.memory_space<hbm>>
    tpu.wait_indirect_dma semaphore(%arg11 : memref<!tpu.dma_semaphore, #tpu.memory_space<semaphore_mem>>) src(%dma_wait3A_88 : memref<8192x128xf32, #tpu.memory_space<hbm>>) dst(%arg8 : memref<480x128xf32, #tpu.memory_space<vmem>>)
    %add3A_89 = arith.constant 1440 : i32
    %add3A_90 = arith.addi %mul3A_2, %add3A_89 : i32
    %dma_start3A_91 = arith.constant 0 : i32
    %dma_start3A_92 = tpu.memref_slice %arg4[%add3A_90, %dma_start3A_91] : memref<122880x128xf32, #tpu.memory_space<hbm>> -> memref<480x128xf32, #tpu.memory_space<hbm>>
    %dma_start3A_93 = arith.constant 0 : i32
    %dma_start3A_94 = tpu.memref_slice %arg4[%add3A_90, %dma_start3A_93] : memref<122880x128xf32, #tpu.memory_space<hbm>> -> memref<480x128xf32, #tpu.memory_space<hbm>>
    tpu.enqueue_dma source(%arg8 : memref<480x128xf32, #tpu.memory_space<vmem>>) target(%dma_start3A_94 : memref<480x128xf32, #tpu.memory_space<hbm>>) target_semaphore(%arg13 : memref<!tpu.dma_semaphore, #tpu.memory_space<semaphore_mem>>)
    %add3A_95 = arith.constant 2400 : i32
    %add3A_96 = arith.addi %mul3A_2, %add3A_95 : i32
    %dma_start3A_97 = tpu.memref_slice %arg3[%add3A_96] : memref<122880xi32, #tpu.memory_space<hbm>> -> memref<480xi32, #tpu.memory_space<hbm>>
    %dma_start3A_98 = tpu.memref_slice %arg3[%add3A_96] : memref<122880xi32, #tpu.memory_space<hbm>> -> memref<480xi32, #tpu.memory_space<hbm>>
    tpu.enqueue_dma source(%dma_start3A_98 : memref<480xi32, #tpu.memory_space<hbm>>) target(%arg6 : memref<480xi32, #tpu.memory_space<vmem>>) target_semaphore(%arg10 : memref<!tpu.dma_semaphore, #tpu.memory_space<semaphore_mem>>)
    %add3A_99 = arith.constant 1920 : i32
    %add3A_100 = arith.addi %mul3A_2, %add3A_99 : i32
    %dma_wait3A_101 = tpu.memref_slice %arg3[%add3A_100] : memref<122880xi32, #tpu.memory_space<hbm>> -> memref<480xi32, #tpu.memory_space<hbm>>
    %dma_wait3A_102 = tpu.memref_slice %arg3[%add3A_100] : memref<122880xi32, #tpu.memory_space<hbm>> -> memref<480xi32, #tpu.memory_space<hbm>>
    tpu.wait_dma2 semaphore(%arg9 : memref<!tpu.dma_semaphore, #tpu.memory_space<semaphore_mem>>) src(%dma_wait3A_102 : memref<480xi32, #tpu.memory_space<hbm>>) dst(%arg5 : memref<480xi32, #tpu.memory_space<vmem>>)
    %add3A_103 = arith.constant 960 : i32
    %add3A_104 = arith.addi %mul3A_2, %add3A_103 : i32
    %dma_wait3A_105 = arith.constant 0 : i32
    %dma_wait3A_106 = tpu.memref_slice %arg4[%add3A_104, %dma_wait3A_105] : memref<122880x128xf32, #tpu.memory_space<hbm>> -> memref<480x128xf32, #tpu.memory_space<hbm>>
    %dma_wait3A_107 = arith.constant 0 : i32
    %dma_wait3A_108 = tpu.memref_slice %arg4[%add3A_104, %dma_wait3A_107] : memref<122880x128xf32, #tpu.memory_space<hbm>> -> memref<480x128xf32, #tpu.memory_space<hbm>>
    tpu.wait_dma2 semaphore(%arg12 : memref<!tpu.dma_semaphore, #tpu.memory_space<semaphore_mem>>) src(%arg7 : memref<480x128xf32, #tpu.memory_space<vmem>>) dst(%dma_wait3A_108 : memref<480x128xf32, #tpu.memory_space<hbm>>)
    %dma_start3A_109 = arith.constant 0 : i32
    %dma_start3A_110 = arith.constant 0 : i32
    %dma_start3A_111 = tpu.memref_slice %arg2[%dma_start3A_109, %dma_start3A_110] : memref<8192x128xf32, #tpu.memory_space<hbm>> -> memref<8192x128xf32, #tpu.memory_space<hbm>>
    tpu.enqueue_indirect_dma source(%dma_start3A_111 : memref<8192x128xf32, #tpu.memory_space<hbm>>) target(%arg7 : memref<480x128xf32, #tpu.memory_space<vmem>>) offsets(%arg5 : memref<480xi32, #tpu.memory_space<vmem>>) semaphore(%arg11 : memref<!tpu.dma_semaphore, #tpu.memory_space<semaphore_mem>>)
    %dma_wait3A_112 = arith.constant 0 : i32
    %dma_wait3A_113 = arith.constant 0 : i32
    %dma_wait3A_114 = tpu.memref_slice %arg2[%dma_wait3A_112, %dma_wait3A_113] : memref<8192x128xf32, #tpu.memory_space<hbm>> -> memref<8192x128xf32, #tpu.memory_space<hbm>>
    tpu.wait_indirect_dma semaphore(%arg11 : memref<!tpu.dma_semaphore, #tpu.memory_space<semaphore_mem>>) src(%dma_wait3A_114 : memref<8192x128xf32, #tpu.memory_space<hbm>>) dst(%arg7 : memref<480x128xf32, #tpu.memory_space<vmem>>)
    %add3A_115 = arith.constant 1920 : i32
    %add3A_116 = arith.addi %mul3A_2, %add3A_115 : i32
    %dma_start3A_117 = arith.constant 0 : i32
    %dma_start3A_118 = tpu.memref_slice %arg4[%add3A_116, %dma_start3A_117] : memref<122880x128xf32, #tpu.memory_space<hbm>> -> memref<480x128xf32, #tpu.memory_space<hbm>>
    %dma_start3A_119 = arith.constant 0 : i32
    %dma_start3A_120 = tpu.memref_slice %arg4[%add3A_116, %dma_start3A_119] : memref<122880x128xf32, #tpu.memory_space<hbm>> -> memref<480x128xf32, #tpu.memory_space<hbm>>
    tpu.enqueue_dma source(%arg7 : memref<480x128xf32, #tpu.memory_space<vmem>>) target(%dma_start3A_120 : memref<480x128xf32, #tpu.memory_space<hbm>>) target_semaphore(%arg12 : memref<!tpu.dma_semaphore, #tpu.memory_space<semaphore_mem>>)
    %add3A_121 = arith.constant 2880 : i32
    %add3A_122 = arith.addi %mul3A_2, %add3A_121 : i32
    %dma_start3A_123 = tpu.memref_slice %arg3[%add3A_122] : memref<122880xi32, #tpu.memory_space<hbm>> -> memref<480xi32, #tpu.memory_space<hbm>>
    %dma_start3A_124 = tpu.memref_slice %arg3[%add3A_122] : memref<122880xi32, #tpu.memory_space<hbm>> -> memref<480xi32, #tpu.memory_space<hbm>>
    tpu.enqueue_dma source(%dma_start3A_124 : memref<480xi32, #tpu.memory_space<hbm>>) target(%arg5 : memref<480xi32, #tpu.memory_space<vmem>>) target_semaphore(%arg9 : memref<!tpu.dma_semaphore, #tpu.memory_space<semaphore_mem>>)
    %add3A_125 = arith.constant 2400 : i32
    %add3A_126 = arith.addi %mul3A_2, %add3A_125 : i32
    %dma_wait3A_127 = tpu.memref_slice %arg3[%add3A_126] : memref<122880xi32, #tpu.memory_space<hbm>> -> memref<480xi32, #tpu.memory_space<hbm>>
    %dma_wait3A_128 = tpu.memref_slice %arg3[%add3A_126] : memref<122880xi32, #tpu.memory_space<hbm>> -> memref<480xi32, #tpu.memory_space<hbm>>
    tpu.wait_dma2 semaphore(%arg10 : memref<!tpu.dma_semaphore, #tpu.memory_space<semaphore_mem>>) src(%dma_wait3A_128 : memref<480xi32, #tpu.memory_space<hbm>>) dst(%arg6 : memref<480xi32, #tpu.memory_space<vmem>>)
    %add3A_129 = arith.constant 1440 : i32
    %add3A_130 = arith.addi %mul3A_2, %add3A_129 : i32
    %dma_wait3A_131 = arith.constant 0 : i32
    %dma_wait3A_132 = tpu.memref_slice %arg4[%add3A_130, %dma_wait3A_131] : memref<122880x128xf32, #tpu.memory_space<hbm>> -> memref<480x128xf32, #tpu.memory_space<hbm>>
    %dma_wait3A_133 = arith.constant 0 : i32
    %dma_wait3A_134 = tpu.memref_slice %arg4[%add3A_130, %dma_wait3A_133] : memref<122880x128xf32, #tpu.memory_space<hbm>> -> memref<480x128xf32, #tpu.memory_space<hbm>>
    tpu.wait_dma2 semaphore(%arg13 : memref<!tpu.dma_semaphore, #tpu.memory_space<semaphore_mem>>) src(%arg8 : memref<480x128xf32, #tpu.memory_space<vmem>>) dst(%dma_wait3A_134 : memref<480x128xf32, #tpu.memory_space<hbm>>)
    %dma_start3A_135 = arith.constant 0 : i32
    %dma_start3A_136 = arith.constant 0 : i32
    %dma_start3A_137 = tpu.memref_slice %arg2[%dma_start3A_135, %dma_start3A_136] : memref<8192x128xf32, #tpu.memory_space<hbm>> -> memref<8192x128xf32, #tpu.memory_space<hbm>>
    tpu.enqueue_indirect_dma source(%dma_start3A_137 : memref<8192x128xf32, #tpu.memory_space<hbm>>) target(%arg8 : memref<480x128xf32, #tpu.memory_space<vmem>>) offsets(%arg6 : memref<480xi32, #tpu.memory_space<vmem>>) semaphore(%arg11 : memref<!tpu.dma_semaphore, #tpu.memory_space<semaphore_mem>>)
    %dma_wait3A_138 = arith.constant 0 : i32
    %dma_wait3A_139 = arith.constant 0 : i32
    %dma_wait3A_140 = tpu.memref_slice %arg2[%dma_wait3A_138, %dma_wait3A_139] : memref<8192x128xf32, #tpu.memory_space<hbm>> -> memref<8192x128xf32, #tpu.memory_space<hbm>>
    tpu.wait_indirect_dma semaphore(%arg11 : memref<!tpu.dma_semaphore, #tpu.memory_space<semaphore_mem>>) src(%dma_wait3A_140 : memref<8192x128xf32, #tpu.memory_space<hbm>>) dst(%arg8 : memref<480x128xf32, #tpu.memory_space<vmem>>)
    %add3A_141 = arith.constant 2400 : i32
    %add3A_142 = arith.addi %mul3A_2, %add3A_141 : i32
    %dma_start3A_143 = arith.constant 0 : i32
    %dma_start3A_144 = tpu.memref_slice %arg4[%add3A_142, %dma_start3A_143] : memref<122880x128xf32, #tpu.memory_space<hbm>> -> memref<480x128xf32, #tpu.memory_space<hbm>>
    %dma_start3A_145 = arith.constant 0 : i32
    %dma_start3A_146 = tpu.memref_slice %arg4[%add3A_142, %dma_start3A_145] : memref<122880x128xf32, #tpu.memory_space<hbm>> -> memref<480x128xf32, #tpu.memory_space<hbm>>
    tpu.enqueue_dma source(%arg8 : memref<480x128xf32, #tpu.memory_space<vmem>>) target(%dma_start3A_146 : memref<480x128xf32, #tpu.memory_space<hbm>>) target_semaphore(%arg13 : memref<!tpu.dma_semaphore, #tpu.memory_space<semaphore_mem>>)
    %add3A_147 = arith.constant 3360 : i32
    %add3A_148 = arith.addi %mul3A_2, %add3A_147 : i32
    %dma_start3A_149 = tpu.memref_slice %arg3[%add3A_148] : memref<122880xi32, #tpu.memory_space<hbm>> -> memref<480xi32, #tpu.memory_space<hbm>>
    %dma_start3A_150 = tpu.memref_slice %arg3[%add3A_148] : memref<122880xi32, #tpu.memory_space<hbm>> -> memref<480xi32, #tpu.memory_space<hbm>>
    tpu.enqueue_dma source(%dma_start3A_150 : memref<480xi32, #tpu.memory_space<hbm>>) target(%arg6 : memref<480xi32, #tpu.memory_space<vmem>>) target_semaphore(%arg10 : memref<!tpu.dma_semaphore, #tpu.memory_space<semaphore_mem>>)
    %add3A_151 = arith.constant 2880 : i32
    %add3A_152 = arith.addi %mul3A_2, %add3A_151 : i32
    %dma_wait3A_153 = tpu.memref_slice %arg3[%add3A_152] : memref<122880xi32, #tpu.memory_space<hbm>> -> memref<480xi32, #tpu.memory_space<hbm>>
    %dma_wait3A_154 = tpu.memref_slice %arg3[%add3A_152] : memref<122880xi32, #tpu.memory_space<hbm>> -> memref<480xi32, #tpu.memory_space<hbm>>
    tpu.wait_dma2 semaphore(%arg9 : memref<!tpu.dma_semaphore, #tpu.memory_space<semaphore_mem>>) src(%dma_wait3A_154 : memref<480xi32, #tpu.memory_space<hbm>>) dst(%arg5 : memref<480xi32, #tpu.memory_space<vmem>>)
    %add3A_155 = arith.constant 1920 : i32
    %add3A_156 = arith.addi %mul3A_2, %add3A_155 : i32
    %dma_wait3A_157 = arith.constant 0 : i32
    %dma_wait3A_158 = tpu.memref_slice %arg4[%add3A_156, %dma_wait3A_157] : memref<122880x128xf32, #tpu.memory_space<hbm>> -> memref<480x128xf32, #tpu.memory_space<hbm>>
    %dma_wait3A_159 = arith.constant 0 : i32
    %dma_wait3A_160 = tpu.memref_slice %arg4[%add3A_156, %dma_wait3A_159] : memref<122880x128xf32, #tpu.memory_space<hbm>> -> memref<480x128xf32, #tpu.memory_space<hbm>>
    tpu.wait_dma2 semaphore(%arg12 : memref<!tpu.dma_semaphore, #tpu.memory_space<semaphore_mem>>) src(%arg7 : memref<480x128xf32, #tpu.memory_space<vmem>>) dst(%dma_wait3A_160 : memref<480x128xf32, #tpu.memory_space<hbm>>)
    %dma_start3A_161 = arith.constant 0 : i32
    %dma_start3A_162 = arith.constant 0 : i32
    %dma_start3A_163 = tpu.memref_slice %arg2[%dma_start3A_161, %dma_start3A_162] : memref<8192x128xf32, #tpu.memory_space<hbm>> -> memref<8192x128xf32, #tpu.memory_space<hbm>>
    tpu.enqueue_indirect_dma source(%dma_start3A_163 : memref<8192x128xf32, #tpu.memory_space<hbm>>) target(%arg7 : memref<480x128xf32, #tpu.memory_space<vmem>>) offsets(%arg5 : memref<480xi32, #tpu.memory_space<vmem>>) semaphore(%arg11 : memref<!tpu.dma_semaphore, #tpu.memory_space<semaphore_mem>>)
    %dma_wait3A_164 = arith.constant 0 : i32
    %dma_wait3A_165 = arith.constant 0 : i32
    %dma_wait3A_166 = tpu.memref_slice %arg2[%dma_wait3A_164, %dma_wait3A_165] : memref<8192x128xf32, #tpu.memory_space<hbm>> -> memref<8192x128xf32, #tpu.memory_space<hbm>>
    tpu.wait_indirect_dma semaphore(%arg11 : memref<!tpu.dma_semaphore, #tpu.memory_space<semaphore_mem>>) src(%dma_wait3A_166 : memref<8192x128xf32, #tpu.memory_space<hbm>>) dst(%arg7 : memref<480x128xf32, #tpu.memory_space<vmem>>)
    %add3A_167 = arith.constant 2880 : i32
    %add3A_168 = arith.addi %mul3A_2, %add3A_167 : i32
    %dma_start3A_169 = arith.constant 0 : i32
    %dma_start3A_170 = tpu.memref_slice %arg4[%add3A_168, %dma_start3A_169] : memref<122880x128xf32, #tpu.memory_space<hbm>> -> memref<480x128xf32, #tpu.memory_space<hbm>>
    %dma_start3A_171 = arith.constant 0 : i32
    %dma_start3A_172 = tpu.memref_slice %arg4[%add3A_168, %dma_start3A_171] : memref<122880x128xf32, #tpu.memory_space<hbm>> -> memref<480x128xf32, #tpu.memory_space<hbm>>
    tpu.enqueue_dma source(%arg7 : memref<480x128xf32, #tpu.memory_space<vmem>>) target(%dma_start3A_172 : memref<480x128xf32, #tpu.memory_space<hbm>>) target_semaphore(%arg12 : memref<!tpu.dma_semaphore, #tpu.memory_space<semaphore_mem>>)
    %add3A_173 = arith.constant 3360 : i32
    %add3A_174 = arith.addi %mul3A_2, %add3A_173 : i32
    %dma_wait3A_175 = tpu.memref_slice %arg3[%add3A_174] : memref<122880xi32, #tpu.memory_space<hbm>> -> memref<480xi32, #tpu.memory_space<hbm>>
    %dma_wait3A_176 = tpu.memref_slice %arg3[%add3A_174] : memref<122880xi32, #tpu.memory_space<hbm>> -> memref<480xi32, #tpu.memory_space<hbm>>
    tpu.wait_dma2 semaphore(%arg10 : memref<!tpu.dma_semaphore, #tpu.memory_space<semaphore_mem>>) src(%dma_wait3A_176 : memref<480xi32, #tpu.memory_space<hbm>>) dst(%arg6 : memref<480xi32, #tpu.memory_space<vmem>>)
    %add3A_177 = arith.constant 2400 : i32
    %add3A_178 = arith.addi %mul3A_2, %add3A_177 : i32
    %dma_wait3A_179 = arith.constant 0 : i32
    %dma_wait3A_180 = tpu.memref_slice %arg4[%add3A_178, %dma_wait3A_179] : memref<122880x128xf32, #tpu.memory_space<hbm>> -> memref<480x128xf32, #tpu.memory_space<hbm>>
    %dma_wait3A_181 = arith.constant 0 : i32
    %dma_wait3A_182 = tpu.memref_slice %arg4[%add3A_178, %dma_wait3A_181] : memref<122880x128xf32, #tpu.memory_space<hbm>> -> memref<480x128xf32, #tpu.memory_space<hbm>>
    tpu.wait_dma2 semaphore(%arg13 : memref<!tpu.dma_semaphore, #tpu.memory_space<semaphore_mem>>) src(%arg8 : memref<480x128xf32, #tpu.memory_space<vmem>>) dst(%dma_wait3A_182 : memref<480x128xf32, #tpu.memory_space<hbm>>)
    %dma_start3A_183 = arith.constant 0 : i32
    %dma_start3A_184 = arith.constant 0 : i32
    %dma_start3A_185 = tpu.memref_slice %arg2[%dma_start3A_183, %dma_start3A_184] : memref<8192x128xf32, #tpu.memory_space<hbm>> -> memref<8192x128xf32, #tpu.memory_space<hbm>>
    tpu.enqueue_indirect_dma source(%dma_start3A_185 : memref<8192x128xf32, #tpu.memory_space<hbm>>) target(%arg8 : memref<480x128xf32, #tpu.memory_space<vmem>>) offsets(%arg6 : memref<480xi32, #tpu.memory_space<vmem>>) semaphore(%arg11 : memref<!tpu.dma_semaphore, #tpu.memory_space<semaphore_mem>>)
    %dma_wait3A_186 = arith.constant 0 : i32
    %dma_wait3A_187 = arith.constant 0 : i32
    %dma_wait3A_188 = tpu.memref_slice %arg2[%dma_wait3A_186, %dma_wait3A_187] : memref<8192x128xf32, #tpu.memory_space<hbm>> -> memref<8192x128xf32, #tpu.memory_space<hbm>>
    tpu.wait_indirect_dma semaphore(%arg11 : memref<!tpu.dma_semaphore, #tpu.memory_space<semaphore_mem>>) src(%dma_wait3A_188 : memref<8192x128xf32, #tpu.memory_space<hbm>>) dst(%arg8 : memref<480x128xf32, #tpu.memory_space<vmem>>)
    %add3A_189 = arith.constant 3360 : i32
    %add3A_190 = arith.addi %mul3A_2, %add3A_189 : i32
    %dma_start3A_191 = arith.constant 0 : i32
    %dma_start3A_192 = tpu.memref_slice %arg4[%add3A_190, %dma_start3A_191] : memref<122880x128xf32, #tpu.memory_space<hbm>> -> memref<480x128xf32, #tpu.memory_space<hbm>>
    %dma_start3A_193 = arith.constant 0 : i32
    %dma_start3A_194 = tpu.memref_slice %arg4[%add3A_190, %dma_start3A_193] : memref<122880x128xf32, #tpu.memory_space<hbm>> -> memref<480x128xf32, #tpu.memory_space<hbm>>
    tpu.enqueue_dma source(%arg8 : memref<480x128xf32, #tpu.memory_space<vmem>>) target(%dma_start3A_194 : memref<480x128xf32, #tpu.memory_space<hbm>>) target_semaphore(%arg13 : memref<!tpu.dma_semaphore, #tpu.memory_space<semaphore_mem>>)
    %add3A_195 = arith.constant 2880 : i32
    %add3A_196 = arith.addi %mul3A_2, %add3A_195 : i32
    %dma_wait3A_197 = arith.constant 0 : i32
    %dma_wait3A_198 = tpu.memref_slice %arg4[%add3A_196, %dma_wait3A_197] : memref<122880x128xf32, #tpu.memory_space<hbm>> -> memref<480x128xf32, #tpu.memory_space<hbm>>
    %dma_wait3A_199 = arith.constant 0 : i32
    %dma_wait3A_200 = tpu.memref_slice %arg4[%add3A_196, %dma_wait3A_199] : memref<122880x128xf32, #tpu.memory_space<hbm>> -> memref<480x128xf32, #tpu.memory_space<hbm>>
    tpu.wait_dma2 semaphore(%arg12 : memref<!tpu.dma_semaphore, #tpu.memory_space<semaphore_mem>>) src(%arg7 : memref<480x128xf32, #tpu.memory_space<vmem>>) dst(%dma_wait3A_200 : memref<480x128xf32, #tpu.memory_space<hbm>>)
    %add3A_201 = arith.constant 3360 : i32
    %add3A_202 = arith.addi %mul3A_2, %add3A_201 : i32
    %dma_wait3A_203 = arith.constant 0 : i32
    %dma_wait3A_204 = tpu.memref_slice %arg4[%add3A_202, %dma_wait3A_203] : memref<122880x128xf32, #tpu.memory_space<hbm>> -> memref<480x128xf32, #tpu.memory_space<hbm>>
    %dma_wait3A_205 = arith.constant 0 : i32
    %dma_wait3A_206 = tpu.memref_slice %arg4[%add3A_202, %dma_wait3A_205] : memref<122880x128xf32, #tpu.memory_space<hbm>> -> memref<480x128xf32, #tpu.memory_space<hbm>>
    tpu.wait_dma2 semaphore(%arg13 : memref<!tpu.dma_semaphore, #tpu.memory_space<semaphore_mem>>) src(%arg8 : memref<480x128xf32, #tpu.memory_space<vmem>>) dst(%dma_wait3A_206 : memref<480x128xf32, #tpu.memory_space<hbm>>)
    return
  }
}

module attributes {stable_mosaic.version = 14 : i64} {
  func.func @_stage1_body(%arg0: i32, %arg1: i32, %arg2: memref<1x3x2048xf32, #tpu.memory_space<vmem>>, %arg3: memref<32x3xf32, #tpu.memory_space<vmem>>, %arg4: memref<1x32xf32, #tpu.memory_space<vmem>>, %arg5: memref<1x32xf32, #tpu.memory_space<vmem>>, %arg6: memref<64x32xf32, #tpu.memory_space<vmem>>, %arg7: memref<1x64xf32, #tpu.memory_space<vmem>>, %arg8: memref<1x64xf32, #tpu.memory_space<vmem>>, %arg9: memref<32x9xf32, #tpu.memory_space<vmem>>, %arg10: memref<1x32xf32, #tpu.memory_space<vmem>>, %arg11: memref<1x32xf32, #tpu.memory_space<vmem>>, %arg12: memref<1x256x128xf32, #tpu.memory_space<vmem>>, %arg13: memref<1x1x15x256xi32, #tpu.memory_space<vmem>>, %arg14: memref<1x256x32xf32, #tpu.memory_space<vmem>>) attributes {dimension_semantics = [#tpu.dimension_semantics<arbitrary>, #tpu.dimension_semantics<arbitrary>], iteration_bounds = array<i64: 4, 8>, scalar_prefetch = 0 : i64, scratch_operands = 0 : i64, tpu.core_type = #tpu.core_type<tc>, window_params = [{transform_indices = @transform_0, window_bounds = array<i64: 1, 3, 2048>}, {pipeline_mode = #tpu.pipeline_mode<synchronous>, transform_indices = @transform_1, window_bounds = array<i64: 32, 3>}, {pipeline_mode = #tpu.pipeline_mode<synchronous>, transform_indices = @transform_2, window_bounds = array<i64: 1, 32>}, {pipeline_mode = #tpu.pipeline_mode<synchronous>, transform_indices = @transform_3, window_bounds = array<i64: 1, 32>}, {pipeline_mode = #tpu.pipeline_mode<synchronous>, transform_indices = @transform_4, window_bounds = array<i64: 64, 32>}, {pipeline_mode = #tpu.pipeline_mode<synchronous>, transform_indices = @transform_5, window_bounds = array<i64: 1, 64>}, {pipeline_mode = #tpu.pipeline_mode<synchronous>, transform_indices = @transform_6, window_bounds = array<i64: 1, 64>}, {pipeline_mode = #tpu.pipeline_mode<synchronous>, transform_indices = @transform_7, window_bounds = array<i64: 32, 9>}, {pipeline_mode = #tpu.pipeline_mode<synchronous>, transform_indices = @transform_8, window_bounds = array<i64: 1, 32>}, {pipeline_mode = #tpu.pipeline_mode<synchronous>, transform_indices = @transform_9, window_bounds = array<i64: 1, 32>}, {transform_indices = @transform_10, window_bounds = array<i64: 1, 256, 128>}, {transform_indices = @transform_11, window_bounds = array<i64: 1, 1, 15, 256>}, {transform_indices = @transform_12, window_bounds = array<i64: 1, 256, 32>}]} {
    %get3A = arith.constant 0 : index
    %get3A_0 = arith.constant 0 : index
    %get3A_1 = arith.constant 0 : index
    %get3A_2 = vector.load %arg2[%get3A, %get3A_0, %get3A_1] : memref<1x3x2048xf32, #tpu.memory_space<vmem>>, vector<1x3x2048xf32>
    %get3A_3 = vector.shape_cast %get3A_2 : vector<1x3x2048xf32> to vector<3x2048xf32>
    %mul3A = arith.constant 256 : i32
    %mul3A_4 = arith.muli %arg1, %mul3A : i32
    %get3A_5 = arith.constant 0 : index
    %get3A_6 = arith.constant 0 : index
    %get3A_7 = arith.index_cast %mul3A_4 : i32 to index
    %get3A_8 = vector.load %arg2[%get3A_5, %get3A_6, %get3A_7] : memref<1x3x2048xf32, #tpu.memory_space<vmem>>, vector<1x3x256xf32>
    %get3A_9 = vector.shape_cast %get3A_8 : vector<1x3x256xf32> to vector<3x256xf32>
    %transpose3A = tpu.transpose %get3A_9, [1, 0] : vector<3x256xf32> -> vector<256x3xf32>
    %get3A_10 = arith.constant 0 : index
    %get3A_11 = arith.constant 0 : index
    %get3A_12 = vector.load %arg3[%get3A_10, %get3A_11] : memref<32x3xf32, #tpu.memory_space<vmem>>, vector<32x3xf32>
    %dot_general3A = arith.constant dense<0.000000e+00> : vector<256x32xf32>
    %dot_general3A_13 = tpu.matmul %transpose3A, %get3A_12, %dot_general3A {dimension_numbers = #tpu.dot_dimension_numbers<[1], [1], [0], [0], [0, 0, 1, 0], [], []>, transpose_lhs_hint = false} : vector<256x3xf32>, vector<32x3xf32>, vector<256x32xf32> -> vector<256x32xf32>
    %get3A_14 = arith.constant 0 : index
    %get3A_15 = arith.constant 0 : index
    %get3A_16 = vector.load %arg5[%get3A_14, %get3A_15] : memref<1x32xf32, #tpu.memory_space<vmem>>, vector<1x32xf32>
    %mul3A_17 = vector.broadcast %get3A_16 : vector<1x32xf32> to vector<256x32xf32>
    %mul3A_18 = arith.mulf %dot_general3A_13, %mul3A_17 : vector<256x32xf32>
    %get3A_19 = arith.constant 0 : index
    %get3A_20 = arith.constant 0 : index
    %get3A_21 = vector.load %arg4[%get3A_19, %get3A_20] : memref<1x32xf32, #tpu.memory_space<vmem>>, vector<1x32xf32>
    %add3A = vector.broadcast %get3A_21 : vector<1x32xf32> to vector<256x32xf32>
    %add3A_22 = arith.addf %mul3A_18, %add3A : vector<256x32xf32>
    %max3A = arith.constant 0.000000e+00 : f32
    %max3A_23 = vector.broadcast %max3A : f32 to vector<256x32xf32>
    %max3A_24 = arith.maximumf %add3A_22, %max3A_23 : vector<256x32xf32>
    %get3A_25 = arith.constant 0 : index
    %get3A_26 = arith.constant 0 : index
    %get3A_27 = vector.load %arg6[%get3A_25, %get3A_26] : memref<64x32xf32, #tpu.memory_space<vmem>>, vector<64x32xf32>
    %dot_general3A_28 = arith.constant dense<0.000000e+00> : vector<256x64xf32>
    %dot_general3A_29 = tpu.matmul %max3A_24, %get3A_27, %dot_general3A_28 {dimension_numbers = #tpu.dot_dimension_numbers<[1], [1], [0], [0], [0, 0, 1, 0], [], []>, transpose_lhs_hint = false} : vector<256x32xf32>, vector<64x32xf32>, vector<256x64xf32> -> vector<256x64xf32>
    %get3A_30 = arith.constant 0 : index
    %get3A_31 = arith.constant 0 : index
    %get3A_32 = vector.load %arg8[%get3A_30, %get3A_31] : memref<1x64xf32, #tpu.memory_space<vmem>>, vector<1x64xf32>
    %mul3A_33 = vector.broadcast %get3A_32 : vector<1x64xf32> to vector<256x64xf32>
    %mul3A_34 = arith.mulf %dot_general3A_29, %mul3A_33 : vector<256x64xf32>
    %get3A_35 = arith.constant 0 : index
    %get3A_36 = arith.constant 0 : index
    %get3A_37 = vector.load %arg7[%get3A_35, %get3A_36] : memref<1x64xf32, #tpu.memory_space<vmem>>, vector<1x64xf32>
    %add3A_38 = vector.broadcast %get3A_37 : vector<1x64xf32> to vector<256x64xf32>
    %add3A_39 = arith.addf %mul3A_34, %add3A_38 : vector<256x64xf32>
    %max3A_40 = arith.constant 0.000000e+00 : f32
    %max3A_41 = vector.broadcast %max3A_40 : f32 to vector<256x64xf32>
    %max3A_42 = arith.maximumf %add3A_39, %max3A_41 : vector<256x64xf32>
    %broadcast_in_dim3A = arith.constant 0.000000e+00 : f32
    %broadcast_in_dim3A_43 = vector.broadcast %broadcast_in_dim3A : f32 to vector<256x64xf32>
    %concatenate3A = tpu.concatenate %max3A_42, %broadcast_in_dim3A_43 in 1 : vector<256x64xf32>, vector<256x64xf32> -> vector<256x128xf32>
    %swap3A = arith.constant 0 : index
    %swap3A_44 = arith.constant 0 : index
    %swap3A_45 = arith.constant 0 : index
    %swap3A_46 = vector.load %arg12[%swap3A, %swap3A_44, %swap3A_45] : memref<1x256x128xf32, #tpu.memory_space<vmem>>, vector<1x256x128xf32>
    %swap3A_47 = vector.shape_cast %swap3A_46 : vector<1x256x128xf32> to vector<256x128xf32>
    %swap3A_48 = vector.shape_cast %concatenate3A : vector<256x128xf32> to vector<1x256x128xf32>
    tpu.vector_store %arg12[%swap3A, %swap3A_44, %swap3A_45], %swap3A_48 {strides = array<i32>} : memref<1x256x128xf32, #tpu.memory_space<vmem>>, vector<1x256x128xf32>,
    %mul3A_49 = arith.mulf %get3A_9, %get3A_9 : vector<3x256xf32>
    %reduce_sum3A = arith.constant dense<0.000000e+00> : vector<256xf32>
    %reduce_sum3A_50 = vector.multi_reduction <add>, %mul3A_49, %reduce_sum3A [0] : vector<3x256xf32> to vector<256xf32>
    %broadcast_in_dim3A_51 = vector.shape_cast %reduce_sum3A_50 : vector<256xf32> to vector<1x256xf32>
    %mul3A_52 = arith.mulf %get3A_3, %get3A_3 : vector<3x2048xf32>
    %reduce_sum3A_53 = arith.constant dense<0.000000e+00> : vector<2048xf32>
    %reduce_sum3A_54 = vector.multi_reduction <add>, %mul3A_52, %reduce_sum3A_53 [0] : vector<3x2048xf32> to vector<2048xf32>
    %broadcast_in_dim3A_55 = vector.shape_cast %reduce_sum3A_54 : vector<2048xf32> to vector<1x2048xf32>
    %mul3A_56 = arith.constant -2.000000e+00 : f32
    %mul3A_57 = vector.broadcast %mul3A_56 : f32 to vector<3x256xf32>
    %mul3A_58 = arith.mulf %get3A_9, %mul3A_57 : vector<3x256xf32>
    %broadcast_in_dim3A_59 = arith.constant 1.000000e+00 : f32
    %broadcast_in_dim3A_60 = vector.broadcast %broadcast_in_dim3A_59 : f32 to vector<1x256xf32>
    %concatenate3A_61 = tpu.concatenate %mul3A_58, %broadcast_in_dim3A_60, %broadcast_in_dim3A_51 in 0 : vector<3x256xf32>, vector<1x256xf32>, vector<1x256xf32> -> vector<5x256xf32>
    %broadcast_in_dim3A_62 = arith.constant 1.000000e+00 : f32
    %broadcast_in_dim3A_63 = vector.broadcast %broadcast_in_dim3A_62 : f32 to vector<1x2048xf32>
    %concatenate3A_64 = tpu.concatenate %get3A_3, %broadcast_in_dim3A_55, %broadcast_in_dim3A_63 in 0 : vector<3x2048xf32>, vector<1x2048xf32>, vector<1x2048xf32> -> vector<5x2048xf32>
    %dot_general3A_65 = arith.constant dense<0.000000e+00> : vector<256x2048xf32>
    %dot_general3A_66 = tpu.matmul %concatenate3A_61, %concatenate3A_64, %dot_general3A_65 {dimension_numbers = #tpu.dot_dimension_numbers<[0], [0], [1], [1], [0, 1, 1, 1], [], []>, transpose_lhs_hint = false} : vector<5x256xf32>, vector<5x2048xf32>, vector<256x2048xf32> -> vector<256x2048xf32>
    %iota3A = tpu.iota {dimensions = array<i32: 1>} : vector<256x2048xi32>
    %iota3A_67 = tpu.iota {dimensions = array<i32: 0>} : vector<256x1xi32>
    %mul3A_68 = arith.constant 256 : i32
    %mul3A_69 = arith.muli %arg1, %mul3A_68 : i32
    %add3A_70 = vector.broadcast %mul3A_69 : i32 to vector<256x1xi32>
    %add3A_71 = arith.addi %iota3A_67, %add3A_70 : vector<256x1xi32>
    %bitcast_convert_type3A = tpu.bitcast %dot_general3A_66 : vector<256x2048xf32> -> vector<256x2048xi32>
    %eq3A = vector.broadcast %add3A_71 : vector<256x1xi32> to vector<256x2048xi32>
    %eq3A_72 = arith.cmpi eq, %iota3A, %eq3A : vector<256x2048xi32>
    %not3A = arith.constant 2047 : i32
    %not3A_73 = arith.constant -1 : i32
    %not3A_74 = arith.xori %not3A, %not3A_73 : i32
    %and3A = vector.broadcast %not3A_74 : i32 to vector<256x2048xi32>
    %and3A_75 = arith.andi %bitcast_convert_type3A, %and3A : vector<256x2048xi32>
    %or3A = arith.ori %and3A_75, %iota3A : vector<256x2048xi32>
    %jit3A = arith.constant 2147483647 : i32
    %broadcast_in_dim3A_76 = vector.broadcast %jit3A : i32 to vector<256x2048xi32>
    %select_n3A = arith.select %eq3A_72, %broadcast_in_dim3A_76, %or3A : vector<256x2048xi1>, vector<256x2048xi32>
    %eq3A_77 = vector.broadcast %add3A_71 : vector<256x1xi32> to vector<256x2048xi32>
    %eq3A_78 = arith.cmpi eq, %iota3A, %eq3A_77 : vector<256x2048xi32>
    %convert_element_type3A = arith.extui %eq3A_78 : vector<256x2048xi1> to vector<256x2048xi32>
    %reduce_min3A = arith.constant dense<2147483647> : vector<256xi32>
    %reduce_min3A_79 = vector.multi_reduction <minsi>, %select_n3A, %reduce_min3A [1] : vector<256x2048xi32> to vector<256xi32>
    %broadcast_in_dim3A_80 = vector.shape_cast %reduce_min3A_79 : vector<256xi32> to vector<256x1xi32>
    %eq3A_81 = vector.broadcast %broadcast_in_dim3A_80 : vector<256x1xi32> to vector<256x2048xi32>
    %eq3A_82 = arith.cmpi eq, %select_n3A, %eq3A_81 : vector<256x2048xi32>
    %convert_element_type3A_83 = arith.extui %eq3A_82 : vector<256x2048xi1> to vector<256x2048xi32>
    %add3A_84 = arith.addi %convert_element_type3A, %convert_element_type3A_83 : vector<256x2048xi32>
    %jit3A_85 = arith.constant 2147483647 : i32
    %broadcast_in_dim3A_86 = vector.broadcast %jit3A_85 : i32 to vector<256x2048xi32>
    %select_n3A_87 = arith.select %eq3A_82, %broadcast_in_dim3A_86, %select_n3A : vector<256x2048xi1>, vector<256x2048xi32>
    %and3A_88 = arith.constant 2047 : i32
    %and3A_89 = vector.broadcast %and3A_88 : i32 to vector<256x1xi32>
    %and3A_90 = arith.andi %broadcast_in_dim3A_80, %and3A_89 : vector<256x1xi32>
    %reduce_min3A_91 = arith.constant dense<2147483647> : vector<256xi32>
    %reduce_min3A_92 = vector.multi_reduction <minsi>, %select_n3A_87, %reduce_min3A_91 [1] : vector<256x2048xi32> to vector<256xi32>
    %broadcast_in_dim3A_93 = vector.shape_cast %reduce_min3A_92 : vector<256xi32> to vector<256x1xi32>
    %eq3A_94 = vector.broadcast %broadcast_in_dim3A_93 : vector<256x1xi32> to vector<256x2048xi32>
    %eq3A_95 = arith.cmpi eq, %select_n3A_87, %eq3A_94 : vector<256x2048xi32>
    %convert_element_type3A_96 = arith.extui %eq3A_95 : vector<256x2048xi1> to vector<256x2048xi32>
    %add3A_97 = arith.addi %add3A_84, %convert_element_type3A_96 : vector<256x2048xi32>
    %jit3A_98 = arith.constant 2147483647 : i32
    %broadcast_in_dim3A_99 = vector.broadcast %jit3A_98 : i32 to vector<256x2048xi32>
    %select_n3A_100 = arith.select %eq3A_95, %broadcast_in_dim3A_99, %select_n3A_87 : vector<256x2048xi1>, vector<256x2048xi32>
    %and3A_101 = arith.constant 2047 : i32
    %and3A_102 = vector.broadcast %and3A_101 : i32 to vector<256x1xi32>
    %and3A_103 = arith.andi %broadcast_in_dim3A_93, %and3A_102 : vector<256x1xi32>
    %reduce_min3A_104 = arith.constant dense<2147483647> : vector<256xi32>
    %reduce_min3A_105 = vector.multi_reduction <minsi>, %select_n3A_100, %reduce_min3A_104 [1] : vector<256x2048xi32> to vector<256xi32>
    %broadcast_in_dim3A_106 = vector.shape_cast %reduce_min3A_105 : vector<256xi32> to vector<256x1xi32>
    %eq3A_107 = vector.broadcast %broadcast_in_dim3A_106 : vector<256x1xi32> to vector<256x2048xi32>
    %eq3A_108 = arith.cmpi eq, %select_n3A_100, %eq3A_107 : vector<256x2048xi32>
    %convert_element_type3A_109 = arith.extui %eq3A_108 : vector<256x2048xi1> to vector<256x2048xi32>
    %add3A_110 = arith.addi %add3A_97, %convert_element_type3A_109 : vector<256x2048xi32>
    %jit3A_111 = arith.constant 2147483647 : i32
    %broadcast_in_dim3A_112 = vector.broadcast %jit3A_111 : i32 to vector<256x2048xi32>
    %select_n3A_113 = arith.select %eq3A_108, %broadcast_in_dim3A_112, %select_n3A_100 : vector<256x2048xi1>, vector<256x2048xi32>
    %and3A_114 = arith.constant 2047 : i32
    %and3A_115 = vector.broadcast %and3A_114 : i32 to vector<256x1xi32>
    %and3A_116 = arith.andi %broadcast_in_dim3A_106, %and3A_115 : vector<256x1xi32>
    %reduce_min3A_117 = arith.constant dense<2147483647> : vector<256xi32>
    %reduce_min3A_118 = vector.multi_reduction <minsi>, %select_n3A_113, %reduce_min3A_117 [1] : vector<256x2048xi32> to vector<256xi32>
    %broadcast_in_dim3A_119 = vector.shape_cast %reduce_min3A_118 : vector<256xi32> to vector<256x1xi32>
    %eq3A_120 = vector.broadcast %broadcast_in_dim3A_119 : vector<256x1xi32> to vector<256x2048xi32>
    %eq3A_121 = arith.cmpi eq, %select_n3A_113, %eq3A_120 : vector<256x2048xi32>
    %convert_element_type3A_122 = arith.extui %eq3A_121 : vector<256x2048xi1> to vector<256x2048xi32>
    %add3A_123 = arith.addi %add3A_110, %convert_element_type3A_122 : vector<256x2048xi32>
    %jit3A_124 = arith.constant 2147483647 : i32
    %broadcast_in_dim3A_125 = vector.broadcast %jit3A_124 : i32 to vector<256x2048xi32>
    %select_n3A_126 = arith.select %eq3A_121, %broadcast_in_dim3A_125, %select_n3A_113 : vector<256x2048xi1>, vector<256x2048xi32>
    %and3A_127 = arith.constant 2047 : i32
    %and3A_128 = vector.broadcast %and3A_127 : i32 to vector<256x1xi32>
    %and3A_129 = arith.andi %broadcast_in_dim3A_119, %and3A_128 : vector<256x1xi32>
    %reduce_min3A_130 = arith.constant dense<2147483647> : vector<256xi32>
    %reduce_min3A_131 = vector.multi_reduction <minsi>, %select_n3A_126, %reduce_min3A_130 [1] : vector<256x2048xi32> to vector<256xi32>
    %broadcast_in_dim3A_132 = vector.shape_cast %reduce_min3A_131 : vector<256xi32> to vector<256x1xi32>
    %eq3A_133 = vector.broadcast %broadcast_in_dim3A_132 : vector<256x1xi32> to vector<256x2048xi32>
    %eq3A_134 = arith.cmpi eq, %select_n3A_126, %eq3A_133 : vector<256x2048xi32>
    %convert_element_type3A_135 = arith.extui %eq3A_134 : vector<256x2048xi1> to vector<256x2048xi32>
    %add3A_136 = arith.addi %add3A_123, %convert_element_type3A_135 : vector<256x2048xi32>
    %jit3A_137 = arith.constant 2147483647 : i32
    %broadcast_in_dim3A_138 = vector.broadcast %jit3A_137 : i32 to vector<256x2048xi32>
    %select_n3A_139 = arith.select %eq3A_134, %broadcast_in_dim3A_138, %select_n3A_126 : vector<256x2048xi1>, vector<256x2048xi32>
    %and3A_140 = arith.constant 2047 : i32
    %and3A_141 = vector.broadcast %and3A_140 : i32 to vector<256x1xi32>
    %and3A_142 = arith.andi %broadcast_in_dim3A_132, %and3A_141 : vector<256x1xi32>
    %reduce_min3A_143 = arith.constant dense<2147483647> : vector<256xi32>
    %reduce_min3A_144 = vector.multi_reduction <minsi>, %select_n3A_139, %reduce_min3A_143 [1] : vector<256x2048xi32> to vector<256xi32>
    %broadcast_in_dim3A_145 = vector.shape_cast %reduce_min3A_144 : vector<256xi32> to vector<256x1xi32>
    %eq3A_146 = vector.broadcast %broadcast_in_dim3A_145 : vector<256x1xi32> to vector<256x2048xi32>
    %eq3A_147 = arith.cmpi eq, %select_n3A_139, %eq3A_146 : vector<256x2048xi32>
    %convert_element_type3A_148 = arith.extui %eq3A_147 : vector<256x2048xi1> to vector<256x2048xi32>
    %add3A_149 = arith.addi %add3A_136, %convert_element_type3A_148 : vector<256x2048xi32>
    %jit3A_150 = arith.constant 2147483647 : i32
    %broadcast_in_dim3A_151 = vector.broadcast %jit3A_150 : i32 to vector<256x2048xi32>
    %select_n3A_152 = arith.select %eq3A_147, %broadcast_in_dim3A_151, %select_n3A_139 : vector<256x2048xi1>, vector<256x2048xi32>
    %and3A_153 = arith.constant 2047 : i32
    %and3A_154 = vector.broadcast %and3A_153 : i32 to vector<256x1xi32>
    %and3A_155 = arith.andi %broadcast_in_dim3A_145, %and3A_154 : vector<256x1xi32>
    %reduce_min3A_156 = arith.constant dense<2147483647> : vector<256xi32>
    %reduce_min3A_157 = vector.multi_reduction <minsi>, %select_n3A_152, %reduce_min3A_156 [1] : vector<256x2048xi32> to vector<256xi32>
    %broadcast_in_dim3A_158 = vector.shape_cast %reduce_min3A_157 : vector<256xi32> to vector<256x1xi32>
    %eq3A_159 = vector.broadcast %broadcast_in_dim3A_158 : vector<256x1xi32> to vector<256x2048xi32>
    %eq3A_160 = arith.cmpi eq, %select_n3A_152, %eq3A_159 : vector<256x2048xi32>
    %convert_element_type3A_161 = arith.extui %eq3A_160 : vector<256x2048xi1> to vector<256x2048xi32>
    %add3A_162 = arith.addi %add3A_149, %convert_element_type3A_161 : vector<256x2048xi32>
    %jit3A_163 = arith.constant 2147483647 : i32
    %broadcast_in_dim3A_164 = vector.broadcast %jit3A_163 : i32 to vector<256x2048xi32>
    %select_n3A_165 = arith.select %eq3A_160, %broadcast_in_dim3A_164, %select_n3A_152 : vector<256x2048xi1>, vector<256x2048xi32>
    %and3A_166 = arith.constant 2047 : i32
    %and3A_167 = vector.broadcast %and3A_166 : i32 to vector<256x1xi32>
    %and3A_168 = arith.andi %broadcast_in_dim3A_158, %and3A_167 : vector<256x1xi32>
    %reduce_min3A_169 = arith.constant dense<2147483647> : vector<256xi32>
    %reduce_min3A_170 = vector.multi_reduction <minsi>, %select_n3A_165, %reduce_min3A_169 [1] : vector<256x2048xi32> to vector<256xi32>
    %broadcast_in_dim3A_171 = vector.shape_cast %reduce_min3A_170 : vector<256xi32> to vector<256x1xi32>
    %eq3A_172 = vector.broadcast %broadcast_in_dim3A_171 : vector<256x1xi32> to vector<256x2048xi32>
    %eq3A_173 = arith.cmpi eq, %select_n3A_165, %eq3A_172 : vector<256x2048xi32>
    %convert_element_type3A_174 = arith.extui %eq3A_173 : vector<256x2048xi1> to vector<256x2048xi32>
    %add3A_175 = arith.addi %add3A_162, %convert_element_type3A_174 : vector<256x2048xi32>
    %jit3A_176 = arith.constant 2147483647 : i32
    %broadcast_in_dim3A_177 = vector.broadcast %jit3A_176 : i32 to vector<256x2048xi32>
    %select_n3A_178 = arith.select %eq3A_173, %broadcast_in_dim3A_177, %select_n3A_165 : vector<256x2048xi1>, vector<256x2048xi32>
    %and3A_179 = arith.constant 2047 : i32
    %and3A_180 = vector.broadcast %and3A_179 : i32 to vector<256x1xi32>
    %and3A_181 = arith.andi %broadcast_in_dim3A_171, %and3A_180 : vector<256x1xi32>
    %reduce_min3A_182 = arith.constant dense<2147483647> : vector<256xi32>
    %reduce_min3A_183 = vector.multi_reduction <minsi>, %select_n3A_178, %reduce_min3A_182 [1] : vector<256x2048xi32> to vector<256xi32>
    %broadcast_in_dim3A_184 = vector.shape_cast %reduce_min3A_183 : vector<256xi32> to vector<256x1xi32>
    %eq3A_185 = vector.broadcast %broadcast_in_dim3A_184 : vector<256x1xi32> to vector<256x2048xi32>
    %eq3A_186 = arith.cmpi eq, %select_n3A_178, %eq3A_185 : vector<256x2048xi32>
    %convert_element_type3A_187 = arith.extui %eq3A_186 : vector<256x2048xi1> to vector<256x2048xi32>
    %add3A_188 = arith.addi %add3A_175, %convert_element_type3A_187 : vector<256x2048xi32>
    %jit3A_189 = arith.constant 2147483647 : i32
    %broadcast_in_dim3A_190 = vector.broadcast %jit3A_189 : i32 to vector<256x2048xi32>
    %select_n3A_191 = arith.select %eq3A_186, %broadcast_in_dim3A_190, %select_n3A_178 : vector<256x2048xi1>, vector<256x2048xi32>
    %and3A_192 = arith.constant 2047 : i32
    %and3A_193 = vector.broadcast %and3A_192 : i32 to vector<256x1xi32>
    %and3A_194 = arith.andi %broadcast_in_dim3A_184, %and3A_193 : vector<256x1xi32>
    %reduce_min3A_195 = arith.constant dense<2147483647> : vector<256xi32>
    %reduce_min3A_196 = vector.multi_reduction <minsi>, %select_n3A_191, %reduce_min3A_195 [1] : vector<256x2048xi32> to vector<256xi32>
    %broadcast_in_dim3A_197 = vector.shape_cast %reduce_min3A_196 : vector<256xi32> to vector<256x1xi32>
    %eq3A_198 = vector.broadcast %broadcast_in_dim3A_197 : vector<256x1xi32> to vector<256x2048xi32>
    %eq3A_199 = arith.cmpi eq, %select_n3A_191, %eq3A_198 : vector<256x2048xi32>
    %convert_element_type3A_200 = arith.extui %eq3A_199 : vector<256x2048xi1> to vector<256x2048xi32>
    %add3A_201 = arith.addi %add3A_188, %convert_element_type3A_200 : vector<256x2048xi32>
    %jit3A_202 = arith.constant 2147483647 : i32
    %broadcast_in_dim3A_203 = vector.broadcast %jit3A_202 : i32 to vector<256x2048xi32>
    %select_n3A_204 = arith.select %eq3A_199, %broadcast_in_dim3A_203, %select_n3A_191 : vector<256x2048xi1>, vector<256x2048xi32>
    %and3A_205 = arith.constant 2047 : i32
    %and3A_206 = vector.broadcast %and3A_205 : i32 to vector<256x1xi32>
    %and3A_207 = arith.andi %broadcast_in_dim3A_197, %and3A_206 : vector<256x1xi32>
    %reduce_min3A_208 = arith.constant dense<2147483647> : vector<256xi32>
    %reduce_min3A_209 = vector.multi_reduction <minsi>, %select_n3A_204, %reduce_min3A_208 [1] : vector<256x2048xi32> to vector<256xi32>
    %broadcast_in_dim3A_210 = vector.shape_cast %reduce_min3A_209 : vector<256xi32> to vector<256x1xi32>
    %eq3A_211 = vector.broadcast %broadcast_in_dim3A_210 : vector<256x1xi32> to vector<256x2048xi32>
    %eq3A_212 = arith.cmpi eq, %select_n3A_204, %eq3A_211 : vector<256x2048xi32>
    %convert_element_type3A_213 = arith.extui %eq3A_212 : vector<256x2048xi1> to vector<256x2048xi32>
    %add3A_214 = arith.addi %add3A_201, %convert_element_type3A_213 : vector<256x2048xi32>
    %jit3A_215 = arith.constant 2147483647 : i32
    %broadcast_in_dim3A_216 = vector.broadcast %jit3A_215 : i32 to vector<256x2048xi32>
    %select_n3A_217 = arith.select %eq3A_212, %broadcast_in_dim3A_216, %select_n3A_204 : vector<256x2048xi1>, vector<256x2048xi32>
    %and3A_218 = arith.constant 2047 : i32
    %and3A_219 = vector.broadcast %and3A_218 : i32 to vector<256x1xi32>
    %and3A_220 = arith.andi %broadcast_in_dim3A_210, %and3A_219 : vector<256x1xi32>
    %reduce_min3A_221 = arith.constant dense<2147483647> : vector<256xi32>
    %reduce_min3A_222 = vector.multi_reduction <minsi>, %select_n3A_217, %reduce_min3A_221 [1] : vector<256x2048xi32> to vector<256xi32>
    %broadcast_in_dim3A_223 = vector.shape_cast %reduce_min3A_222 : vector<256xi32> to vector<256x1xi32>
    %eq3A_224 = vector.broadcast %broadcast_in_dim3A_223 : vector<256x1xi32> to vector<256x2048xi32>
    %eq3A_225 = arith.cmpi eq, %select_n3A_217, %eq3A_224 : vector<256x2048xi32>
    %convert_element_type3A_226 = arith.extui %eq3A_225 : vector<256x2048xi1> to vector<256x2048xi32>
    %add3A_227 = arith.addi %add3A_214, %convert_element_type3A_226 : vector<256x2048xi32>
    %jit3A_228 = arith.constant 2147483647 : i32
    %broadcast_in_dim3A_229 = vector.broadcast %jit3A_228 : i32 to vector<256x2048xi32>
    %select_n3A_230 = arith.select %eq3A_225, %broadcast_in_dim3A_229, %select_n3A_217 : vector<256x2048xi1>, vector<256x2048xi32>
    %and3A_231 = arith.constant 2047 : i32
    %and3A_232 = vector.broadcast %and3A_231 : i32 to vector<256x1xi32>
    %and3A_233 = arith.andi %broadcast_in_dim3A_223, %and3A_232 : vector<256x1xi32>
    %reduce_min3A_234 = arith.constant dense<2147483647> : vector<256xi32>
    %reduce_min3A_235 = vector.multi_reduction <minsi>, %select_n3A_230, %reduce_min3A_234 [1] : vector<256x2048xi32> to vector<256xi32>
    %broadcast_in_dim3A_236 = vector.shape_cast %reduce_min3A_235 : vector<256xi32> to vector<256x1xi32>
    %eq3A_237 = vector.broadcast %broadcast_in_dim3A_236 : vector<256x1xi32> to vector<256x2048xi32>
    %eq3A_238 = arith.cmpi eq, %select_n3A_230, %eq3A_237 : vector<256x2048xi32>
    %convert_element_type3A_239 = arith.extui %eq3A_238 : vector<256x2048xi1> to vector<256x2048xi32>
    %add3A_240 = arith.addi %add3A_227, %convert_element_type3A_239 : vector<256x2048xi32>
    %jit3A_241 = arith.constant 2147483647 : i32
    %broadcast_in_dim3A_242 = vector.broadcast %jit3A_241 : i32 to vector<256x2048xi32>
    %select_n3A_243 = arith.select %eq3A_238, %broadcast_in_dim3A_242, %select_n3A_230 : vector<256x2048xi1>, vector<256x2048xi32>
    %and3A_244 = arith.constant 2047 : i32
    %and3A_245 = vector.broadcast %and3A_244 : i32 to vector<256x1xi32>
    %and3A_246 = arith.andi %broadcast_in_dim3A_236, %and3A_245 : vector<256x1xi32>
    %reduce_min3A_247 = arith.constant dense<2147483647> : vector<256xi32>
    %reduce_min3A_248 = vector.multi_reduction <minsi>, %select_n3A_243, %reduce_min3A_247 [1] : vector<256x2048xi32> to vector<256xi32>
    %broadcast_in_dim3A_249 = vector.shape_cast %reduce_min3A_248 : vector<256xi32> to vector<256x1xi32>
    %eq3A_250 = vector.broadcast %broadcast_in_dim3A_249 : vector<256x1xi32> to vector<256x2048xi32>
    %eq3A_251 = arith.cmpi eq, %select_n3A_243, %eq3A_250 : vector<256x2048xi32>
    %convert_element_type3A_252 = arith.extui %eq3A_251 : vector<256x2048xi1> to vector<256x2048xi32>
    %add3A_253 = arith.addi %add3A_240, %convert_element_type3A_252 : vector<256x2048xi32>
    %jit3A_254 = arith.constant 2147483647 : i32
    %broadcast_in_dim3A_255 = vector.broadcast %jit3A_254 : i32 to vector<256x2048xi32>
    %select_n3A_256 = arith.select %eq3A_251, %broadcast_in_dim3A_255, %select_n3A_243 : vector<256x2048xi1>, vector<256x2048xi32>
    %and3A_257 = arith.constant 2047 : i32
    %and3A_258 = vector.broadcast %and3A_257 : i32 to vector<256x1xi32>
    %and3A_259 = arith.andi %broadcast_in_dim3A_249, %and3A_258 : vector<256x1xi32>
    %reduce_min3A_260 = arith.constant dense<2147483647> : vector<256xi32>
    %reduce_min3A_261 = vector.multi_reduction <minsi>, %select_n3A_256, %reduce_min3A_260 [1] : vector<256x2048xi32> to vector<256xi32>
    %broadcast_in_dim3A_262 = vector.shape_cast %reduce_min3A_261 : vector<256xi32> to vector<256x1xi32>
    %eq3A_263 = vector.broadcast %broadcast_in_dim3A_262 : vector<256x1xi32> to vector<256x2048xi32>
    %eq3A_264 = arith.cmpi eq, %select_n3A_256, %eq3A_263 : vector<256x2048xi32>
    %convert_element_type3A_265 = arith.extui %eq3A_264 : vector<256x2048xi1> to vector<256x2048xi32>
    %add3A_266 = arith.addi %add3A_253, %convert_element_type3A_265 : vector<256x2048xi32>
    %and3A_267 = arith.constant 2047 : i32
    %and3A_268 = vector.broadcast %and3A_267 : i32 to vector<256x1xi32>
    %and3A_269 = arith.andi %broadcast_in_dim3A_262, %and3A_268 : vector<256x1xi32>
    %concatenate3A_270 = tpu.concatenate %and3A_90, %and3A_103, %and3A_116, %and3A_129, %and3A_142, %and3A_155, %and3A_168, %and3A_181, %and3A_194, %and3A_207, %and3A_220, %and3A_233, %and3A_246, %and3A_259, %and3A_269 in 1 : vector<256x1xi32>, vector<256x1xi32>, vector<256x1xi32>, vector<256x1xi32>, vector<256x1xi32>, vector<256x1xi32>, vector<256x1xi32>, vector<256x1xi32>, vector<256x1xi32>, vector<256x1xi32>, vector<256x1xi32>, vector<256x1xi32>, vector<256x1xi32>, vector<256x1xi32>, vector<256x1xi32> -> vector<256x15xi32>
    %transpose3A_271 = tpu.transpose %concatenate3A_270, [1, 0] : vector<256x15xi32> -> vector<15x256xi32>
    %mul3A_272 = arith.constant 2048 : i32
    %mul3A_273 = arith.muli %arg0, %mul3A_272 : i32
    %add3A_274 = vector.broadcast %mul3A_273 : i32 to vector<15x256xi32>
    %add3A_275 = arith.addi %transpose3A_271, %add3A_274 : vector<15x256xi32>
    %swap3A_276 = arith.constant 0 : index
    %swap3A_277 = arith.constant 0 : index
    %swap3A_278 = arith.constant 0 : index
    %swap3A_279 = arith.constant 0 : index
    %swap3A_280 = vector.load %arg13[%swap3A_276, %swap3A_277, %swap3A_278, %swap3A_279] : memref<1x1x15x256xi32, #tpu.memory_space<vmem>>, vector<1x1x15x256xi32>
    %swap3A_281 = vector.shape_cast %swap3A_280 : vector<1x1x15x256xi32> to vector<15x256xi32>
    %swap3A_282 = vector.shape_cast %add3A_275 : vector<15x256xi32> to vector<1x1x15x256xi32>
    tpu.vector_store %arg13[%swap3A_276, %swap3A_277, %swap3A_278, %swap3A_279], %swap3A_282 {strides = array<i32>} : memref<1x1x15x256xi32, #tpu.memory_space<vmem>>, vector<1x1x15x256xi32>,
    %slice3A = vector.extract_strided_slice %get3A_3 {offsets = [0, 0], sizes = [1, 2048], strides = [1, 1]} : vector<3x2048xf32> to vector<1x2048xf32>
    %mul3A_283 = vector.broadcast %slice3A : vector<1x2048xf32> to vector<3x2048xf32>
    %mul3A_284 = arith.mulf %mul3A_283, %get3A_3 : vector<3x2048xf32>
    %slice3A_285 = vector.extract_strided_slice %get3A_3 {offsets = [1, 0], sizes = [1, 2048], strides = [1, 1]} : vector<3x2048xf32> to vector<1x2048xf32>
    %mul3A_286 = vector.broadcast %slice3A_285 : vector<1x2048xf32> to vector<3x2048xf32>
    %mul3A_287 = arith.mulf %mul3A_286, %get3A_3 : vector<3x2048xf32>
    %slice3A_288 = vector.extract_strided_slice %get3A_3 {offsets = [2, 0], sizes = [1, 2048], strides = [1, 1]} : vector<3x2048xf32> to vector<1x2048xf32>
    %mul3A_289 = vector.broadcast %slice3A_288 : vector<1x2048xf32> to vector<3x2048xf32>
    %mul3A_290 = arith.mulf %mul3A_289, %get3A_3 : vector<3x2048xf32>
    %concatenate3A_291 = tpu.concatenate %get3A_3, %mul3A_284, %mul3A_287, %mul3A_290 in 0 : vector<3x2048xf32>, vector<3x2048xf32>, vector<3x2048xf32>, vector<3x2048xf32> -> vector<12x2048xf32>
    %convert_element_type3A_292 = arith.sitofp %add3A_266 : vector<256x2048xi32> to vector<256x2048xf32>
    %dot_general3A_293 = arith.constant dense<0.000000e+00> : vector<256x12xf32>
    %dot_general3A_294 = tpu.matmul %convert_element_type3A_292, %concatenate3A_291, %dot_general3A_293 {dimension_numbers = #tpu.dot_dimension_numbers<[1], [1], [0], [0], [0, 0, 1, 0], [], []>, transpose_lhs_hint = false} : vector<256x2048xf32>, vector<12x2048xf32>, vector<256x12xf32> -> vector<256x12xf32>
    %slice3A_295 = vector.extract_strided_slice %dot_general3A_294 {offsets = [0, 0], sizes = [256, 3], strides = [1, 1]} : vector<256x12xf32> to vector<256x3xf32>
    %mul3A_296 = arith.constant 6.250000e-02 : f32
    %mul3A_297 = vector.broadcast %mul3A_296 : f32 to vector<256x3xf32>
    %mul3A_298 = arith.mulf %slice3A_295, %mul3A_297 : vector<256x3xf32>
    %slice3A_299 = vector.extract_strided_slice %dot_general3A_294 {offsets = [0, 3], sizes = [256, 9], strides = [1, 1]} : vector<256x12xf32> to vector<256x9xf32>
    %mul3A_300 = arith.constant 6.250000e-02 : f32
    %mul3A_301 = vector.broadcast %mul3A_300 : f32 to vector<256x9xf32>
    %mul3A_302 = arith.mulf %slice3A_299, %mul3A_301 : vector<256x9xf32>
    %slice3A_303 = vector.extract_strided_slice %mul3A_298 {offsets = [0, 0], sizes = [256, 1], strides = [1, 1]} : vector<256x3xf32> to vector<256x1xf32>
    %mul3A_304 = vector.broadcast %slice3A_303 : vector<256x1xf32> to vector<256x3xf32>
    %mul3A_305 = arith.mulf %mul3A_298, %mul3A_304 : vector<256x3xf32>
    %slice3A_306 = vector.extract_strided_slice %mul3A_298 {offsets = [0, 1], sizes = [256, 1], strides = [1, 1]} : vector<256x3xf32> to vector<256x1xf32>
    %mul3A_307 = vector.broadcast %slice3A_306 : vector<256x1xf32> to vector<256x3xf32>
    %mul3A_308 = arith.mulf %mul3A_298, %mul3A_307 : vector<256x3xf32>
    %slice3A_309 = vector.extract_strided_slice %mul3A_298 {offsets = [0, 2], sizes = [256, 1], strides = [1, 1]} : vector<256x3xf32> to vector<256x1xf32>
    %mul3A_310 = vector.broadcast %slice3A_309 : vector<256x1xf32> to vector<256x3xf32>
    %mul3A_311 = arith.mulf %mul3A_298, %mul3A_310 : vector<256x3xf32>
    %concatenate3A_312 = tpu.concatenate %mul3A_305, %mul3A_308, %mul3A_311 in 1 : vector<256x3xf32>, vector<256x3xf32>, vector<256x3xf32> -> vector<256x9xf32>
    %sub3A = arith.subf %mul3A_302, %concatenate3A_312 : vector<256x9xf32>
    %get3A_313 = arith.constant 0 : index
    %get3A_314 = arith.constant 0 : index
    %get3A_315 = vector.load %arg9[%get3A_313, %get3A_314] : memref<32x9xf32, #tpu.memory_space<vmem>>, vector<32x9xf32>
    %dot_general3A_316 = arith.constant dense<0.000000e+00> : vector<256x32xf32>
    %dot_general3A_317 = tpu.matmul %sub3A, %get3A_315, %dot_general3A_316 {dimension_numbers = #tpu.dot_dimension_numbers<[1], [1], [0], [0], [0, 0, 1, 0], [], []>, transpose_lhs_hint = false} : vector<256x9xf32>, vector<32x9xf32>, vector<256x32xf32> -> vector<256x32xf32>
    %get3A_318 = arith.constant 0 : index
    %get3A_319 = arith.constant 0 : index
    %get3A_320 = vector.load %arg11[%get3A_318, %get3A_319] : memref<1x32xf32, #tpu.memory_space<vmem>>, vector<1x32xf32>
    %mul3A_321 = vector.broadcast %get3A_320 : vector<1x32xf32> to vector<256x32xf32>
    %mul3A_322 = arith.mulf %dot_general3A_317, %mul3A_321 : vector<256x32xf32>
    %get3A_323 = arith.constant 0 : index
    %get3A_324 = arith.constant 0 : index
    %get3A_325 = vector.load %arg10[%get3A_323, %get3A_324] : memref<1x32xf32, #tpu.memory_space<vmem>>, vector<1x32xf32>
    %add3A_326 = vector.broadcast %get3A_325 : vector<1x32xf32> to vector<256x32xf32>
    %add3A_327 = arith.addf %mul3A_322, %add3A_326 : vector<256x32xf32>
    %max3A_328 = arith.constant 0.000000e+00 : f32
    %max3A_329 = vector.broadcast %max3A_328 : f32 to vector<256x32xf32>
    %max3A_330 = arith.maximumf %add3A_327, %max3A_329 : vector<256x32xf32>
    %swap3A_331 = arith.constant 0 : index
    %swap3A_332 = arith.constant 0 : index
    %swap3A_333 = arith.constant 0 : index
    %swap3A_334 = vector.load %arg14[%swap3A_331, %swap3A_332, %swap3A_333] : memref<1x256x32xf32, #tpu.memory_space<vmem>>, vector<1x256x32xf32>
    %swap3A_335 = vector.shape_cast %swap3A_334 : vector<1x256x32xf32> to vector<256x32xf32>
    %swap3A_336 = vector.shape_cast %max3A_330 : vector<256x32xf32> to vector<1x256x32xf32>
    tpu.vector_store %arg14[%swap3A_331, %swap3A_332, %swap3A_333], %swap3A_336 {strides = array<i32>} : memref<1x256x32xf32, #tpu.memory_space<vmem>>, vector<1x256x32xf32>,
    return
  }
  func.func @transform_0(%arg0: i32, %arg1: i32) -> (i32, i32, i32) {
    %c0_i32 = arith.constant 0 : i32
    %c0_i32_0 = arith.constant 0 : i32
    %c0_i32_1 = arith.constant 0 : i32
    return %arg0, %c0_i32, %c0_i32_0 : i32, i32, i32
  }
  func.func @transform_1(%arg0: i32, %arg1: i32) -> (i32, i32) {
    %c0_i32 = arith.constant 0 : i32
    %c0_i32_0 = arith.constant 0 : i32
    %c0_i32_1 = arith.constant 0 : i32
    return %c0_i32, %c0_i32_0 : i32, i32
  }
  func.func @transform_2(%arg0: i32, %arg1: i32) -> (i32, i32) {
    %c0_i32 = arith.constant 0 : i32
    %c0_i32_0 = arith.constant 0 : i32
    %c0_i32_1 = arith.constant 0 : i32
    return %c0_i32, %c0_i32_0 : i32, i32
  }
  func.func @transform_3(%arg0: i32, %arg1: i32) -> (i32, i32) {
    %c0_i32 = arith.constant 0 : i32
    %c0_i32_0 = arith.constant 0 : i32
    %c0_i32_1 = arith.constant 0 : i32
    return %c0_i32, %c0_i32_0 : i32, i32
  }
  func.func @transform_4(%arg0: i32, %arg1: i32) -> (i32, i32) {
    %c0_i32 = arith.constant 0 : i32
    %c0_i32_0 = arith.constant 0 : i32
    %c0_i32_1 = arith.constant 0 : i32
    return %c0_i32, %c0_i32_0 : i32, i32
  }
  func.func @transform_5(%arg0: i32, %arg1: i32) -> (i32, i32) {
    %c0_i32 = arith.constant 0 : i32
    %c0_i32_0 = arith.constant 0 : i32
    %c0_i32_1 = arith.constant 0 : i32
    return %c0_i32, %c0_i32_0 : i32, i32
  }
  func.func @transform_6(%arg0: i32, %arg1: i32) -> (i32, i32) {
    %c0_i32 = arith.constant 0 : i32
    %c0_i32_0 = arith.constant 0 : i32
    %c0_i32_1 = arith.constant 0 : i32
    return %c0_i32, %c0_i32_0 : i32, i32
  }
  func.func @transform_7(%arg0: i32, %arg1: i32) -> (i32, i32) {
    %c0_i32 = arith.constant 0 : i32
    %c0_i32_0 = arith.constant 0 : i32
    %c0_i32_1 = arith.constant 0 : i32
    return %c0_i32, %c0_i32_0 : i32, i32
  }
  func.func @transform_8(%arg0: i32, %arg1: i32) -> (i32, i32) {
    %c0_i32 = arith.constant 0 : i32
    %c0_i32_0 = arith.constant 0 : i32
    %c0_i32_1 = arith.constant 0 : i32
    return %c0_i32, %c0_i32_0 : i32, i32
  }
  func.func @transform_9(%arg0: i32, %arg1: i32) -> (i32, i32) {
    %c0_i32 = arith.constant 0 : i32
    %c0_i32_0 = arith.constant 0 : i32
    %c0_i32_1 = arith.constant 0 : i32
    return %c0_i32, %c0_i32_0 : i32, i32
  }
  func.func @transform_10(%arg0: i32, %arg1: i32) -> (i32, i32, i32) {
    %c0_i32 = arith.constant 0 : i32
    %c0_i32_0 = arith.constant 0 : i32
    return %arg0, %arg1, %c0_i32 : i32, i32, i32
  }
  func.func @transform_11(%arg0: i32, %arg1: i32) -> (i32, i32, i32, i32) {
    %c0_i32 = arith.constant 0 : i32
    %c0_i32_0 = arith.constant 0 : i32
    %c0_i32_1 = arith.constant 0 : i32
    return %arg0, %arg1, %c0_i32, %c0_i32_0 : i32, i32, i32, i32
  }
  func.func @transform_12(%arg0: i32, %arg1: i32) -> (i32, i32, i32) {
    %c0_i32 = arith.constant 0 : i32
    %c0_i32_0 = arith.constant 0 : i32
    return %arg0, %arg1, %c0_i32 : i32, i32, i32
  }
}

module attributes {stable_mosaic.version = 14 : i64} {
  func.func @_stage3_body(%arg0: i32, %arg1: i32, %arg2: memref<1x1x3840x128xf32, #tpu.memory_space<vmem>>, %arg3: memref<1x256x128xf32, #tpu.memory_space<vmem>>, %arg4: memref<1x256x32xf32, #tpu.memory_space<vmem>>, %arg5: memref<1x3x256xf32, #tpu.memory_space<vmem>>, %arg6: memref<128x128xf32, #tpu.memory_space<vmem>>, %arg7: memref<1x128xf32, #tpu.memory_space<vmem>>, %arg8: memref<1x128xf32, #tpu.memory_space<vmem>>, %arg9: memref<128x128xf32, #tpu.memory_space<vmem>>, %arg10: memref<1x128xf32, #tpu.memory_space<vmem>>, %arg11: memref<128x96xf32, #tpu.memory_space<vmem>>, %arg12: memref<1x128xf32, #tpu.memory_space<vmem>>, %arg13: memref<1x128xf32, #tpu.memory_space<vmem>>, %arg14: memref<12x128xf32, #tpu.memory_space<vmem>>, %arg15: memref<12x1xf32, #tpu.memory_space<vmem>>, %arg16: memref<1x3x4x256xf32, #tpu.memory_space<vmem>>) attributes {dimension_semantics = [#tpu.dimension_semantics<arbitrary>, #tpu.dimension_semantics<arbitrary>], iteration_bounds = array<i64: 4, 8>, scalar_prefetch = 0 : i64, scratch_operands = 0 : i64, tpu.core_type = #tpu.core_type<tc>, window_params = [{transform_indices = @transform_0, window_bounds = array<i64: 1, 1, 3840, 128>}, {transform_indices = @transform_1, window_bounds = array<i64: 1, 256, 128>}, {transform_indices = @transform_2, window_bounds = array<i64: 1, 256, 32>}, {transform_indices = @transform_3, window_bounds = array<i64: 1, 3, 256>}, {pipeline_mode = #tpu.pipeline_mode<synchronous>, transform_indices = @transform_4, window_bounds = array<i64: 128, 128>}, {pipeline_mode = #tpu.pipeline_mode<synchronous>, transform_indices = @transform_5, window_bounds = array<i64: 1, 128>}, {pipeline_mode = #tpu.pipeline_mode<synchronous>, transform_indices = @transform_6, window_bounds = array<i64: 1, 128>}, {pipeline_mode = #tpu.pipeline_mode<synchronous>, transform_indices = @transform_7, window_bounds = array<i64: 128, 128>}, {pipeline_mode = #tpu.pipeline_mode<synchronous>, transform_indices = @transform_8, window_bounds = array<i64: 1, 128>}, {pipeline_mode = #tpu.pipeline_mode<synchronous>, transform_indices = @transform_9, window_bounds = array<i64: 128, 96>}, {pipeline_mode = #tpu.pipeline_mode<synchronous>, transform_indices = @transform_10, window_bounds = array<i64: 1, 128>}, {pipeline_mode = #tpu.pipeline_mode<synchronous>, transform_indices = @transform_11, window_bounds = array<i64: 1, 128>}, {pipeline_mode = #tpu.pipeline_mode<synchronous>, transform_indices = @transform_12, window_bounds = array<i64: 12, 128>}, {pipeline_mode = #tpu.pipeline_mode<synchronous>, transform_indices = @transform_13, window_bounds = array<i64: 12, 1>}, {transform_indices = @transform_14, window_bounds = array<i64: 1, 3, 4, 256>}]} {
    %get3A = arith.constant 0 : index
    %get3A_0 = arith.constant 0 : index
    %get3A_1 = arith.constant 0 : index
    %get3A_2 = vector.load %arg3[%get3A, %get3A_0, %get3A_1] : memref<1x256x128xf32, #tpu.memory_space<vmem>>, vector<1x256x128xf32>
    %get3A_3 = vector.shape_cast %get3A_2 : vector<1x256x128xf32> to vector<256x128xf32>
    %get3A_4 = arith.constant 0 : index
    %get3A_5 = arith.constant 0 : index
    %get3A_6 = arith.constant 0 : index
    %get3A_7 = arith.constant 0 : index
    %get3A_8 = vector.load %arg2[%get3A_4, %get3A_5, %get3A_6, %get3A_7] : memref<1x1x3840x128xf32, #tpu.memory_space<vmem>>, vector<1x1x3840x128xf32>
    %get3A_9 = vector.shape_cast %get3A_8 : vector<1x1x3840x128xf32> to vector<3840x128xf32>
    %get3A_10 = arith.constant 0 : index
    %get3A_11 = arith.constant 0 : index
    %get3A_12 = vector.load %arg6[%get3A_10, %get3A_11] : memref<128x128xf32, #tpu.memory_space<vmem>>, vector<128x128xf32>
    %dot_general3A = arith.constant dense<0.000000e+00> : vector<3840x128xf32>
    %dot_general3A_13 = tpu.matmul %get3A_9, %get3A_12, %dot_general3A {dimension_numbers = #tpu.dot_dimension_numbers<[1], [1], [0], [0], [0, 0, 1, 0], [], []>, transpose_lhs_hint = false} : vector<3840x128xf32>, vector<128x128xf32>, vector<3840x128xf32> -> vector<3840x128xf32>
    %get3A_14 = arith.constant 0 : index
    %get3A_15 = arith.constant 0 : index
    %get3A_16 = vector.load %arg6[%get3A_14, %get3A_15] : memref<128x128xf32, #tpu.memory_space<vmem>>, vector<128x128xf32>
    %dot_general3A_17 = arith.constant dense<0.000000e+00> : vector<256x128xf32>
    %dot_general3A_18 = tpu.matmul %get3A_3, %get3A_16, %dot_general3A_17 {dimension_numbers = #tpu.dot_dimension_numbers<[1], [1], [0], [0], [0, 0, 1, 0], [], []>, transpose_lhs_hint = false} : vector<256x128xf32>, vector<128x128xf32>, vector<256x128xf32> -> vector<256x128xf32>
    %slice3A = vector.extract_strided_slice %dot_general3A_13 {offsets = [0, 0], sizes = [256, 128], strides = [1, 1]} : vector<3840x128xf32> to vector<256x128xf32>
    %sub3A = arith.subf %slice3A, %dot_general3A_18 : vector<256x128xf32>
    %get3A_19 = arith.constant 0 : index
    %get3A_20 = arith.constant 0 : index
    %get3A_21 = vector.load %arg8[%get3A_19, %get3A_20] : memref<1x128xf32, #tpu.memory_space<vmem>>, vector<1x128xf32>
    %mul3A = vector.broadcast %get3A_21 : vector<1x128xf32> to vector<256x128xf32>
    %mul3A_22 = arith.mulf %sub3A, %mul3A : vector<256x128xf32>
    %get3A_23 = arith.constant 0 : index
    %get3A_24 = arith.constant 0 : index
    %get3A_25 = vector.load %arg7[%get3A_23, %get3A_24] : memref<1x128xf32, #tpu.memory_space<vmem>>, vector<1x128xf32>
    %add3A = vector.broadcast %get3A_25 : vector<1x128xf32> to vector<256x128xf32>
    %add3A_26 = arith.addf %mul3A_22, %add3A : vector<256x128xf32>
    %max3A = arith.constant 0.000000e+00 : f32
    %max3A_27 = vector.broadcast %max3A : f32 to vector<256x128xf32>
    %max3A_28 = arith.maximumf %add3A_26, %max3A_27 : vector<256x128xf32>
    %slice3A_29 = vector.extract_strided_slice %dot_general3A_13 {offsets = [256, 0], sizes = [256, 128], strides = [1, 1]} : vector<3840x128xf32> to vector<256x128xf32>
    %sub3A_30 = arith.subf %slice3A_29, %dot_general3A_18 : vector<256x128xf32>
    %get3A_31 = arith.constant 0 : index
    %get3A_32 = arith.constant 0 : index
    %get3A_33 = vector.load %arg8[%get3A_31, %get3A_32] : memref<1x128xf32, #tpu.memory_space<vmem>>, vector<1x128xf32>
    %mul3A_34 = vector.broadcast %get3A_33 : vector<1x128xf32> to vector<256x128xf32>
    %mul3A_35 = arith.mulf %sub3A_30, %mul3A_34 : vector<256x128xf32>
    %get3A_36 = arith.constant 0 : index
    %get3A_37 = arith.constant 0 : index
    %get3A_38 = vector.load %arg7[%get3A_36, %get3A_37] : memref<1x128xf32, #tpu.memory_space<vmem>>, vector<1x128xf32>
    %add3A_39 = vector.broadcast %get3A_38 : vector<1x128xf32> to vector<256x128xf32>
    %add3A_40 = arith.addf %mul3A_35, %add3A_39 : vector<256x128xf32>
    %max3A_41 = arith.constant 0.000000e+00 : f32
    %max3A_42 = vector.broadcast %max3A_41 : f32 to vector<256x128xf32>
    %max3A_43 = arith.maximumf %add3A_40, %max3A_42 : vector<256x128xf32>
    %slice3A_44 = vector.extract_strided_slice %dot_general3A_13 {offsets = [512, 0], sizes = [256, 128], strides = [1, 1]} : vector<3840x128xf32> to vector<256x128xf32>
    %sub3A_45 = arith.subf %slice3A_44, %dot_general3A_18 : vector<256x128xf32>
    %get3A_46 = arith.constant 0 : index
    %get3A_47 = arith.constant 0 : index
    %get3A_48 = vector.load %arg8[%get3A_46, %get3A_47] : memref<1x128xf32, #tpu.memory_space<vmem>>, vector<1x128xf32>
    %mul3A_49 = vector.broadcast %get3A_48 : vector<1x128xf32> to vector<256x128xf32>
    %mul3A_50 = arith.mulf %sub3A_45, %mul3A_49 : vector<256x128xf32>
    %get3A_51 = arith.constant 0 : index
    %get3A_52 = arith.constant 0 : index
    %get3A_53 = vector.load %arg7[%get3A_51, %get3A_52] : memref<1x128xf32, #tpu.memory_space<vmem>>, vector<1x128xf32>
    %add3A_54 = vector.broadcast %get3A_53 : vector<1x128xf32> to vector<256x128xf32>
    %add3A_55 = arith.addf %mul3A_50, %add3A_54 : vector<256x128xf32>
    %max3A_56 = arith.constant 0.000000e+00 : f32
    %max3A_57 = vector.broadcast %max3A_56 : f32 to vector<256x128xf32>
    %max3A_58 = arith.maximumf %add3A_55, %max3A_57 : vector<256x128xf32>
    %slice3A_59 = vector.extract_strided_slice %dot_general3A_13 {offsets = [768, 0], sizes = [256, 128], strides = [1, 1]} : vector<3840x128xf32> to vector<256x128xf32>
    %sub3A_60 = arith.subf %slice3A_59, %dot_general3A_18 : vector<256x128xf32>
    %get3A_61 = arith.constant 0 : index
    %get3A_62 = arith.constant 0 : index
    %get3A_63 = vector.load %arg8[%get3A_61, %get3A_62] : memref<1x128xf32, #tpu.memory_space<vmem>>, vector<1x128xf32>
    %mul3A_64 = vector.broadcast %get3A_63 : vector<1x128xf32> to vector<256x128xf32>
    %mul3A_65 = arith.mulf %sub3A_60, %mul3A_64 : vector<256x128xf32>
    %get3A_66 = arith.constant 0 : index
    %get3A_67 = arith.constant 0 : index
    %get3A_68 = vector.load %arg7[%get3A_66, %get3A_67] : memref<1x128xf32, #tpu.memory_space<vmem>>, vector<1x128xf32>
    %add3A_69 = vector.broadcast %get3A_68 : vector<1x128xf32> to vector<256x128xf32>
    %add3A_70 = arith.addf %mul3A_65, %add3A_69 : vector<256x128xf32>
    %max3A_71 = arith.constant 0.000000e+00 : f32
    %max3A_72 = vector.broadcast %max3A_71 : f32 to vector<256x128xf32>
    %max3A_73 = arith.maximumf %add3A_70, %max3A_72 : vector<256x128xf32>
    %slice3A_74 = vector.extract_strided_slice %dot_general3A_13 {offsets = [1024, 0], sizes = [256, 128], strides = [1, 1]} : vector<3840x128xf32> to vector<256x128xf32>
    %sub3A_75 = arith.subf %slice3A_74, %dot_general3A_18 : vector<256x128xf32>
    %get3A_76 = arith.constant 0 : index
    %get3A_77 = arith.constant 0 : index
    %get3A_78 = vector.load %arg8[%get3A_76, %get3A_77] : memref<1x128xf32, #tpu.memory_space<vmem>>, vector<1x128xf32>
    %mul3A_79 = vector.broadcast %get3A_78 : vector<1x128xf32> to vector<256x128xf32>
    %mul3A_80 = arith.mulf %sub3A_75, %mul3A_79 : vector<256x128xf32>
    %get3A_81 = arith.constant 0 : index
    %get3A_82 = arith.constant 0 : index
    %get3A_83 = vector.load %arg7[%get3A_81, %get3A_82] : memref<1x128xf32, #tpu.memory_space<vmem>>, vector<1x128xf32>
    %add3A_84 = vector.broadcast %get3A_83 : vector<1x128xf32> to vector<256x128xf32>
    %add3A_85 = arith.addf %mul3A_80, %add3A_84 : vector<256x128xf32>
    %max3A_86 = arith.constant 0.000000e+00 : f32
    %max3A_87 = vector.broadcast %max3A_86 : f32 to vector<256x128xf32>
    %max3A_88 = arith.maximumf %add3A_85, %max3A_87 : vector<256x128xf32>
    %slice3A_89 = vector.extract_strided_slice %dot_general3A_13 {offsets = [1280, 0], sizes = [256, 128], strides = [1, 1]} : vector<3840x128xf32> to vector<256x128xf32>
    %sub3A_90 = arith.subf %slice3A_89, %dot_general3A_18 : vector<256x128xf32>
    %get3A_91 = arith.constant 0 : index
    %get3A_92 = arith.constant 0 : index
    %get3A_93 = vector.load %arg8[%get3A_91, %get3A_92] : memref<1x128xf32, #tpu.memory_space<vmem>>, vector<1x128xf32>
    %mul3A_94 = vector.broadcast %get3A_93 : vector<1x128xf32> to vector<256x128xf32>
    %mul3A_95 = arith.mulf %sub3A_90, %mul3A_94 : vector<256x128xf32>
    %get3A_96 = arith.constant 0 : index
    %get3A_97 = arith.constant 0 : index
    %get3A_98 = vector.load %arg7[%get3A_96, %get3A_97] : memref<1x128xf32, #tpu.memory_space<vmem>>, vector<1x128xf32>
    %add3A_99 = vector.broadcast %get3A_98 : vector<1x128xf32> to vector<256x128xf32>
    %add3A_100 = arith.addf %mul3A_95, %add3A_99 : vector<256x128xf32>
    %max3A_101 = arith.constant 0.000000e+00 : f32
    %max3A_102 = vector.broadcast %max3A_101 : f32 to vector<256x128xf32>
    %max3A_103 = arith.maximumf %add3A_100, %max3A_102 : vector<256x128xf32>
    %slice3A_104 = vector.extract_strided_slice %dot_general3A_13 {offsets = [1536, 0], sizes = [256, 128], strides = [1, 1]} : vector<3840x128xf32> to vector<256x128xf32>
    %sub3A_105 = arith.subf %slice3A_104, %dot_general3A_18 : vector<256x128xf32>
    %get3A_106 = arith.constant 0 : index
    %get3A_107 = arith.constant 0 : index
    %get3A_108 = vector.load %arg8[%get3A_106, %get3A_107] : memref<1x128xf32, #tpu.memory_space<vmem>>, vector<1x128xf32>
    %mul3A_109 = vector.broadcast %get3A_108 : vector<1x128xf32> to vector<256x128xf32>
    %mul3A_110 = arith.mulf %sub3A_105, %mul3A_109 : vector<256x128xf32>
    %get3A_111 = arith.constant 0 : index
    %get3A_112 = arith.constant 0 : index
    %get3A_113 = vector.load %arg7[%get3A_111, %get3A_112] : memref<1x128xf32, #tpu.memory_space<vmem>>, vector<1x128xf32>
    %add3A_114 = vector.broadcast %get3A_113 : vector<1x128xf32> to vector<256x128xf32>
    %add3A_115 = arith.addf %mul3A_110, %add3A_114 : vector<256x128xf32>
    %max3A_116 = arith.constant 0.000000e+00 : f32
    %max3A_117 = vector.broadcast %max3A_116 : f32 to vector<256x128xf32>
    %max3A_118 = arith.maximumf %add3A_115, %max3A_117 : vector<256x128xf32>
    %slice3A_119 = vector.extract_strided_slice %dot_general3A_13 {offsets = [1792, 0], sizes = [256, 128], strides = [1, 1]} : vector<3840x128xf32> to vector<256x128xf32>
    %sub3A_120 = arith.subf %slice3A_119, %dot_general3A_18 : vector<256x128xf32>
    %get3A_121 = arith.constant 0 : index
    %get3A_122 = arith.constant 0 : index
    %get3A_123 = vector.load %arg8[%get3A_121, %get3A_122] : memref<1x128xf32, #tpu.memory_space<vmem>>, vector<1x128xf32>
    %mul3A_124 = vector.broadcast %get3A_123 : vector<1x128xf32> to vector<256x128xf32>
    %mul3A_125 = arith.mulf %sub3A_120, %mul3A_124 : vector<256x128xf32>
    %get3A_126 = arith.constant 0 : index
    %get3A_127 = arith.constant 0 : index
    %get3A_128 = vector.load %arg7[%get3A_126, %get3A_127] : memref<1x128xf32, #tpu.memory_space<vmem>>, vector<1x128xf32>
    %add3A_129 = vector.broadcast %get3A_128 : vector<1x128xf32> to vector<256x128xf32>
    %add3A_130 = arith.addf %mul3A_125, %add3A_129 : vector<256x128xf32>
    %max3A_131 = arith.constant 0.000000e+00 : f32
    %max3A_132 = vector.broadcast %max3A_131 : f32 to vector<256x128xf32>
    %max3A_133 = arith.maximumf %add3A_130, %max3A_132 : vector<256x128xf32>
    %slice3A_134 = vector.extract_strided_slice %dot_general3A_13 {offsets = [2048, 0], sizes = [256, 128], strides = [1, 1]} : vector<3840x128xf32> to vector<256x128xf32>
    %sub3A_135 = arith.subf %slice3A_134, %dot_general3A_18 : vector<256x128xf32>
    %get3A_136 = arith.constant 0 : index
    %get3A_137 = arith.constant 0 : index
    %get3A_138 = vector.load %arg8[%get3A_136, %get3A_137] : memref<1x128xf32, #tpu.memory_space<vmem>>, vector<1x128xf32>
    %mul3A_139 = vector.broadcast %get3A_138 : vector<1x128xf32> to vector<256x128xf32>
    %mul3A_140 = arith.mulf %sub3A_135, %mul3A_139 : vector<256x128xf32>
    %get3A_141 = arith.constant 0 : index
    %get3A_142 = arith.constant 0 : index
    %get3A_143 = vector.load %arg7[%get3A_141, %get3A_142] : memref<1x128xf32, #tpu.memory_space<vmem>>, vector<1x128xf32>
    %add3A_144 = vector.broadcast %get3A_143 : vector<1x128xf32> to vector<256x128xf32>
    %add3A_145 = arith.addf %mul3A_140, %add3A_144 : vector<256x128xf32>
    %max3A_146 = arith.constant 0.000000e+00 : f32
    %max3A_147 = vector.broadcast %max3A_146 : f32 to vector<256x128xf32>
    %max3A_148 = arith.maximumf %add3A_145, %max3A_147 : vector<256x128xf32>
    %slice3A_149 = vector.extract_strided_slice %dot_general3A_13 {offsets = [2304, 0], sizes = [256, 128], strides = [1, 1]} : vector<3840x128xf32> to vector<256x128xf32>
    %sub3A_150 = arith.subf %slice3A_149, %dot_general3A_18 : vector<256x128xf32>
    %get3A_151 = arith.constant 0 : index
    %get3A_152 = arith.constant 0 : index
    %get3A_153 = vector.load %arg8[%get3A_151, %get3A_152] : memref<1x128xf32, #tpu.memory_space<vmem>>, vector<1x128xf32>
    %mul3A_154 = vector.broadcast %get3A_153 : vector<1x128xf32> to vector<256x128xf32>
    %mul3A_155 = arith.mulf %sub3A_150, %mul3A_154 : vector<256x128xf32>
    %get3A_156 = arith.constant 0 : index
    %get3A_157 = arith.constant 0 : index
    %get3A_158 = vector.load %arg7[%get3A_156, %get3A_157] : memref<1x128xf32, #tpu.memory_space<vmem>>, vector<1x128xf32>
    %add3A_159 = vector.broadcast %get3A_158 : vector<1x128xf32> to vector<256x128xf32>
    %add3A_160 = arith.addf %mul3A_155, %add3A_159 : vector<256x128xf32>
    %max3A_161 = arith.constant 0.000000e+00 : f32
    %max3A_162 = vector.broadcast %max3A_161 : f32 to vector<256x128xf32>
    %max3A_163 = arith.maximumf %add3A_160, %max3A_162 : vector<256x128xf32>
    %slice3A_164 = vector.extract_strided_slice %dot_general3A_13 {offsets = [2560, 0], sizes = [256, 128], strides = [1, 1]} : vector<3840x128xf32> to vector<256x128xf32>
    %sub3A_165 = arith.subf %slice3A_164, %dot_general3A_18 : vector<256x128xf32>
    %get3A_166 = arith.constant 0 : index
    %get3A_167 = arith.constant 0 : index
    %get3A_168 = vector.load %arg8[%get3A_166, %get3A_167] : memref<1x128xf32, #tpu.memory_space<vmem>>, vector<1x128xf32>
    %mul3A_169 = vector.broadcast %get3A_168 : vector<1x128xf32> to vector<256x128xf32>
    %mul3A_170 = arith.mulf %sub3A_165, %mul3A_169 : vector<256x128xf32>
    %get3A_171 = arith.constant 0 : index
    %get3A_172 = arith.constant 0 : index
    %get3A_173 = vector.load %arg7[%get3A_171, %get3A_172] : memref<1x128xf32, #tpu.memory_space<vmem>>, vector<1x128xf32>
    %add3A_174 = vector.broadcast %get3A_173 : vector<1x128xf32> to vector<256x128xf32>
    %add3A_175 = arith.addf %mul3A_170, %add3A_174 : vector<256x128xf32>
    %max3A_176 = arith.constant 0.000000e+00 : f32
    %max3A_177 = vector.broadcast %max3A_176 : f32 to vector<256x128xf32>
    %max3A_178 = arith.maximumf %add3A_175, %max3A_177 : vector<256x128xf32>
    %slice3A_179 = vector.extract_strided_slice %dot_general3A_13 {offsets = [2816, 0], sizes = [256, 128], strides = [1, 1]} : vector<3840x128xf32> to vector<256x128xf32>
    %sub3A_180 = arith.subf %slice3A_179, %dot_general3A_18 : vector<256x128xf32>
    %get3A_181 = arith.constant 0 : index
    %get3A_182 = arith.constant 0 : index
    %get3A_183 = vector.load %arg8[%get3A_181, %get3A_182] : memref<1x128xf32, #tpu.memory_space<vmem>>, vector<1x128xf32>
    %mul3A_184 = vector.broadcast %get3A_183 : vector<1x128xf32> to vector<256x128xf32>
    %mul3A_185 = arith.mulf %sub3A_180, %mul3A_184 : vector<256x128xf32>
    %get3A_186 = arith.constant 0 : index
    %get3A_187 = arith.constant 0 : index
    %get3A_188 = vector.load %arg7[%get3A_186, %get3A_187] : memref<1x128xf32, #tpu.memory_space<vmem>>, vector<1x128xf32>
    %add3A_189 = vector.broadcast %get3A_188 : vector<1x128xf32> to vector<256x128xf32>
    %add3A_190 = arith.addf %mul3A_185, %add3A_189 : vector<256x128xf32>
    %max3A_191 = arith.constant 0.000000e+00 : f32
    %max3A_192 = vector.broadcast %max3A_191 : f32 to vector<256x128xf32>
    %max3A_193 = arith.maximumf %add3A_190, %max3A_192 : vector<256x128xf32>
    %slice3A_194 = vector.extract_strided_slice %dot_general3A_13 {offsets = [3072, 0], sizes = [256, 128], strides = [1, 1]} : vector<3840x128xf32> to vector<256x128xf32>
    %sub3A_195 = arith.subf %slice3A_194, %dot_general3A_18 : vector<256x128xf32>
    %get3A_196 = arith.constant 0 : index
    %get3A_197 = arith.constant 0 : index
    %get3A_198 = vector.load %arg8[%get3A_196, %get3A_197] : memref<1x128xf32, #tpu.memory_space<vmem>>, vector<1x128xf32>
    %mul3A_199 = vector.broadcast %get3A_198 : vector<1x128xf32> to vector<256x128xf32>
    %mul3A_200 = arith.mulf %sub3A_195, %mul3A_199 : vector<256x128xf32>
    %get3A_201 = arith.constant 0 : index
    %get3A_202 = arith.constant 0 : index
    %get3A_203 = vector.load %arg7[%get3A_201, %get3A_202] : memref<1x128xf32, #tpu.memory_space<vmem>>, vector<1x128xf32>
    %add3A_204 = vector.broadcast %get3A_203 : vector<1x128xf32> to vector<256x128xf32>
    %add3A_205 = arith.addf %mul3A_200, %add3A_204 : vector<256x128xf32>
    %max3A_206 = arith.constant 0.000000e+00 : f32
    %max3A_207 = vector.broadcast %max3A_206 : f32 to vector<256x128xf32>
    %max3A_208 = arith.maximumf %add3A_205, %max3A_207 : vector<256x128xf32>
    %slice3A_209 = vector.extract_strided_slice %dot_general3A_13 {offsets = [3328, 0], sizes = [256, 128], strides = [1, 1]} : vector<3840x128xf32> to vector<256x128xf32>
    %sub3A_210 = arith.subf %slice3A_209, %dot_general3A_18 : vector<256x128xf32>
    %get3A_211 = arith.constant 0 : index
    %get3A_212 = arith.constant 0 : index
    %get3A_213 = vector.load %arg8[%get3A_211, %get3A_212] : memref<1x128xf32, #tpu.memory_space<vmem>>, vector<1x128xf32>
    %mul3A_214 = vector.broadcast %get3A_213 : vector<1x128xf32> to vector<256x128xf32>
    %mul3A_215 = arith.mulf %sub3A_210, %mul3A_214 : vector<256x128xf32>
    %get3A_216 = arith.constant 0 : index
    %get3A_217 = arith.constant 0 : index
    %get3A_218 = vector.load %arg7[%get3A_216, %get3A_217] : memref<1x128xf32, #tpu.memory_space<vmem>>, vector<1x128xf32>
    %add3A_219 = vector.broadcast %get3A_218 : vector<1x128xf32> to vector<256x128xf32>
    %add3A_220 = arith.addf %mul3A_215, %add3A_219 : vector<256x128xf32>
    %max3A_221 = arith.constant 0.000000e+00 : f32
    %max3A_222 = vector.broadcast %max3A_221 : f32 to vector<256x128xf32>
    %max3A_223 = arith.maximumf %add3A_220, %max3A_222 : vector<256x128xf32>
    %slice3A_224 = vector.extract_strided_slice %dot_general3A_13 {offsets = [3584, 0], sizes = [256, 128], strides = [1, 1]} : vector<3840x128xf32> to vector<256x128xf32>
    %sub3A_225 = arith.subf %slice3A_224, %dot_general3A_18 : vector<256x128xf32>
    %get3A_226 = arith.constant 0 : index
    %get3A_227 = arith.constant 0 : index
    %get3A_228 = vector.load %arg8[%get3A_226, %get3A_227] : memref<1x128xf32, #tpu.memory_space<vmem>>, vector<1x128xf32>
    %mul3A_229 = vector.broadcast %get3A_228 : vector<1x128xf32> to vector<256x128xf32>
    %mul3A_230 = arith.mulf %sub3A_225, %mul3A_229 : vector<256x128xf32>
    %get3A_231 = arith.constant 0 : index
    %get3A_232 = arith.constant 0 : index
    %get3A_233 = vector.load %arg7[%get3A_231, %get3A_232] : memref<1x128xf32, #tpu.memory_space<vmem>>, vector<1x128xf32>
    %add3A_234 = vector.broadcast %get3A_233 : vector<1x128xf32> to vector<256x128xf32>
    %add3A_235 = arith.addf %mul3A_230, %add3A_234 : vector<256x128xf32>
    %max3A_236 = arith.constant 0.000000e+00 : f32
    %max3A_237 = vector.broadcast %max3A_236 : f32 to vector<256x128xf32>
    %max3A_238 = arith.maximumf %add3A_235, %max3A_237 : vector<256x128xf32>
    %concatenate3A = tpu.concatenate %max3A_28, %max3A_43, %max3A_58, %max3A_73, %max3A_88, %max3A_103, %max3A_118, %max3A_133, %max3A_148, %max3A_163, %max3A_178, %max3A_193, %max3A_208, %max3A_223, %max3A_238 in 0 : vector<256x128xf32>, vector<256x128xf32>, vector<256x128xf32>, vector<256x128xf32>, vector<256x128xf32>, vector<256x128xf32>, vector<256x128xf32>, vector<256x128xf32>, vector<256x128xf32>, vector<256x128xf32>, vector<256x128xf32>, vector<256x128xf32>, vector<256x128xf32>, vector<256x128xf32>, vector<256x128xf32> -> vector<3840x128xf32>
    %get3A_239 = arith.constant 0 : index
    %get3A_240 = arith.constant 0 : index
    %get3A_241 = vector.load %arg9[%get3A_239, %get3A_240] : memref<128x128xf32, #tpu.memory_space<vmem>>, vector<128x128xf32>
    %dot_general3A_242 = arith.constant dense<0.000000e+00> : vector<3840x128xf32>
    %dot_general3A_243 = tpu.matmul %concatenate3A, %get3A_241, %dot_general3A_242 {dimension_numbers = #tpu.dot_dimension_numbers<[1], [1], [0], [0], [0, 0, 1, 0], [], []>, transpose_lhs_hint = false} : vector<3840x128xf32>, vector<128x128xf32>, vector<3840x128xf32> -> vector<3840x128xf32>
    %get3A_244 = arith.constant 0 : index
    %get3A_245 = arith.constant 0 : index
    %get3A_246 = vector.load %arg10[%get3A_244, %get3A_245] : memref<1x128xf32, #tpu.memory_space<vmem>>, vector<1x128xf32>
    %add3A_247 = vector.broadcast %get3A_246 : vector<1x128xf32> to vector<3840x128xf32>
    %add3A_248 = arith.addf %dot_general3A_243, %add3A_247 : vector<3840x128xf32>
    %slice3A_249 = vector.extract_strided_slice %add3A_248 {offsets = [0, 0], sizes = [256, 128], strides = [1, 1]} : vector<3840x128xf32> to vector<256x128xf32>
    %slice3A_250 = vector.extract_strided_slice %add3A_248 {offsets = [256, 0], sizes = [256, 128], strides = [1, 1]} : vector<3840x128xf32> to vector<256x128xf32>
    %max3A_251 = arith.maximumf %slice3A_249, %slice3A_250 : vector<256x128xf32>
    %slice3A_252 = vector.extract_strided_slice %add3A_248 {offsets = [512, 0], sizes = [256, 128], strides = [1, 1]} : vector<3840x128xf32> to vector<256x128xf32>
    %max3A_253 = arith.maximumf %max3A_251, %slice3A_252 : vector<256x128xf32>
    %slice3A_254 = vector.extract_strided_slice %add3A_248 {offsets = [768, 0], sizes = [256, 128], strides = [1, 1]} : vector<3840x128xf32> to vector<256x128xf32>
    %max3A_255 = arith.maximumf %max3A_253, %slice3A_254 : vector<256x128xf32>
    %slice3A_256 = vector.extract_strided_slice %add3A_248 {offsets = [1024, 0], sizes = [256, 128], strides = [1, 1]} : vector<3840x128xf32> to vector<256x128xf32>
    %max3A_257 = arith.maximumf %max3A_255, %slice3A_256 : vector<256x128xf32>
    %slice3A_258 = vector.extract_strided_slice %add3A_248 {offsets = [1280, 0], sizes = [256, 128], strides = [1, 1]} : vector<3840x128xf32> to vector<256x128xf32>
    %max3A_259 = arith.maximumf %max3A_257, %slice3A_258 : vector<256x128xf32>
    %slice3A_260 = vector.extract_strided_slice %add3A_248 {offsets = [1536, 0], sizes = [256, 128], strides = [1, 1]} : vector<3840x128xf32> to vector<256x128xf32>
    %max3A_261 = arith.maximumf %max3A_259, %slice3A_260 : vector<256x128xf32>
    %slice3A_262 = vector.extract_strided_slice %add3A_248 {offsets = [1792, 0], sizes = [256, 128], strides = [1, 1]} : vector<3840x128xf32> to vector<256x128xf32>
    %max3A_263 = arith.maximumf %max3A_261, %slice3A_262 : vector<256x128xf32>
    %slice3A_264 = vector.extract_strided_slice %add3A_248 {offsets = [2048, 0], sizes = [256, 128], strides = [1, 1]} : vector<3840x128xf32> to vector<256x128xf32>
    %max3A_265 = arith.maximumf %max3A_263, %slice3A_264 : vector<256x128xf32>
    %slice3A_266 = vector.extract_strided_slice %add3A_248 {offsets = [2304, 0], sizes = [256, 128], strides = [1, 1]} : vector<3840x128xf32> to vector<256x128xf32>
    %max3A_267 = arith.maximumf %max3A_265, %slice3A_266 : vector<256x128xf32>
    %slice3A_268 = vector.extract_strided_slice %add3A_248 {offsets = [2560, 0], sizes = [256, 128], strides = [1, 1]} : vector<3840x128xf32> to vector<256x128xf32>
    %max3A_269 = arith.maximumf %max3A_267, %slice3A_268 : vector<256x128xf32>
    %slice3A_270 = vector.extract_strided_slice %add3A_248 {offsets = [2816, 0], sizes = [256, 128], strides = [1, 1]} : vector<3840x128xf32> to vector<256x128xf32>
    %max3A_271 = arith.maximumf %max3A_269, %slice3A_270 : vector<256x128xf32>
    %slice3A_272 = vector.extract_strided_slice %add3A_248 {offsets = [3072, 0], sizes = [256, 128], strides = [1, 1]} : vector<3840x128xf32> to vector<256x128xf32>
    %max3A_273 = arith.maximumf %max3A_271, %slice3A_272 : vector<256x128xf32>
    %slice3A_274 = vector.extract_strided_slice %add3A_248 {offsets = [3328, 0], sizes = [256, 128], strides = [1, 1]} : vector<3840x128xf32> to vector<256x128xf32>
    %max3A_275 = arith.maximumf %max3A_273, %slice3A_274 : vector<256x128xf32>
    %slice3A_276 = vector.extract_strided_slice %add3A_248 {offsets = [3584, 0], sizes = [256, 128], strides = [1, 1]} : vector<3840x128xf32> to vector<256x128xf32>
    %max3A_277 = arith.maximumf %max3A_275, %slice3A_276 : vector<256x128xf32>
    %broadcast_in_dim3A = arith.constant 0.000000e+00 : f32
    %broadcast_in_dim3A_278 = vector.broadcast %broadcast_in_dim3A : f32 to vector<256x128xf32>
    %broadcast_in_dim3A_279 = arith.constant 0.000000e+00 : f32
    %broadcast_in_dim3A_280 = vector.broadcast %broadcast_in_dim3A_279 : f32 to vector<256x128xf32>
    %slice3A_281 = vector.extract_strided_slice %add3A_248 {offsets = [0, 0], sizes = [256, 128], strides = [1, 1]} : vector<3840x128xf32> to vector<256x128xf32>
    %sub3A_282 = arith.subf %slice3A_281, %max3A_277 : vector<256x128xf32>
    %exp3A = math.exp %sub3A_282 : vector<256x128xf32>
    %add3A_283 = arith.addf %broadcast_in_dim3A_278, %exp3A : vector<256x128xf32>
    %slice3A_284 = vector.extract_strided_slice %get3A_9 {offsets = [0, 0], sizes = [256, 128], strides = [1, 1]} : vector<3840x128xf32> to vector<256x128xf32>
    %mul3A_285 = arith.mulf %exp3A, %slice3A_284 : vector<256x128xf32>
    %add3A_286 = arith.addf %broadcast_in_dim3A_280, %mul3A_285 : vector<256x128xf32>
    %slice3A_287 = vector.extract_strided_slice %add3A_248 {offsets = [256, 0], sizes = [256, 128], strides = [1, 1]} : vector<3840x128xf32> to vector<256x128xf32>
    %sub3A_288 = arith.subf %slice3A_287, %max3A_277 : vector<256x128xf32>
    %exp3A_289 = math.exp %sub3A_288 : vector<256x128xf32>
    %add3A_290 = arith.addf %add3A_283, %exp3A_289 : vector<256x128xf32>
    %slice3A_291 = vector.extract_strided_slice %get3A_9 {offsets = [256, 0], sizes = [256, 128], strides = [1, 1]} : vector<3840x128xf32> to vector<256x128xf32>
    %mul3A_292 = arith.mulf %exp3A_289, %slice3A_291 : vector<256x128xf32>
    %add3A_293 = arith.addf %add3A_286, %mul3A_292 : vector<256x128xf32>
    %slice3A_294 = vector.extract_strided_slice %add3A_248 {offsets = [512, 0], sizes = [256, 128], strides = [1, 1]} : vector<3840x128xf32> to vector<256x128xf32>
    %sub3A_295 = arith.subf %slice3A_294, %max3A_277 : vector<256x128xf32>
    %exp3A_296 = math.exp %sub3A_295 : vector<256x128xf32>
    %add3A_297 = arith.addf %add3A_290, %exp3A_296 : vector<256x128xf32>
    %slice3A_298 = vector.extract_strided_slice %get3A_9 {offsets = [512, 0], sizes = [256, 128], strides = [1, 1]} : vector<3840x128xf32> to vector<256x128xf32>
    %mul3A_299 = arith.mulf %exp3A_296, %slice3A_298 : vector<256x128xf32>
    %add3A_300 = arith.addf %add3A_293, %mul3A_299 : vector<256x128xf32>
    %slice3A_301 = vector.extract_strided_slice %add3A_248 {offsets = [768, 0], sizes = [256, 128], strides = [1, 1]} : vector<3840x128xf32> to vector<256x128xf32>
    %sub3A_302 = arith.subf %slice3A_301, %max3A_277 : vector<256x128xf32>
    %exp3A_303 = math.exp %sub3A_302 : vector<256x128xf32>
    %add3A_304 = arith.addf %add3A_297, %exp3A_303 : vector<256x128xf32>
    %slice3A_305 = vector.extract_strided_slice %get3A_9 {offsets = [768, 0], sizes = [256, 128], strides = [1, 1]} : vector<3840x128xf32> to vector<256x128xf32>
    %mul3A_306 = arith.mulf %exp3A_303, %slice3A_305 : vector<256x128xf32>
    %add3A_307 = arith.addf %add3A_300, %mul3A_306 : vector<256x128xf32>
    %slice3A_308 = vector.extract_strided_slice %add3A_248 {offsets = [1024, 0], sizes = [256, 128], strides = [1, 1]} : vector<3840x128xf32> to vector<256x128xf32>
    %sub3A_309 = arith.subf %slice3A_308, %max3A_277 : vector<256x128xf32>
    %exp3A_310 = math.exp %sub3A_309 : vector<256x128xf32>
    %add3A_311 = arith.addf %add3A_304, %exp3A_310 : vector<256x128xf32>
    %slice3A_312 = vector.extract_strided_slice %get3A_9 {offsets = [1024, 0], sizes = [256, 128], strides = [1, 1]} : vector<3840x128xf32> to vector<256x128xf32>
    %mul3A_313 = arith.mulf %exp3A_310, %slice3A_312 : vector<256x128xf32>
    %add3A_314 = arith.addf %add3A_307, %mul3A_313 : vector<256x128xf32>
    %slice3A_315 = vector.extract_strided_slice %add3A_248 {offsets = [1280, 0], sizes = [256, 128], strides = [1, 1]} : vector<3840x128xf32> to vector<256x128xf32>
    %sub3A_316 = arith.subf %slice3A_315, %max3A_277 : vector<256x128xf32>
    %exp3A_317 = math.exp %sub3A_316 : vector<256x128xf32>
    %add3A_318 = arith.addf %add3A_311, %exp3A_317 : vector<256x128xf32>
    %slice3A_319 = vector.extract_strided_slice %get3A_9 {offsets = [1280, 0], sizes = [256, 128], strides = [1, 1]} : vector<3840x128xf32> to vector<256x128xf32>
    %mul3A_320 = arith.mulf %exp3A_317, %slice3A_319 : vector<256x128xf32>
    %add3A_321 = arith.addf %add3A_314, %mul3A_320 : vector<256x128xf32>
    %slice3A_322 = vector.extract_strided_slice %add3A_248 {offsets = [1536, 0], sizes = [256, 128], strides = [1, 1]} : vector<3840x128xf32> to vector<256x128xf32>
    %sub3A_323 = arith.subf %slice3A_322, %max3A_277 : vector<256x128xf32>
    %exp3A_324 = math.exp %sub3A_323 : vector<256x128xf32>
    %add3A_325 = arith.addf %add3A_318, %exp3A_324 : vector<256x128xf32>
    %slice3A_326 = vector.extract_strided_slice %get3A_9 {offsets = [1536, 0], sizes = [256, 128], strides = [1, 1]} : vector<3840x128xf32> to vector<256x128xf32>
    %mul3A_327 = arith.mulf %exp3A_324, %slice3A_326 : vector<256x128xf32>
    %add3A_328 = arith.addf %add3A_321, %mul3A_327 : vector<256x128xf32>
    %slice3A_329 = vector.extract_strided_slice %add3A_248 {offsets = [1792, 0], sizes = [256, 128], strides = [1, 1]} : vector<3840x128xf32> to vector<256x128xf32>
    %sub3A_330 = arith.subf %slice3A_329, %max3A_277 : vector<256x128xf32>
    %exp3A_331 = math.exp %sub3A_330 : vector<256x128xf32>
    %add3A_332 = arith.addf %add3A_325, %exp3A_331 : vector<256x128xf32>
    %slice3A_333 = vector.extract_strided_slice %get3A_9 {offsets = [1792, 0], sizes = [256, 128], strides = [1, 1]} : vector<3840x128xf32> to vector<256x128xf32>
    %mul3A_334 = arith.mulf %exp3A_331, %slice3A_333 : vector<256x128xf32>
    %add3A_335 = arith.addf %add3A_328, %mul3A_334 : vector<256x128xf32>
    %slice3A_336 = vector.extract_strided_slice %add3A_248 {offsets = [2048, 0], sizes = [256, 128], strides = [1, 1]} : vector<3840x128xf32> to vector<256x128xf32>
    %sub3A_337 = arith.subf %slice3A_336, %max3A_277 : vector<256x128xf32>
    %exp3A_338 = math.exp %sub3A_337 : vector<256x128xf32>
    %add3A_339 = arith.addf %add3A_332, %exp3A_338 : vector<256x128xf32>
    %slice3A_340 = vector.extract_strided_slice %get3A_9 {offsets = [2048, 0], sizes = [256, 128], strides = [1, 1]} : vector<3840x128xf32> to vector<256x128xf32>
    %mul3A_341 = arith.mulf %exp3A_338, %slice3A_340 : vector<256x128xf32>
    %add3A_342 = arith.addf %add3A_335, %mul3A_341 : vector<256x128xf32>
    %slice3A_343 = vector.extract_strided_slice %add3A_248 {offsets = [2304, 0], sizes = [256, 128], strides = [1, 1]} : vector<3840x128xf32> to vector<256x128xf32>
    %sub3A_344 = arith.subf %slice3A_343, %max3A_277 : vector<256x128xf32>
    %exp3A_345 = math.exp %sub3A_344 : vector<256x128xf32>
    %add3A_346 = arith.addf %add3A_339, %exp3A_345 : vector<256x128xf32>
    %slice3A_347 = vector.extract_strided_slice %get3A_9 {offsets = [2304, 0], sizes = [256, 128], strides = [1, 1]} : vector<3840x128xf32> to vector<256x128xf32>
    %mul3A_348 = arith.mulf %exp3A_345, %slice3A_347 : vector<256x128xf32>
    %add3A_349 = arith.addf %add3A_342, %mul3A_348 : vector<256x128xf32>
    %slice3A_350 = vector.extract_strided_slice %add3A_248 {offsets = [2560, 0], sizes = [256, 128], strides = [1, 1]} : vector<3840x128xf32> to vector<256x128xf32>
    %sub3A_351 = arith.subf %slice3A_350, %max3A_277 : vector<256x128xf32>
    %exp3A_352 = math.exp %sub3A_351 : vector<256x128xf32>
    %add3A_353 = arith.addf %add3A_346, %exp3A_352 : vector<256x128xf32>
    %slice3A_354 = vector.extract_strided_slice %get3A_9 {offsets = [2560, 0], sizes = [256, 128], strides = [1, 1]} : vector<3840x128xf32> to vector<256x128xf32>
    %mul3A_355 = arith.mulf %exp3A_352, %slice3A_354 : vector<256x128xf32>
    %add3A_356 = arith.addf %add3A_349, %mul3A_355 : vector<256x128xf32>
    %slice3A_357 = vector.extract_strided_slice %add3A_248 {offsets = [2816, 0], sizes = [256, 128], strides = [1, 1]} : vector<3840x128xf32> to vector<256x128xf32>
    %sub3A_358 = arith.subf %slice3A_357, %max3A_277 : vector<256x128xf32>
    %exp3A_359 = math.exp %sub3A_358 : vector<256x128xf32>
    %add3A_360 = arith.addf %add3A_353, %exp3A_359 : vector<256x128xf32>
    %slice3A_361 = vector.extract_strided_slice %get3A_9 {offsets = [2816, 0], sizes = [256, 128], strides = [1, 1]} : vector<3840x128xf32> to vector<256x128xf32>
    %mul3A_362 = arith.mulf %exp3A_359, %slice3A_361 : vector<256x128xf32>
    %add3A_363 = arith.addf %add3A_356, %mul3A_362 : vector<256x128xf32>
    %slice3A_364 = vector.extract_strided_slice %add3A_248 {offsets = [3072, 0], sizes = [256, 128], strides = [1, 1]} : vector<3840x128xf32> to vector<256x128xf32>
    %sub3A_365 = arith.subf %slice3A_364, %max3A_277 : vector<256x128xf32>
    %exp3A_366 = math.exp %sub3A_365 : vector<256x128xf32>
    %add3A_367 = arith.addf %add3A_360, %exp3A_366 : vector<256x128xf32>
    %slice3A_368 = vector.extract_strided_slice %get3A_9 {offsets = [3072, 0], sizes = [256, 128], strides = [1, 1]} : vector<3840x128xf32> to vector<256x128xf32>
    %mul3A_369 = arith.mulf %exp3A_366, %slice3A_368 : vector<256x128xf32>
    %add3A_370 = arith.addf %add3A_363, %mul3A_369 : vector<256x128xf32>
    %slice3A_371 = vector.extract_strided_slice %add3A_248 {offsets = [3328, 0], sizes = [256, 128], strides = [1, 1]} : vector<3840x128xf32> to vector<256x128xf32>
    %sub3A_372 = arith.subf %slice3A_371, %max3A_277 : vector<256x128xf32>
    %exp3A_373 = math.exp %sub3A_372 : vector<256x128xf32>
    %add3A_374 = arith.addf %add3A_367, %exp3A_373 : vector<256x128xf32>
    %slice3A_375 = vector.extract_strided_slice %get3A_9 {offsets = [3328, 0], sizes = [256, 128], strides = [1, 1]} : vector<3840x128xf32> to vector<256x128xf32>
    %mul3A_376 = arith.mulf %exp3A_373, %slice3A_375 : vector<256x128xf32>
    %add3A_377 = arith.addf %add3A_370, %mul3A_376 : vector<256x128xf32>
    %slice3A_378 = vector.extract_strided_slice %add3A_248 {offsets = [3584, 0], sizes = [256, 128], strides = [1, 1]} : vector<3840x128xf32> to vector<256x128xf32>
    %sub3A_379 = arith.subf %slice3A_378, %max3A_277 : vector<256x128xf32>
    %exp3A_380 = math.exp %sub3A_379 : vector<256x128xf32>
    %add3A_381 = arith.addf %add3A_374, %exp3A_380 : vector<256x128xf32>
    %slice3A_382 = vector.extract_strided_slice %get3A_9 {offsets = [3584, 0], sizes = [256, 128], strides = [1, 1]} : vector<3840x128xf32> to vector<256x128xf32>
    %mul3A_383 = arith.mulf %exp3A_380, %slice3A_382 : vector<256x128xf32>
    %add3A_384 = arith.addf %add3A_377, %mul3A_383 : vector<256x128xf32>
    %div3A = arith.divf %add3A_384, %add3A_381 : vector<256x128xf32>
    %sub3A_385 = arith.subf %div3A, %get3A_3 : vector<256x128xf32>
    %slice3A_386 = vector.extract_strided_slice %sub3A_385 {offsets = [0, 0], sizes = [256, 64], strides = [1, 1]} : vector<256x128xf32> to vector<256x64xf32>
    %get3A_387 = arith.constant 0 : index
    %get3A_388 = arith.constant 0 : index
    %get3A_389 = arith.constant 0 : index
    %get3A_390 = vector.load %arg4[%get3A_387, %get3A_388, %get3A_389] : memref<1x256x32xf32, #tpu.memory_space<vmem>>, vector<1x256x32xf32>
    %get3A_391 = vector.shape_cast %get3A_390 : vector<1x256x32xf32> to vector<256x32xf32>
    %concatenate3A_392 = tpu.concatenate %slice3A_386, %get3A_391 in 1 : vector<256x64xf32>, vector<256x32xf32> -> vector<256x96xf32>
    %get3A_393 = arith.constant 0 : index
    %get3A_394 = arith.constant 0 : index
    %get3A_395 = vector.load %arg11[%get3A_393, %get3A_394] : memref<128x96xf32, #tpu.memory_space<vmem>>, vector<128x96xf32>
    %dot_general3A_396 = arith.constant dense<0.000000e+00> : vector<256x128xf32>
    %dot_general3A_397 = tpu.matmul %concatenate3A_392, %get3A_395, %dot_general3A_396 {dimension_numbers = #tpu.dot_dimension_numbers<[1], [1], [0], [0], [0, 0, 1, 0], [], []>, transpose_lhs_hint = false} : vector<256x96xf32>, vector<128x96xf32>, vector<256x128xf32> -> vector<256x128xf32>
    %get3A_398 = arith.constant 0 : index
    %get3A_399 = arith.constant 0 : index
    %get3A_400 = vector.load %arg13[%get3A_398, %get3A_399] : memref<1x128xf32, #tpu.memory_space<vmem>>, vector<1x128xf32>
    %mul3A_401 = vector.broadcast %get3A_400 : vector<1x128xf32> to vector<256x128xf32>
    %mul3A_402 = arith.mulf %dot_general3A_397, %mul3A_401 : vector<256x128xf32>
    %get3A_403 = arith.constant 0 : index
    %get3A_404 = arith.constant 0 : index
    %get3A_405 = vector.load %arg12[%get3A_403, %get3A_404] : memref<1x128xf32, #tpu.memory_space<vmem>>, vector<1x128xf32>
    %add3A_406 = vector.broadcast %get3A_405 : vector<1x128xf32> to vector<256x128xf32>
    %add3A_407 = arith.addf %mul3A_402, %add3A_406 : vector<256x128xf32>
    %max3A_408 = arith.constant 0.000000e+00 : f32
    %max3A_409 = vector.broadcast %max3A_408 : f32 to vector<256x128xf32>
    %max3A_410 = arith.maximumf %add3A_407, %max3A_409 : vector<256x128xf32>
    %get3A_411 = arith.constant 0 : index
    %get3A_412 = arith.constant 0 : index
    %get3A_413 = vector.load %arg14[%get3A_411, %get3A_412] : memref<12x128xf32, #tpu.memory_space<vmem>>, vector<12x128xf32>
    %dot_general3A_414 = arith.constant dense<0.000000e+00> : vector<12x256xf32>
    %dot_general3A_415 = tpu.matmul %get3A_413, %max3A_410, %dot_general3A_414 {dimension_numbers = #tpu.dot_dimension_numbers<[1], [1], [0], [0], [0, 0, 1, 0], [], []>, transpose_lhs_hint = false} : vector<12x128xf32>, vector<256x128xf32>, vector<12x256xf32> -> vector<12x256xf32>
    %get3A_416 = arith.constant 0 : index
    %get3A_417 = arith.constant 0 : index
    %get3A_418 = vector.load %arg15[%get3A_416, %get3A_417] : memref<12x1xf32, #tpu.memory_space<vmem>>, vector<12x1xf32>
    %add3A_419 = vector.broadcast %get3A_418 : vector<12x1xf32> to vector<12x256xf32>
    %add3A_420 = arith.addf %dot_general3A_415, %add3A_419 : vector<12x256xf32>
    %get3A_421 = arith.constant 0 : index
    %get3A_422 = arith.constant 0 : index
    %get3A_423 = arith.constant 0 : index
    %get3A_424 = vector.load %arg5[%get3A_421, %get3A_422, %get3A_423] : memref<1x3x256xf32, #tpu.memory_space<vmem>>, vector<1x3x256xf32>
    %get3A_425 = vector.shape_cast %get3A_424 : vector<1x3x256xf32> to vector<3x256xf32>
    %broadcast_in_dim3A_426 = vector.shape_cast %get3A_425 : vector<3x256xf32> to vector<3x1x256xf32>
    %reshape3A = vector.shape_cast %add3A_420 : vector<12x256xf32> to vector<3x4x256xf32>
    %mul3A_427 = arith.constant 1.500000e-01 : f32
    %mul3A_428 = vector.broadcast %mul3A_427 : f32 to vector<3x4x256xf32>
    %mul3A_429 = arith.mulf %mul3A_428, %reshape3A : vector<3x4x256xf32>
    %add3A_430 = vector.broadcast %broadcast_in_dim3A_426 : vector<3x1x256xf32> to vector<3x4x256xf32>
    %add3A_431 = arith.addf %add3A_430, %mul3A_429 : vector<3x4x256xf32>
    %swap3A = arith.constant 0 : index
    %swap3A_432 = arith.constant 0 : index
    %swap3A_433 = arith.constant 0 : index
    %swap3A_434 = arith.constant 0 : index
    %swap3A_435 = vector.load %arg16[%swap3A, %swap3A_432, %swap3A_433, %swap3A_434] : memref<1x3x4x256xf32, #tpu.memory_space<vmem>>, vector<1x3x4x256xf32>
    %swap3A_436 = vector.shape_cast %swap3A_435 : vector<1x3x4x256xf32> to vector<3x4x256xf32>
    %swap3A_437 = vector.shape_cast %add3A_431 : vector<3x4x256xf32> to vector<1x3x4x256xf32>
    tpu.vector_store %arg16[%swap3A, %swap3A_432, %swap3A_433, %swap3A_434], %swap3A_437 {strides = array<i32>} : memref<1x3x4x256xf32, #tpu.memory_space<vmem>>, vector<1x3x4x256xf32>,
    return
  }
  func.func @transform_0(%arg0: i32, %arg1: i32) -> (i32, i32, i32, i32) {
    %c0_i32 = arith.constant 0 : i32
    %c0_i32_0 = arith.constant 0 : i32
    %c0_i32_1 = arith.constant 0 : i32
    return %arg0, %arg1, %c0_i32, %c0_i32_0 : i32, i32, i32, i32
  }
  func.func @transform_1(%arg0: i32, %arg1: i32) -> (i32, i32, i32) {
    %c0_i32 = arith.constant 0 : i32
    %c0_i32_0 = arith.constant 0 : i32
    return %arg0, %arg1, %c0_i32 : i32, i32, i32
  }
  func.func @transform_2(%arg0: i32, %arg1: i32) -> (i32, i32, i32) {
    %c0_i32 = arith.constant 0 : i32
    %c0_i32_0 = arith.constant 0 : i32
    return %arg0, %arg1, %c0_i32 : i32, i32, i32
  }
  func.func @transform_3(%arg0: i32, %arg1: i32) -> (i32, i32, i32) {
    %c0_i32 = arith.constant 0 : i32
    %c0_i32_0 = arith.constant 0 : i32
    return %arg0, %c0_i32, %arg1 : i32, i32, i32
  }
  func.func @transform_4(%arg0: i32, %arg1: i32) -> (i32, i32) {
    %c0_i32 = arith.constant 0 : i32
    %c0_i32_0 = arith.constant 0 : i32
    %c0_i32_1 = arith.constant 0 : i32
    return %c0_i32, %c0_i32_0 : i32, i32
  }
  func.func @transform_5(%arg0: i32, %arg1: i32) -> (i32, i32) {
    %c0_i32 = arith.constant 0 : i32
    %c0_i32_0 = arith.constant 0 : i32
    %c0_i32_1 = arith.constant 0 : i32
    return %c0_i32, %c0_i32_0 : i32, i32
  }
  func.func @transform_6(%arg0: i32, %arg1: i32) -> (i32, i32) {
    %c0_i32 = arith.constant 0 : i32
    %c0_i32_0 = arith.constant 0 : i32
    %c0_i32_1 = arith.constant 0 : i32
    return %c0_i32, %c0_i32_0 : i32, i32
  }
  func.func @transform_7(%arg0: i32, %arg1: i32) -> (i32, i32) {
    %c0_i32 = arith.constant 0 : i32
    %c0_i32_0 = arith.constant 0 : i32
    %c0_i32_1 = arith.constant 0 : i32
    return %c0_i32, %c0_i32_0 : i32, i32
  }
  func.func @transform_8(%arg0: i32, %arg1: i32) -> (i32, i32) {
    %c0_i32 = arith.constant 0 : i32
    %c0_i32_0 = arith.constant 0 : i32
    %c0_i32_1 = arith.constant 0 : i32
    return %c0_i32, %c0_i32_0 : i32, i32
  }
  func.func @transform_9(%arg0: i32, %arg1: i32) -> (i32, i32) {
    %c0_i32 = arith.constant 0 : i32
    %c0_i32_0 = arith.constant 0 : i32
    %c0_i32_1 = arith.constant 0 : i32
    return %c0_i32, %c0_i32_0 : i32, i32
  }
  func.func @transform_10(%arg0: i32, %arg1: i32) -> (i32, i32) {
    %c0_i32 = arith.constant 0 : i32
    %c0_i32_0 = arith.constant 0 : i32
    %c0_i32_1 = arith.constant 0 : i32
    return %c0_i32, %c0_i32_0 : i32, i32
  }
  func.func @transform_11(%arg0: i32, %arg1: i32) -> (i32, i32) {
    %c0_i32 = arith.constant 0 : i32
    %c0_i32_0 = arith.constant 0 : i32
    %c0_i32_1 = arith.constant 0 : i32
    return %c0_i32, %c0_i32_0 : i32, i32
  }
  func.func @transform_12(%arg0: i32, %arg1: i32) -> (i32, i32) {
    %c0_i32 = arith.constant 0 : i32
    %c0_i32_0 = arith.constant 0 : i32
    %c0_i32_1 = arith.constant 0 : i32
    return %c0_i32, %c0_i32_0 : i32, i32
  }
  func.func @transform_13(%arg0: i32, %arg1: i32) -> (i32, i32) {
    %c0_i32 = arith.constant 0 : i32
    %c0_i32_0 = arith.constant 0 : i32
    %c0_i32_1 = arith.constant 0 : i32
    return %c0_i32, %c0_i32_0 : i32, i32
  }
  func.func @transform_14(%arg0: i32, %arg1: i32) -> (i32, i32, i32, i32) {
    %c0_i32 = arith.constant 0 : i32
    %c0_i32_0 = arith.constant 0 : i32
    %c0_i32_1 = arith.constant 0 : i32
    return %arg0, %c0_i32, %c0_i32_0, %arg1 : i32, i32, i32, i32
  }
}

</mosaic_0001>

<sc_bundles>
// kernel: kernel.11.cloned.1.call-start
scs
__scs_entry_jumppad:
0x0: {  	(pc) =	sbr.rel $0x88, $3  }
0x1: {  	(tag) =	ssettag $0x0;
	lr =	simm.s32 $0x1  }
0x2: {  	[smem:$0x3F88] =	sst lr;
	_ =	strace $0xD0000000  }
0x3: {  	_ = 	snop  }
0x4: {  	_ = 	snop  }
0x5: {  	_ = 	snop  }
0x6: {  	_ = 	snop  }
0x7: {  	_ = 	snop  }
__scs_overlays_trampoline_lowered:
0x8: {  	[smem:$0x3F97] =	sst s0  }
0x9: {  	[smem:$0x3F98] =	sst s1  }
0xa: {  	[smem:$0x3F99] =	sst s2  }
0xb: {  	[smem:$0x3F9A] =	sst s3  }
0xc: {  	[smem:$0x3F9B] =	sst s4  }
0xd: {  	[smem:$0x3F9C] =	sst s5  }
0xe: {  	[smem:$0x3F9D] =	sst s6  }
0xf: {  	[smem:$0x3F9E] =	sst s7  }
0x10: {  	[smem:$0x3F9F] =	sst s8  }
0x11: {  	[smem:$0x3FA0] =	sst s9;
	s0 =	simm.s32 @!p0 $0x0  }
0x12: {  	s1 =	sld [smem:$0x3F86];
	s0 =	simm.s32 @p0 $0x1  }
0x13: {  	[smem:$0x3FA1] =	sst s0;
	s0 =	simm.s32 @!p1 $0x0  }
0x14: {  	s2 =	sld [smem:$0x3F85];
	s0 =	simm.s32 @p1 $0x1  }
0x15: {  	[smem:$0x3FA2] =	sst s0;
	s0 =	simm.s32 @!p2 $0x0  }
0x16: {  	s3 =	sld [smem:$0x3FDB];
	s0 =	simm.s32 @p2 $0x1  }
0x17: {  	s4 =	simm.s32 $0x1BF5;
	[smem:$0x3FA4] =	sst s0  }
0x18: {  	s0 =	sld [smem:$0x3F87];
	_ =	swait.ge [sflag:s4], $0x0  }
0x19: {  	s7 =	sld [smem:$0x3F88]  }
0x1a: {  	s8 =	sadd.s32 $0xFFFFE003, lr  }
0x1b: {  	s9 =	sadd.s32 $0xFFFFFEF7, lr;
	s5 =	simm.s32 $0xFFFFFFFF;
	p2 =	slt.u32 s8, $0xFFFFF086  }
0x1c: {  	p1 =	slt.u32 s9, $0xF7A;
	s5 =	simm.s32 @!p2 $0x0  }
0x1d: {  	s5 =	simm.s32 @p1 $0x1;
	p0 =	seq.s32 s7, s2  }
0x1e: {  	s7 =	smul.u32 @!p0 $0xF7A, s2;
	p2 =	seq.s32 @!p0 s5, $0x0  }
0x1f: {  	s9 =	smul.u32 $0xF7A, s1;
	s8 =	simm.s32 @!p0 $0x1BF5;
	p2 =	por !p2, p0  }
0x20: {  	[sflag:s8] =	ssyncset.s32 @!p0 $0xFFFFF086;
	s6 =	sadd.s32 @!p0 s3, s7;
	s7 =	simm.s32 @!p0 $0x108  }
0x21: {  	s3 =	sadd.s32 s3, s9;
	s6 =	sadd.s32 @!p0 $0x88, s6;
	s7 =	simm.s32 @p2 $0x1082  }
0x22: {  	[simem:s7], [sflag:s8] =	dma.local @!p0 [hbm:s6], $0xF7A  }
0x23: {  	s9 =	sor.u32 $0xD0000000, s2;
	s6 =	simm.s32 $0x108;
	_ =	swait.ge @!p0 [sflag:s8], $0x0  }
0x24: {  	s3 =	sadd.s32 $0x88, s3;
	s6 =	simm.s32 @!p1 $0x1082;
	[sflag:s4] =	ssyncset.s32 $0xFFFFF086  }
0x25: {  	[simem:s6], [sflag:s4] =	dma.local [hbm:s3], $0xF7A  }
0x26: {  	[smem:$0x3F88] =	sst s1;
	(tag) =	ssettag s2;
	_ =	strace s9  }
0x27: {  	s1 =	sld [smem:$0x3F98]  }
0x28: {  	s2 =	sld [smem:$0x3F99]  }
0x29: {  	s4 =	sld [smem:$0x3F9B]  }
0x2a: {  	p0 =	seq.s32 s5, $0x0;
	s5 =	sld [smem:$0x3F9C]  }
0x2b: {  	s6 =	sld [smem:$0x3F9D]  }
0x2c: {  	s7 =	sld [smem:$0x3F9E]  }
0x2d: {  	s3 =	simm.s32 $0x108;
	s8 =	sld [smem:$0x3F9F]  }
0x2e: {  	s3 =	simm.s32 @!p0 $0x1082;
	s9 =	sld [smem:$0x3FA0]  }
0x2f: {  	lr =	sadd.s32 s0, s3;
	s0 =	sld [smem:$0x3F97]  }
0x30: {  	s3 =	sld [smem:$0x3F9A]  }
0x31: {  	[smem:$0x3FA3] =	sst s10  }
0x32: {  	s10 =	sld [smem:$0x3FA1];
	_ =	sdelay $0x3  }
0x33: {  	p0 =	seq.s32 s10, $0x1;
	s10 =	sld [smem:$0x3FA3];
	_ =	sdelay $0x3  }
0x34: {  	[smem:$0x3FA3] =	sst s10  }
0x35: {  	s10 =	sld [smem:$0x3FA2];
	_ =	sdelay $0x3  }
0x36: {  	p1 =	seq.s32 s10, $0x1;
	s10 =	sld [smem:$0x3FA3];
	_ =	sdelay $0x3  }
0x37: {  	[smem:$0x3FA3] =	sst s10  }
0x38: {  	s10 =	sld [smem:$0x3FA4]  }
0x39: {  	_ = 	snop;
	(pc) =	sbr.ind lr, $3  }
0x3a: {  	_ = 	snop  }
0x3b: {  	_ = 	snop  }
0x3c: {  	p2 =	seq.s32 s10, $0x1;
	s10 =	sld [smem:$0x3FA3]  }
0x3d: {  	_ =	shalt  }
0x3e: {  	_ =	shalt  }
0x3f: {  	_ =	shalt  }
0x40: {  	_ =	shalt  }
0x41: {  	_ =	shalt  }
0x42: {  	_ =	shalt  }
0x43: {  	_ =	shalt  }
0x44: {  	_ =	shalt  }
0x45: {  	_ =	shalt  }
0x46: {  	_ =	shalt  }
0x47: {  	_ =	shalt  }
0x48: {  	_ =	shalt  }
0x49: {  	_ =	shalt  }
0x4a: {  	_ =	shalt  }
0x4b: {  	_ =	shalt  }
0x4c: {  	_ =	shalt  }
0x4d: {  	_ =	shalt  }
0x4e: {  	_ =	shalt  }
0x4f: {  	_ =	shalt  }
0x50: {  	_ =	shalt  }
0x51: {  	_ =	shalt  }
0x52: {  	_ =	shalt  }
0x53: {  	_ =	shalt  }
0x54: {  	_ =	shalt  }
0x55: {  	_ =	shalt  }
0x56: {  	_ =	shalt  }
0x57: {  	_ =	shalt  }
0x58: {  	_ =	shalt  }
0x59: {  	_ =	shalt  }
0x5a: {  	_ =	shalt  }
0x5b: {  	_ =	shalt  }
0x5c: {  	_ =	shalt  }
0x5d: {  	_ =	shalt  }
0x5e: {  	_ =	shalt  }
0x5f: {  	_ =	shalt  }
0x60: {  	_ =	shalt  }
0x61: {  	_ =	shalt  }
0x62: {  	_ =	shalt  }
0x63: {  	_ =	shalt  }
0x64: {  	_ =	shalt  }
0x65: {  	_ =	shalt  }
0x66: {  	_ =	shalt  }
0x67: {  	_ =	shalt  }
0x68: {  	_ =	shalt  }
0x69: {  	_ =	shalt  }
0x6a: {  	_ =	shalt  }
0x6b: {  	_ =	shalt  }
0x6c: {  	_ =	shalt  }
0x6d: {  	_ =	shalt  }
0x6e: {  	_ =	shalt  }
0x6f: {  	_ =	shalt  }
0x70: {  	_ =	shalt  }
0x71: {  	_ =	shalt  }
0x72: {  	_ =	shalt  }
0x73: {  	_ =	shalt  }
0x74: {  	_ =	shalt  }
0x75: {  	_ =	shalt  }
0x76: {  	_ =	shalt  }
0x77: {  	_ =	shalt  }
0x78: {  	_ =	shalt  }
0x79: {  	_ =	shalt  }
0x7a: {  	_ =	shalt  }
0x7b: {  	_ =	shalt  }
0x7c: {  	_ =	shalt  }
0x7d: {  	_ =	shalt  }
0x7e: {  	_ =	shalt  }
0x7f: {  	_ =	shalt  }
0x80: {  	_ =	shalt  }
0x81: {  	_ =	shalt  }
0x82: {  	_ =	shalt  }
0x83: {  	_ =	shalt  }
0x84: {  	_ =	shalt  }
0x85: {  	_ =	shalt  }
0x86: {  	_ =	shalt  }
0x87: {  	_ =	shalt  }
.Lfunc_end0:
.L_simem_size_0:
called_computation.1_lowered:
.L_overlay_start_0:
0x88: {  	s2 =	sld [smem:$0x3FD9]  }
0x89: {  	s3 =	sld [smem:$0x3FFE];
	_ =	sdelay $0x1  }
0x8a: {  	s1 =	srdreg.scid  }
0x8b: {  	s0 =	sand.u32 $0x1, s1  }
0x8c: {  	s17 =	sshll.u32 s0, $0xA;
	s2 =	sadd.s32 s3, s2  }
0x8d: {  	s2 =	sadd.s32 s2, s17  }
0x8e: {  	[smem:$0x3FAF] =	sst s2  }
0x8f: {  	_ = 	snop  }
0x90: {  	s18 =	sld [smem:$0x3FD0];
	(tm) =	ssettm $0x1  }
0x91: {  	s19 =	sld [smem:$0x3FFB];
	_ =	sdelay $0x3  }
0x92: {  	_ =	strace s19  }
0x93: {  	s2 =	sld [smem:$0x3FFC];
	_ =	sdelay $0x3  }
0x94: {  	_ =	strace s2  }
0x95: {  	s2 =	sld [smem:$0x3FFD];
	_ =	sdelay $0x3  }
0x96: {  	_ =	strace s2  }
0x97: {  	_ =	strace $0x8FFFFFFF  }
0x98: {  	s20 =	sld [smem:$0x3FDB];
	_ =	sdelay $0x1  }
0x99: {  	s4 =	simm.s32 $_scs_section_size  }
0x9a: {  	s5 =	simm.s32 $_size__tile_overlayer_lowered;
	s6 =	simm.s32 $_tile_overlayer_lowered  }
0x9b: {  	s7 =	simm.s32 $0x1BFF;
	s21 =	sshll.u32 s6, $0x1;
	s4 =	sadd.s32 s4, s20  }
0x9c: {  	s22 =	simm.s32 $0x0;
	s5 =	sshll.u32 s5, $0x1;
	s6 =	sadd.s32 s21, s4  }
0x9d: {  	[timem:s22], [sflag:s7] =	dma.local [hbm:s6], s5  }
0x9e: {  	_ =	swait.ge [sflag:s7], s5  }
0x9f: {  	s5 =	ssub.s32 $0x0, s5;
	[sflag:s7] =	ssyncset.done $0x0  }
0xa0: {  	[sflag:s7] =	ssyncadd.s32 s5;
	_ =	sdelay $0x1  }
0xa1: {  	s23 =	simm.s32 $0x1B8B  }
0xa2: {  	_ =	swait.ge [sflag:s23], $0x1  }
0xa3: {  	[sflag:s23] =	ssyncset.done $0x0  }
0xa4: {  	[sflag:s23] =	ssyncadd.s32 $0xFFFFFFFF  }
0xa5: {  	s5 =	sld [smem:$0x0]  }
0xa6: {  	s6 =	sand.u32 $0xFFFFFFFE, s1  }
0xa7: {  	p0 =	sne.s32 s1, s6  }
0xa8: {  	s6 =	sshll.u32 @p0 s6, $0xE  }
0xa9: {  	s6 =	sadd.s32 @p0 $0x11B8D, s6;
	s7 =	sshll.u32 @p0 s5, $0x11  }
0xaa: {  	s6 =	sor.u32 @p0 s7, s6  }
0xab: {  	[sflag:s6] =	ssyncadd.remote.s32 @p0 $0x1;
	_ =	sdelay $0x1  }
0xac: {  	s6 =	simm.s32 @p0 $0x1B8D  }
0xad: {  	_ =	swait.eq @p0 [sflag:s6], $0x1  }
0xae: {  	[sflag:s6] =	ssyncadd.s32 @p0 $0xFFFFFFFF  }
0xaf: {  	s7 =	sshll.u32 @!p0 s1, $0xE  }
0xb0: {  	s7 =	sor.u32 @!p0 $0x4000, s7;
	s6 =	simm.s32 @!p0 $0x1B8D  }
0xb1: {  	s5 =	sshll.u32 @!p0 s5, $0x11;
	s7 =	sadd.s32 @!p0 $0x11B8D, s7;
	_ =	swait.eq @!p0 [sflag:s6], $0x1  }
0xb2: {  	s5 =	sor.u32 @!p0 s5, s7;
	[sflag:s6] =	ssyncadd.s32 @!p0 $0xFFFFFFFF  }
0xb3: {  	s25 =	simm.s32 $0x1B8E;
	s24 =	sld [smem:$0x3FFE];
	[sflag:s5] =	ssyncadd.remote.s32 @!p0 $0x1  }
0xb4: {  	s26 =	simm.s32 $execute0_lowered;
	[smem:$0x3FD2] =	sst s25  }
0xb5: {  	s6 =	sshll.u32 s26, $0x1;
	_ =	strace $0x80000049;
	[dreg:$0x1] =	wrdreg $0xFFFFFFFF  }
0xb6: {  	s28 =	simm.s32 $_size_execute0_lowered;
	s4 =	sadd.s32 s4, s6;
	[dreg:$0x0] =	wrdreg $0x0  }
0xb7: {  	s6 =	sshll.u32 s28, $0x1;
	[dreg:$0x2] =	wrdreg s4  }
0xb8: {  	[dreg:$0x3] =	wrdreg s6  }
0xb9: {  	[dreg:$0x4] =	wrdreg $0xC0  }
0xba: {  	_ =	task [dreg:s22], $0x5FFFF  }
0xbb: {  	[dreg:$0x1] =	wrdreg $0xFFFFFFFF  }
0xbc: {  	[dreg:$0x0] =	wrdreg $0x60  }
0xbd: {  	[dreg:$0x2] =	wrdreg s24  }
0xbe: {  	[dreg:$0x3] =	wrdreg s18  }
0xbf: {  	[dreg:$0x4] =	wrdreg $0xA  }
0xc0: {  	_ =	task.clear_ibuf [dreg:s22], $0x5FFFF;
	_ =	strace $0x90000049  }
0xc1: {  	s29 =	simm.s32 $0xA;
	_ =	strace $0x8000004B  }
0xc2: {  	_ =	swait.ge [sflag:s29], $0x1  }
0xc3: {  	[sflag:s29] =	ssyncadd.s32 $0xFFFFFFFF  }
0xc4: {  	_ =	strace $0x9000004B  }
0xc5: {  	_ =	sfence  }
0xc6: {  	s30 =	sld [smem:$0x0];
	_ =	sdelay $0x2  }
0xc7: {  	s31 =	sshll.u32 s1, $0xD;
	s1 =	sshrl.u32 s1, $0x2  }
0xc8: {  	s4 =	sand.u32 $0x4000, s31;
	s1 =	sadd.s32 s1, s30  }
0xc9: {  	s0 =	sor.u32 s4, s0;
	s1 =	sshll.u32 s1, $0x11  }
0xca: {  	s0 =	sor.u32 s1, s0  }
0xcb: {  	s0 =	sadd.s32 $0x8F2B, s0  }
0xcc: {  	[sflag:s0] =	ssyncadd.remote.s32 $0x1  }
0xcd: {  	_ =	sfence.sel $0xFFFF  }
0xce: {  	[dreg:$0x0] =	wrdreg $0xFFFFFFFF;
	(pc) =	sbr.abs _section_cstart, $3  }
0xcf: {  	[dreg:$0x1] =	wrdreg $0xFFFFFFFF  }
0xd0: {  	_ =	task.clear_ibuf [dreg:s22], $0x2FFFF;
	_ =	strace $0x9FFFFFFF  }
0xd1: {  	(tm) =	ssettm $0x7FFFFFFF  }
tec
execute0_lowered:
.L_overlay_start_1:
0x0: {  	(tag) =	ssettag $0x1  }
0x1: {  	s1 =	srdreg.scid;
	s0 =	stileid.u32  }
0x2: {  	s30 =	sand.u32 $0x1, s1;
	s24 =	sshll.u32 s0, $0x1  }
0x3: {  	s12 =	sor.u32 s30, s24  }
0x4: {  	s11 =	rddreg [dreg:$0x0];
	s28 =	smul.u32 $0xF00, s12  }
0x5: {  	s26 =	rddreg [dreg:$0x1];
	s2 =	simm.s32 $0x0  }
0x6: {  	[smem:$0x7FF] =	sst s2;
	s3 =	sshrl.u32 s28, $0x3;
	s15 =	sadd.s32 $0x1E0, s28  }
0x7: {  	_ =	strace $0x8000004A;
	s3 =	sadd.s32 s26, s3;
	s4 =	sshrl.u32 s15, $0x3  }
0x8: {  	[tilespmem:s2], [sflag:$0x1] =	stream.linear.gather [hbm4b:s3+s2], $0x1E0, $0x38;
	[tilespmem:$0x1E400] =	vst v63  }
0x9: {  	s5 =	simm.s32 $0x200;
	s6 =	simm.s32 $0x1;
	s4 =	sadd.s32 s26, s4  }
0xa: {  	[tilespmem:s5], [sflag:$0x2] =	stream.linear.gather [hbm4b:s4+s2], $0x1E0, $0x38;
	[tilespmem:$0x1E400] =	vst v63  }
0xb: {  	_ =	swait.ge [sflag:s6], $0x1E0  }
0xc: {  	s8 =	simm.s32 $0x1E0;
	s9 =	simm.s32 $0x400;
	[sflag:s6] =	ssyncset.done $0x0  }
0xd: {  	s10 =	simm.s32 $0x3;
	s7 =	sadd.s32 $0x207A00, s11;
	[sflag:s6] =	ssyncadd.s32 $0xFFFFFE20  }
0xe: {  	[tilespmem:s9], [sflag:$0x3] =	stream.indirect.gather [hbm4b:s7+s8], $0x80, s2, s8, $0xb8;
	[tilespmem:$0x1E400] =	vst v63  }
0xf: {  	s12 =	smul.u32 $0xF000, s12;
	_ =	swait.ge [sflag:s10], $0xF000  }
0x10: {  	s29 =	sadd.s32 $0x227A00, s11;
	s18 =	sadd.s32 $0x3C0, s28;
	[sflag:s10] =	ssyncset.done $0x0  }
0x11: {  	s11 =	sadd.s32 s29, s12;
	s25 =	sshrl.u32 s18, $0x3;
	[sflag:s10] =	ssyncadd.s32 $0xFFFF1000  }
0x12: {  	[hbm4b:s11+s2] =	stream.linear.scatter [tilespmem:s9], [sflag:$0x4], $0xF000, $0x38;
	[tilespmem:$0x1E400] =	vst v63  }
0x13: {  	s13 =	simm.s32 $0x2;
	s12 =	sadd.s32 s26, s25  }
0x14: {  	[tilespmem:s2], [sflag:$0x1] =	stream.linear.gather [hbm4b:s12+s2], $0x1E0, $0x38;
	[tilespmem:$0x1E400] =	vst v63  }
0x15: {  	_ =	swait.ge [sflag:s13], $0x1E0  }
0x16: {  	[sflag:s13] =	ssyncset.done $0x0  }
0x17: {  	s14 =	simm.s32 $0xF400;
	[sflag:s13] =	ssyncadd.s32 $0xFFFFFE20  }
0x18: {  	[tilespmem:s14], [sflag:$0x3] =	stream.indirect.gather [hbm4b:s7+s8], $0x80, s5, s8, $0xb8;
	[tilespmem:$0x1E400] =	vst v63  }
0x19: {  	_ =	swait.ge [sflag:s10], $0xF000  }
0x1a: {  	s21 =	sadd.s32 $0x5A0, s28;
	s15 =	sshll.u32 s15, $0x4;
	[sflag:s10] =	ssyncset.done $0x0  }
0x1b: {  	s16 =	sshrl.u32 s21, $0x3;
	s15 =	sadd.s32 s29, s15;
	[sflag:s10] =	ssyncadd.s32 $0xFFFF1000  }
0x1c: {  	[hbm4b:s15+s2] =	stream.linear.scatter [tilespmem:s14], [sflag:$0x5], $0xF000, $0x38;
	[tilespmem:$0x1E400] =	vst v63  }
0x1d: {  	s16 =	sadd.s32 s26, s16  }
0x1e: {  	[tilespmem:s5], [sflag:$0x2] =	stream.linear.gather [hbm4b:s16+s2], $0x1E0, $0x38;
	[tilespmem:$0x1E400] =	vst v63  }
0x1f: {  	_ =	swait.ge [sflag:s6], $0x1E0  }
0x20: {  	[sflag:s6] =	ssyncset.done $0x0  }
0x21: {  	s17 =	simm.s32 $0x4;
	[sflag:s6] =	ssyncadd.s32 $0xFFFFFE20  }
0x22: {  	_ =	swait.ge [sflag:s17], $0xF000  }
0x23: {  	[sflag:s17] =	ssyncset.done $0x0  }
0x24: {  	[sflag:s17] =	ssyncadd.s32 $0xFFFF1000  }
0x25: {  	[tilespmem:s9], [sflag:$0x3] =	stream.indirect.gather [hbm4b:s7+s8], $0x80, s2, s8, $0xb8;
	[tilespmem:$0x1E400] =	vst v63  }
0x26: {  	_ =	swait.ge [sflag:s10], $0xF000  }
0x27: {  	s23 =	sadd.s32 $0x780, s28;
	s18 =	sshll.u32 s18, $0x4;
	[sflag:s10] =	ssyncset.done $0x0  }
0x28: {  	s19 =	sshrl.u32 s23, $0x3;
	s18 =	sadd.s32 s29, s18;
	[sflag:s10] =	ssyncadd.s32 $0xFFFF1000  }
0x29: {  	[hbm4b:s18+s2] =	stream.linear.scatter [tilespmem:s9], [sflag:$0x4], $0xF000, $0x38;
	[tilespmem:$0x1E400] =	vst v63  }
0x2a: {  	s19 =	sadd.s32 s26, s19  }
0x2b: {  	[tilespmem:s2], [sflag:$0x1] =	stream.linear.gather [hbm4b:s19+s2], $0x1E0, $0x38;
	[tilespmem:$0x1E400] =	vst v63  }
0x2c: {  	_ =	swait.ge [sflag:s13], $0x1E0  }
0x2d: {  	[sflag:s13] =	ssyncset.done $0x0  }
0x2e: {  	s20 =	simm.s32 $0x5;
	[sflag:s13] =	ssyncadd.s32 $0xFFFFFE20  }
0x2f: {  	_ =	swait.ge [sflag:s20], $0xF000  }
0x30: {  	[sflag:s20] =	ssyncset.done $0x0  }
0x31: {  	[sflag:s20] =	ssyncadd.s32 $0xFFFF1000  }
0x32: {  	[tilespmem:s14], [sflag:$0x3] =	stream.indirect.gather [hbm4b:s7+s8], $0x80, s5, s8, $0xb8;
	[tilespmem:$0x1E400] =	vst v63  }
0x33: {  	_ =	swait.ge [sflag:s10], $0xF000  }
0x34: {  	s21 =	sshll.u32 s21, $0x4;
	s25 =	sadd.s32 $0x960, s28;
	[sflag:s10] =	ssyncset.done $0x0  }
0x35: {  	s21 =	sadd.s32 s29, s21;
	s22 =	sshrl.u32 s25, $0x3;
	[sflag:s10] =	ssyncadd.s32 $0xFFFF1000  }
0x36: {  	[hbm4b:s21+s2] =	stream.linear.scatter [tilespmem:s14], [sflag:$0x5], $0xF000, $0x38;
	[tilespmem:$0x1E400] =	vst v63  }
0x37: {  	s22 =	sadd.s32 s26, s22  }
0x38: {  	[tilespmem:s5], [sflag:$0x2] =	stream.linear.gather [hbm4b:s22+s2], $0x1E0, $0x38;
	[tilespmem:$0x1E400] =	vst v63  }
0x39: {  	_ =	swait.ge [sflag:s6], $0x1E0  }
0x3a: {  	[sflag:s6] =	ssyncset.done $0x0  }
0x3b: {  	[sflag:s6] =	ssyncadd.s32 $0xFFFFFE20  }
0x3c: {  	_ =	swait.ge [sflag:s17], $0xF000  }
0x3d: {  	[sflag:s17] =	ssyncset.done $0x0  }
0x3e: {  	[sflag:s17] =	ssyncadd.s32 $0xFFFF1000  }
0x3f: {  	[tilespmem:s9], [sflag:$0x3] =	stream.indirect.gather [hbm4b:s7+s8], $0x80, s2, s8, $0xb8;
	[tilespmem:$0x1E400] =	vst v63  }
0x40: {  	_ =	swait.ge [sflag:s10], $0xF000  }
0x41: {  	s31 =	sadd.s32 $0xB40, s28;
	s23 =	sshll.u32 s23, $0x4;
	[sflag:s10] =	ssyncset.done $0x0  }
0x42: {  	s24 =	sshrl.u32 s31, $0x3;
	s23 =	sadd.s32 s29, s23;
	[sflag:s10] =	ssyncadd.s32 $0xFFFF1000  }
0x43: {  	[hbm4b:s23+s2] =	stream.linear.scatter [tilespmem:s9], [sflag:$0x4], $0xF000, $0x38;
	[tilespmem:$0x1E400] =	vst v63  }
0x44: {  	s24 =	sadd.s32 s26, s24  }
0x45: {  	[tilespmem:s2], [sflag:$0x1] =	stream.linear.gather [hbm4b:s24+s2], $0x1E0, $0x38;
	[tilespmem:$0x1E400] =	vst v63  }
0x46: {  	_ =	swait.ge [sflag:s13], $0x1E0  }
0x47: {  	[sflag:s13] =	ssyncset.done $0x0  }
0x48: {  	[sflag:s13] =	ssyncadd.s32 $0xFFFFFE20  }
0x49: {  	_ =	swait.ge [sflag:s20], $0xF000  }
0x4a: {  	[sflag:s20] =	ssyncset.done $0x0  }
0x4b: {  	[sflag:s20] =	ssyncadd.s32 $0xFFFF1000  }
0x4c: {  	[tilespmem:s14], [sflag:$0x3] =	stream.indirect.gather [hbm4b:s7+s8], $0x80, s5, s8, $0xb8;
	[tilespmem:$0x1E400] =	vst v63  }
0x4d: {  	_ =	swait.ge [sflag:s10], $0xF000  }
0x4e: {  	s1 =	sadd.s32 $0xD20, s28;
	s25 =	sshll.u32 s25, $0x4;
	[sflag:s10] =	ssyncset.done $0x0  }
0x4f: {  	s28 =	sshrl.u32 s1, $0x3;
	s25 =	sadd.s32 s29, s25;
	[sflag:s10] =	ssyncadd.s32 $0xFFFF1000  }
0x50: {  	[hbm4b:s25+s2] =	stream.linear.scatter [tilespmem:s14], [sflag:$0x5], $0xF000, $0x38;
	[tilespmem:$0x1E400] =	vst v63  }
0x51: {  	s26 =	sadd.s32 s26, s28  }
0x52: {  	[tilespmem:s5], [sflag:$0x2] =	stream.linear.gather [hbm4b:s26+s2], $0x1E0, $0x38;
	[tilespmem:$0x1E400] =	vst v63  }
0x53: {  	_ =	swait.ge [sflag:s6], $0x1E0  }
0x54: {  	[sflag:s6] =	ssyncset.done $0x0  }
0x55: {  	[sflag:s6] =	ssyncadd.s32 $0xFFFFFE20  }
0x56: {  	_ =	swait.ge [sflag:s17], $0xF000  }
0x57: {  	[sflag:s17] =	ssyncset.done $0x0  }
0x58: {  	[sflag:s17] =	ssyncadd.s32 $0xFFFF1000  }
0x59: {  	[tilespmem:s9], [sflag:$0x3] =	stream.indirect.gather [hbm4b:s7+s8], $0x80, s2, s8, $0xb8;
	[tilespmem:$0x1E400] =	vst v63  }
0x5a: {  	_ =	swait.ge [sflag:s10], $0xF000  }
0x5b: {  	s28 =	sshll.u32 s31, $0x4;
	[sflag:s10] =	ssyncset.done $0x0  }
0x5c: {  	s28 =	sadd.s32 s29, s28;
	[sflag:s10] =	ssyncadd.s32 $0xFFFF1000  }
0x5d: {  	[hbm4b:s28+s2] =	stream.linear.scatter [tilespmem:s9], [sflag:$0x4], $0xF000, $0x38;
	[tilespmem:$0x1E400] =	vst v63  }
0x5e: {  	_ =	swait.ge [sflag:s13], $0x1E0  }
0x5f: {  	[sflag:s13] =	ssyncset.done $0x0  }
0x60: {  	[sflag:s13] =	ssyncadd.s32 $0xFFFFFE20  }
0x61: {  	_ =	swait.ge [sflag:s20], $0xF000  }
0x62: {  	s31 =	ssub.s32 $0x2, s30;
	[sflag:s20] =	ssyncset.done $0x0  }
0x63: {  	s1 =	sshll.u32 s1, $0x4;
	s30 =	sshrl.u32 s31, $0x1;
	[sflag:s20] =	ssyncadd.s32 $0xFFFF1000  }
0x64: {  	[tilespmem:s14], [sflag:$0x3] =	stream.indirect.gather [hbm4b:s7+s8], $0x80, s5, s8, $0xb8;
	[tilespmem:$0x1E400] =	vst v63  }
0x65: {  	s29 =	sadd.s32 s29, s1;
	s1 =	ssub.s32 s31, s30;
	_ =	swait.ge [sflag:s10], $0xF000  }
0x66: {  	s1 =	smax.u32 s1, $0x1;
	[sflag:s10] =	ssyncset.done $0x0  }
0x67: {  	p0 =	sne.s32 s1, $0x1;
	[sflag:s10] =	ssyncadd.s32 $0xFFFF1000  }
0x68: {  	[hbm4b:s29+s2] =	stream.linear.scatter [tilespmem:s14], [sflag:$0x5], $0xF000, $0x38;
	[tilespmem:$0x1E400] =	vst v63  }
.Ltmp0:
0x69: {  	_ =	swait.ge [sflag:s17], $0xF000;
	(pc) =	sbr.rel @!p0 .LBB2_2-.Ltmp0, $4  }
0x6a: {  	[sflag:s17] =	ssyncset.done $0x0  }
0x6b: {  	[sflag:s17] =	ssyncadd.s32 $0xFFFF1000  }
0x6c: {  	_ =	swait.ge [sflag:s20], $0xF000  }
0x6d: {  	s30 =	sadd.s32 $0xFFFFFFFF, s1;
	[sflag:s20] =	ssyncset.done $0x0  }
.LBB2_1:
0x6e: {  	p0 =	sne.s32 s30, $0x1;
	s30 =	sadd.s32 $0xFFFFFFFF, s30;
	[sflag:s20] =	ssyncadd.s32 $0xFFFF1000  }
0x6f: {  	[tilespmem:s2], [sflag:$0x1] =	stream.linear.gather [hbm4b:s3+s2], $0x1E0, $0x38;
	[tilespmem:$0x1E400] =	vst v63  }
0x70: {  	_ = 	snop  }
0x71: {  	[tilespmem:s5], [sflag:$0x2] =	stream.linear.gather [hbm4b:s4+s2], $0x1E0, $0x38;
	[tilespmem:$0x1E400] =	vst v63  }
0x72: {  	_ =	swait.ge [sflag:s6], $0x1E0  }
0x73: {  	[sflag:s6] =	ssyncset.done $0x0  }
0x74: {  	[sflag:s6] =	ssyncadd.s32 $0xFFFFFE20  }
0x75: {  	[tilespmem:s9], [sflag:$0x3] =	stream.indirect.gather [hbm4b:s7+s8], $0x80, s2, s8, $0xb8;
	[tilespmem:$0x1E400] =	vst v63  }
0x76: {  	_ =	swait.ge [sflag:s10], $0xF000  }
0x77: {  	[sflag:s10] =	ssyncset.done $0x0  }
0x78: {  	[sflag:s10] =	ssyncadd.s32 $0xFFFF1000  }
0x79: {  	[hbm4b:s11+s2] =	stream.linear.scatter [tilespmem:s9], [sflag:$0x4], $0xF000, $0x38;
	[tilespmem:$0x1E400] =	vst v63  }
0x7a: {  	_ = 	snop  }
0x7b: {  	[tilespmem:s2], [sflag:$0x1] =	stream.linear.gather [hbm4b:s12+s2], $0x1E0, $0x38;
	[tilespmem:$0x1E400] =	vst v63  }
0x7c: {  	_ =	swait.ge [sflag:s13], $0x1E0  }
0x7d: {  	[sflag:s13] =	ssyncset.done $0x0  }
0x7e: {  	[sflag:s13] =	ssyncadd.s32 $0xFFFFFE20  }
0x7f: {  	[tilespmem:s14], [sflag:$0x3] =	stream.indirect.gather [hbm4b:s7+s8], $0x80, s5, s8, $0xb8;
	[tilespmem:$0x1E400] =	vst v63  }
0x80: {  	_ =	swait.ge [sflag:s10], $0xF000  }
0x81: {  	[sflag:s10] =	ssyncset.done $0x0  }
0x82: {  	[sflag:s10] =	ssyncadd.s32 $0xFFFF1000  }
0x83: {  	[hbm4b:s15+s2] =	stream.linear.scatter [tilespmem:s14], [sflag:$0x5], $0xF000, $0x38;
	[tilespmem:$0x1E400] =	vst v63  }
0x84: {  	_ = 	snop  }
0x85: {  	[tilespmem:s5], [sflag:$0x2] =	stream.linear.gather [hbm4b:s16+s2], $0x1E0, $0x38;
	[tilespmem:$0x1E400] =	vst v63  }
0x86: {  	_ =	swait.ge [sflag:s6], $0x1E0  }
0x87: {  	[sflag:s6] =	ssyncset.done $0x0  }
0x88: {  	[sflag:s6] =	ssyncadd.s32 $0xFFFFFE20  }
0x89: {  	_ =	swait.ge [sflag:s17], $0xF000  }
0x8a: {  	[sflag:s17] =	ssyncset.done $0x0  }
0x8b: {  	[sflag:s17] =	ssyncadd.s32 $0xFFFF1000  }
0x8c: {  	[tilespmem:s9], [sflag:$0x3] =	stream.indirect.gather [hbm4b:s7+s8], $0x80, s2, s8, $0xb8;
	[tilespmem:$0x1E400] =	vst v63  }
0x8d: {  	_ =	swait.ge [sflag:s10], $0xF000  }
0x8e: {  	[sflag:s10] =	ssyncset.done $0x0  }
0x8f: {  	[sflag:s10] =	ssyncadd.s32 $0xFFFF1000  }
0x90: {  	[hbm4b:s18+s2] =	stream.linear.scatter [tilespmem:s9], [sflag:$0x4], $0xF000, $0x38;
	[tilespmem:$0x1E400] =	vst v63  }
0x91: {  	_ = 	snop  }
0x92: {  	[tilespmem:s2], [sflag:$0x1] =	stream.linear.gather [hbm4b:s19+s2], $0x1E0, $0x38;
	[tilespmem:$0x1E400] =	vst v63  }
0x93: {  	_ =	swait.ge [sflag:s13], $0x1E0  }
0x94: {  	[sflag:s13] =	ssyncset.done $0x0  }
0x95: {  	[sflag:s13] =	ssyncadd.s32 $0xFFFFFE20  }
0x96: {  	_ =	swait.ge [sflag:s20], $0xF000  }
0x97: {  	[sflag:s20] =	ssyncset.done $0x0  }
0x98: {  	[sflag:s20] =	ssyncadd.s32 $0xFFFF1000  }
0x99: {  	[tilespmem:s14], [sflag:$0x3] =	stream.indirect.gather [hbm4b:s7+s8], $0x80, s5, s8, $0xb8;
	[tilespmem:$0x1E400] =	vst v63  }
0x9a: {  	_ =	swait.ge [sflag:s10], $0xF000  }
0x9b: {  	[sflag:s10] =	ssyncset.done $0x0  }
0x9c: {  	[sflag:s10] =	ssyncadd.s32 $0xFFFF1000  }
0x9d: {  	[hbm4b:s21+s2] =	stream.linear.scatter [tilespmem:s14], [sflag:$0x5], $0xF000, $0x38;
	[tilespmem:$0x1E400] =	vst v63  }
0x9e: {  	_ = 	snop  }
0x9f: {  	[tilespmem:s5], [sflag:$0x2] =	stream.linear.gather [hbm4b:s22+s2], $0x1E0, $0x38;
	[tilespmem:$0x1E400] =	vst v63  }
0xa0: {  	_ =	swait.ge [sflag:s6], $0x1E0  }
0xa1: {  	[sflag:s6] =	ssyncset.done $0x0  }
0xa2: {  	[sflag:s6] =	ssyncadd.s32 $0xFFFFFE20  }
0xa3: {  	_ =	swait.ge [sflag:s17], $0xF000  }
0xa4: {  	[sflag:s17] =	ssyncset.done $0x0  }
0xa5: {  	[sflag:s17] =	ssyncadd.s32 $0xFFFF1000  }
0xa6: {  	[tilespmem:s9], [sflag:$0x3] =	stream.indirect.gather [hbm4b:s7+s8], $0x80, s2, s8, $0xb8;
	[tilespmem:$0x1E400] =	vst v63  }
0xa7: {  	_ =	swait.ge [sflag:s10], $0xF000  }
0xa8: {  	[sflag:s10] =	ssyncset.done $0x0  }
0xa9: {  	[sflag:s10] =	ssyncadd.s32 $0xFFFF1000  }
0xaa: {  	[hbm4b:s23+s2] =	stream.linear.scatter [tilespmem:s9], [sflag:$0x4], $0xF000, $0x38;
	[tilespmem:$0x1E400] =	vst v63  }
0xab: {  	_ = 	snop  }
0xac: {  	[tilespmem:s2], [sflag:$0x1] =	stream.linear.gather [hbm4b:s24+s2], $0x1E0, $0x38;
	[tilespmem:$0x1E400] =	vst v63  }
0xad: {  	_ =	swait.ge [sflag:s13], $0x1E0  }
0xae: {  	[sflag:s13] =	ssyncset.done $0x0  }
0xaf: {  	[sflag:s13] =	ssyncadd.s32 $0xFFFFFE20  }
0xb0: {  	_ =	swait.ge [sflag:s20], $0xF000  }
0xb1: {  	[sflag:s20] =	ssyncset.done $0x0  }
0xb2: {  	[sflag:s20] =	ssyncadd.s32 $0xFFFF1000  }
0xb3: {  	[tilespmem:s14], [sflag:$0x3] =	stream.indirect.gather [hbm4b:s7+s8], $0x80, s5, s8, $0xb8;
	[tilespmem:$0x1E400] =	vst v63  }
0xb4: {  	_ =	swait.ge [sflag:s10], $0xF000  }
0xb5: {  	[sflag:s10] =	ssyncset.done $0x0  }
0xb6: {  	[sflag:s10] =	ssyncadd.s32 $0xFFFF1000  }
0xb7: {  	[hbm4b:s25+s2] =	stream.linear.scatter [tilespmem:s14], [sflag:$0x5], $0xF000, $0x38;
	[tilespmem:$0x1E400] =	vst v63  }
0xb8: {  	_ = 	snop  }
0xb9: {  	[tilespmem:s5], [sflag:$0x2] =	stream.linear.gather [hbm4b:s26+s2], $0x1E0, $0x38;
	[tilespmem:$0x1E400] =	vst v63  }
0xba: {  	_ =	swait.ge [sflag:s6], $0x1E0  }
0xbb: {  	[sflag:s6] =	ssyncset.done $0x0  }
0xbc: {  	[sflag:s6] =	ssyncadd.s32 $0xFFFFFE20  }
0xbd: {  	_ =	swait.ge [sflag:s17], $0xF000  }
0xbe: {  	[sflag:s17] =	ssyncset.done $0x0  }
0xbf: {  	[sflag:s17] =	ssyncadd.s32 $0xFFFF1000  }
0xc0: {  	[tilespmem:s9], [sflag:$0x3] =	stream.indirect.gather [hbm4b:s7+s8], $0x80, s2, s8, $0xb8;
	[tilespmem:$0x1E400] =	vst v63  }
0xc1: {  	_ =	swait.ge [sflag:s10], $0xF000  }
0xc2: {  	[sflag:s10] =	ssyncset.done $0x0  }
0xc3: {  	[sflag:s10] =	ssyncadd.s32 $0xFFFF1000  }
0xc4: {  	[hbm4b:s28+s2] =	stream.linear.scatter [tilespmem:s9], [sflag:$0x4], $0xF000, $0x38;
	[tilespmem:$0x1E400] =	vst v63  }
0xc5: {  	_ =	swait.ge [sflag:s13], $0x1E0  }
0xc6: {  	[sflag:s13] =	ssyncset.done $0x0  }
0xc7: {  	[sflag:s13] =	ssyncadd.s32 $0xFFFFFE20  }
0xc8: {  	_ =	swait.ge [sflag:s20], $0xF000  }
0xc9: {  	[sflag:s20] =	ssyncset.done $0x0  }
0xca: {  	[sflag:s20] =	ssyncadd.s32 $0xFFFF1000  }
0xcb: {  	[tilespmem:s14], [sflag:$0x3] =	stream.indirect.gather [hbm4b:s7+s8], $0x80, s5, s8, $0xb8;
	[tilespmem:$0x1E400] =	vst v63  }
0xcc: {  	_ =	swait.ge [sflag:s10], $0xF000  }
0xcd: {  	[sflag:s10] =	ssyncset.done $0x0  }
0xce: {  	[sflag:s10] =	ssyncadd.s32 $0xFFFF1000  }
0xcf: {  	[hbm4b:s29+s2] =	stream.linear.scatter [tilespmem:s14], [sflag:$0x5], $0xF000, $0x38;
	[tilespmem:$0x1E400] =	vst v63  }
.Ltmp1:
0xd0: {  	_ =	swait.ge [sflag:s17], $0xF000;
	(pc) =	sbr.rel @p0 .LBB2_1-.Ltmp1, $4  }
0xd1: {  	[sflag:s17] =	ssyncset.done $0x0  }
0xd2: {  	[sflag:s17] =	ssyncadd.s32 $0xFFFF1000  }
0xd3: {  	_ =	swait.ge [sflag:s20], $0xF000  }
0xd4: {  	[sflag:s20] =	ssyncset.done $0x0  }
.LBB2_2:
0xd5: {  	[sflag:s20] =	ssyncadd.s32 $0xFFFF1000  }
0xd6: {  	_ =	sfence.sel $0x180000  }
0xd7: {  	[bflag:$0x0] =	sbarrier.arrive $0xFFFF  }
0xd8: {  	_ =	strace $0x9000004A  }
0xd9: {  	[bflag:$0x2] =	sbarrier.arrive $0xFFFF  }
0xda: {  	p0 =	sne.s32 s0, $0x0;
	s0 =	rddreg [dreg:$0x2]  }
0xdb: {  	s0 =	sadd.s32 @!p0 $0x100000, s0  }
0xdc: {  	[sflag:s0] =	ssyncadd.tile.s32 @!p0 $0x1;
	_ =	shalt  }
.Lfunc_end2:
_tile_overlayer_lowered:
.L_overlay_start_2:
0xdd: {  	(tag) =	ssettag $0x2  }
0xde: {  	s0 =	rddreg [dreg:$0x0];
	s2 =	stileid.u32  }
0xdf: {  	s1 =	rddreg [dreg:$0x1];
	p0 =	sne.s32 s2, $0x0  }
0xe0: {  	s3 =	rddreg [dreg:$0x2];
	[bflag:$0x3] =	sbarrier.arrive $0xFFFF;
	s2 =	simm.s32 @!p0 $0x1C06  }
0xe1: {  	[timem:s3], [sflag:s2] =	dma.local @!p0 [hbm:s0], s1  }
0xe2: {  	s0 =	simm.s32 @!p0 $0x6  }
0xe3: {  	_ =	swait.ge @!p0 [sflag:s0], s1  }
0xe4: {  	s1 =	ssub.s32 @!p0 $0x0, s1;
	[sflag:s0] =	ssyncset.done @!p0 $0x0  }
0xe5: {  	[sflag:s0] =	ssyncadd.s32 @!p0 s1  }
0xe6: {  	[bflag:$0x3] =	sbarrier.arrive $0xFFFF  }
0xe7: {  	_ =	shalt  }

// kernel: kernel.8.cloned.1.call-start
scs
__scs_entry_jumppad:
0x0: {  	(pc) =	sbr.rel $0x88, $3  }
0x1: {  	(tag) =	ssettag $0x0;
	lr =	simm.s32 $0x1  }
0x2: {  	[smem:$0x3F88] =	sst lr;
	_ =	strace $0xD0000000  }
0x3: {  	_ = 	snop  }
0x4: {  	_ = 	snop  }
0x5: {  	_ = 	snop  }
0x6: {  	_ = 	snop  }
0x7: {  	_ = 	snop  }
__scs_overlays_trampoline_lowered:
0x8: {  	[smem:$0x3F97] =	sst s0  }
0x9: {  	[smem:$0x3F98] =	sst s1  }
0xa: {  	[smem:$0x3F99] =	sst s2  }
0xb: {  	[smem:$0x3F9A] =	sst s3  }
0xc: {  	[smem:$0x3F9B] =	sst s4  }
0xd: {  	[smem:$0x3F9C] =	sst s5  }
0xe: {  	[smem:$0x3F9D] =	sst s6  }
0xf: {  	[smem:$0x3F9E] =	sst s7  }
0x10: {  	[smem:$0x3F9F] =	sst s8  }
0x11: {  	[smem:$0x3FA0] =	sst s9;
	s0 =	simm.s32 @!p0 $0x0  }
0x12: {  	s1 =	sld [smem:$0x3F86];
	s0 =	simm.s32 @p0 $0x1  }
0x13: {  	[smem:$0x3FA1] =	sst s0;
	s0 =	simm.s32 @!p1 $0x0  }
0x14: {  	s2 =	sld [smem:$0x3F85];
	s0 =	simm.s32 @p1 $0x1  }
0x15: {  	[smem:$0x3FA2] =	sst s0;
	s0 =	simm.s32 @!p2 $0x0  }
0x16: {  	s3 =	sld [smem:$0x3FDB];
	s0 =	simm.s32 @p2 $0x1  }
0x17: {  	s4 =	simm.s32 $0x1BF5;
	[smem:$0x3FA4] =	sst s0  }
0x18: {  	s0 =	sld [smem:$0x3F87];
	_ =	swait.ge [sflag:s4], $0x0  }
0x19: {  	s7 =	sld [smem:$0x3F88]  }
0x1a: {  	s8 =	sadd.s32 $0xFFFFE003, lr  }
0x1b: {  	s9 =	sadd.s32 $0xFFFFFEF7, lr;
	s5 =	simm.s32 $0xFFFFFFFF;
	p2 =	slt.u32 s8, $0xFFFFF086  }
0x1c: {  	p1 =	slt.u32 s9, $0xF7A;
	s5 =	simm.s32 @!p2 $0x0  }
0x1d: {  	s5 =	simm.s32 @p1 $0x1;
	p0 =	seq.s32 s7, s2  }
0x1e: {  	s7 =	smul.u32 @!p0 $0xF7A, s2;
	p2 =	seq.s32 @!p0 s5, $0x0  }
0x1f: {  	s9 =	smul.u32 $0xF7A, s1;
	s8 =	simm.s32 @!p0 $0x1BF5;
	p2 =	por !p2, p0  }
0x20: {  	[sflag:s8] =	ssyncset.s32 @!p0 $0xFFFFF086;
	s6 =	sadd.s32 @!p0 s3, s7;
	s7 =	simm.s32 @!p0 $0x108  }
0x21: {  	s3 =	sadd.s32 s3, s9;
	s6 =	sadd.s32 @!p0 $0x88, s6;
	s7 =	simm.s32 @p2 $0x1082  }
0x22: {  	[simem:s7], [sflag:s8] =	dma.local @!p0 [hbm:s6], $0xF7A  }
0x23: {  	s9 =	sor.u32 $0xD0000000, s2;
	s6 =	simm.s32 $0x108;
	_ =	swait.ge @!p0 [sflag:s8], $0x0  }
0x24: {  	s3 =	sadd.s32 $0x88, s3;
	s6 =	simm.s32 @!p1 $0x1082;
	[sflag:s4] =	ssyncset.s32 $0xFFFFF086  }
0x25: {  	[simem:s6], [sflag:s4] =	dma.local [hbm:s3], $0xF7A  }
0x26: {  	[smem:$0x3F88] =	sst s1;
	(tag) =	ssettag s2;
	_ =	strace s9  }
0x27: {  	s1 =	sld [smem:$0x3F98]  }
0x28: {  	s2 =	sld [smem:$0x3F99]  }
0x29: {  	s4 =	sld [smem:$0x3F9B]  }
0x2a: {  	p0 =	seq.s32 s5, $0x0;
	s5 =	sld [smem:$0x3F9C]  }
0x2b: {  	s6 =	sld [smem:$0x3F9D]  }
0x2c: {  	s7 =	sld [smem:$0x3F9E]  }
0x2d: {  	s3 =	simm.s32 $0x108;
	s8 =	sld [smem:$0x3F9F]  }
0x2e: {  	s3 =	simm.s32 @!p0 $0x1082;
	s9 =	sld [smem:$0x3FA0]  }
0x2f: {  	lr =	sadd.s32 s0, s3;
	s0 =	sld [smem:$0x3F97]  }
0x30: {  	s3 =	sld [smem:$0x3F9A]  }
0x31: {  	[smem:$0x3FA3] =	sst s10  }
0x32: {  	s10 =	sld [smem:$0x3FA1];
	_ =	sdelay $0x3  }
0x33: {  	p0 =	seq.s32 s10, $0x1;
	s10 =	sld [smem:$0x3FA3];
	_ =	sdelay $0x3  }
0x34: {  	[smem:$0x3FA3] =	sst s10  }
0x35: {  	s10 =	sld [smem:$0x3FA2];
	_ =	sdelay $0x3  }
0x36: {  	p1 =	seq.s32 s10, $0x1;
	s10 =	sld [smem:$0x3FA3];
	_ =	sdelay $0x3  }
0x37: {  	[smem:$0x3FA3] =	sst s10  }
0x38: {  	s10 =	sld [smem:$0x3FA4]  }
0x39: {  	_ = 	snop;
	(pc) =	sbr.ind lr, $3  }
0x3a: {  	_ = 	snop  }
0x3b: {  	_ = 	snop  }
0x3c: {  	p2 =	seq.s32 s10, $0x1;
	s10 =	sld [smem:$0x3FA3]  }
0x3d: {  	_ =	shalt  }
0x3e: {  	_ =	shalt  }
0x3f: {  	_ =	shalt  }
0x40: {  	_ =	shalt  }
0x41: {  	_ =	shalt  }
0x42: {  	_ =	shalt  }
0x43: {  	_ =	shalt  }
0x44: {  	_ =	shalt  }
0x45: {  	_ =	shalt  }
0x46: {  	_ =	shalt  }
0x47: {  	_ =	shalt  }
0x48: {  	_ =	shalt  }
0x49: {  	_ =	shalt  }
0x4a: {  	_ =	shalt  }
0x4b: {  	_ =	shalt  }
0x4c: {  	_ =	shalt  }
0x4d: {  	_ =	shalt  }
0x4e: {  	_ =	shalt  }
0x4f: {  	_ =	shalt  }
0x50: {  	_ =	shalt  }
0x51: {  	_ =	shalt  }
0x52: {  	_ =	shalt  }
0x53: {  	_ =	shalt  }
0x54: {  	_ =	shalt  }
0x55: {  	_ =	shalt  }
0x56: {  	_ =	shalt  }
0x57: {  	_ =	shalt  }
0x58: {  	_ =	shalt  }
0x59: {  	_ =	shalt  }
0x5a: {  	_ =	shalt  }
0x5b: {  	_ =	shalt  }
0x5c: {  	_ =	shalt  }
0x5d: {  	_ =	shalt  }
0x5e: {  	_ =	shalt  }
0x5f: {  	_ =	shalt  }
0x60: {  	_ =	shalt  }
0x61: {  	_ =	shalt  }
0x62: {  	_ =	shalt  }
0x63: {  	_ =	shalt  }
0x64: {  	_ =	shalt  }
0x65: {  	_ =	shalt  }
0x66: {  	_ =	shalt  }
0x67: {  	_ =	shalt  }
0x68: {  	_ =	shalt  }
0x69: {  	_ =	shalt  }
0x6a: {  	_ =	shalt  }
0x6b: {  	_ =	shalt  }
0x6c: {  	_ =	shalt  }
0x6d: {  	_ =	shalt  }
0x6e: {  	_ =	shalt  }
0x6f: {  	_ =	shalt  }
0x70: {  	_ =	shalt  }
0x71: {  	_ =	shalt  }
0x72: {  	_ =	shalt  }
0x73: {  	_ =	shalt  }
0x74: {  	_ =	shalt  }
0x75: {  	_ =	shalt  }
0x76: {  	_ =	shalt  }
0x77: {  	_ =	shalt  }
0x78: {  	_ =	shalt  }
0x79: {  	_ =	shalt  }
0x7a: {  	_ =	shalt  }
0x7b: {  	_ =	shalt  }
0x7c: {  	_ =	shalt  }
0x7d: {  	_ =	shalt  }
0x7e: {  	_ =	shalt  }
0x7f: {  	_ =	shalt  }
0x80: {  	_ =	shalt  }
0x81: {  	_ =	shalt  }
0x82: {  	_ =	shalt  }
0x83: {  	_ =	shalt  }
0x84: {  	_ =	shalt  }
0x85: {  	_ =	shalt  }
0x86: {  	_ =	shalt  }
0x87: {  	_ =	shalt  }
.Lfunc_end0:
.L_simem_size_0:
called_computation_lowered:
.L_overlay_start_0:
0x88: {  	s2 =	sld [smem:$0x3FD9]  }
0x89: {  	s3 =	sld [smem:$0x3FFE];
	_ =	sdelay $0x1  }
0x8a: {  	s1 =	srdreg.scid  }
0x8b: {  	s0 =	sand.u32 $0x1, s1  }
0x8c: {  	s16 =	sshll.u32 s0, $0xA;
	s2 =	sadd.s32 s3, s2  }
0x8d: {  	s2 =	sadd.s32 s2, s16  }
0x8e: {  	[smem:$0x3FAF] =	sst s2  }
0x8f: {  	_ = 	snop  }
0x90: {  	(tm) =	ssettm $0x1  }
0x91: {  	s17 =	sld [smem:$0x3FFB];
	_ =	sdelay $0x3  }
0x92: {  	_ =	strace s17  }
0x93: {  	s2 =	sld [smem:$0x3FFC];
	_ =	sdelay $0x3  }
0x94: {  	_ =	strace s2  }
0x95: {  	s2 =	sld [smem:$0x3FFD];
	_ =	sdelay $0x3  }
0x96: {  	_ =	strace s2  }
0x97: {  	_ =	strace $0x8FFFFFFF  }
0x98: {  	s18 =	sld [smem:$0x3FDB];
	_ =	sdelay $0x1  }
0x99: {  	s19 =	simm.s32 $_scs_section_size  }
0x9a: {  	s4 =	simm.s32 $_size__tile_overlayer_lowered;
	s5 =	simm.s32 $_tile_overlayer_lowered  }
0x9b: {  	s22 =	simm.s32 $0x1BFF;
	s21 =	sshll.u32 s5, $0x1;
	s2 =	sadd.s32 s19, s18  }
0x9c: {  	s6 =	simm.s32 $0x0;
	s20 =	sshll.u32 s4, $0x1;
	s4 =	sadd.s32 s21, s2  }
0x9d: {  	[timem:s6], [sflag:s22] =	dma.local [hbm:s4], s20  }
0x9e: {  	_ =	swait.ge [sflag:s22], s20  }
0x9f: {  	s3 =	ssub.s32 $0x0, s20;
	[sflag:s22] =	ssyncset.done $0x0  }
0xa0: {  	[sflag:s22] =	ssyncadd.s32 s3;
	_ =	sdelay $0x1  }
0xa1: {  	s23 =	simm.s32 $0x1B8B  }
0xa2: {  	_ =	swait.ge [sflag:s23], $0x1  }
0xa3: {  	[sflag:s23] =	ssyncset.done $0x0  }
0xa4: {  	s25 =	simm.s32 $0x1B8E;
	s24 =	sld [smem:$0x3FFE];
	[sflag:s23] =	ssyncadd.s32 $0xFFFFFFFF  }
0xa5: {  	s26 =	simm.s32 $execute0_lowered;
	[smem:$0x3FD2] =	sst s25  }
0xa6: {  	s4 =	sshll.u32 s26, $0x1;
	_ =	strace $0x80000046;
	[dreg:$0x1] =	wrdreg $0xFFFFFFFF  }
0xa7: {  	s28 =	simm.s32 $_size_execute0_lowered;
	s2 =	sadd.s32 s2, s4;
	[dreg:$0x0] =	wrdreg $0x0  }
0xa8: {  	s4 =	sshll.u32 s28, $0x1;
	[dreg:$0x2] =	wrdreg s2  }
0xa9: {  	[dreg:$0x3] =	wrdreg s4  }
0xaa: {  	[dreg:$0x4] =	wrdreg $0xC0  }
0xab: {  	_ =	task [dreg:s6], $0x5FFFF  }
0xac: {  	[dreg:$0x1] =	wrdreg $0xFFFFFFFF  }
0xad: {  	[dreg:$0x0] =	wrdreg $0x60  }
0xae: {  	[dreg:$0x2] =	wrdreg s24  }
0xaf: {  	[dreg:$0x3] =	wrdreg $0x9  }
0xb0: {  	_ =	task.clear_ibuf [dreg:s6], $0x4FFFF;
	_ =	strace $0x90000046  }
0xb1: {  	s29 =	simm.s32 $0x9;
	_ =	strace $0x80000048  }
0xb2: {  	_ =	swait.ge [sflag:s29], $0x1  }
0xb3: {  	[sflag:s29] =	ssyncadd.s32 $0xFFFFFFFF  }
0xb4: {  	_ =	strace $0x90000048  }
0xb5: {  	_ =	sfence  }
0xb6: {  	s30 =	sld [smem:$0x0];
	_ =	sdelay $0x2  }
0xb7: {  	s31 =	sshll.u32 s1, $0xD;
	s1 =	sshrl.u32 s1, $0x2  }
0xb8: {  	s3 =	sand.u32 $0x4000, s31;
	s1 =	sadd.s32 s1, s30  }
0xb9: {  	s0 =	sor.u32 s3, s0;
	s1 =	sshll.u32 s1, $0x11  }
0xba: {  	s0 =	sor.u32 s1, s0  }
0xbb: {  	s0 =	sadd.s32 $0x8F2B, s0  }
0xbc: {  	[sflag:s0] =	ssyncadd.remote.s32 $0x1  }
0xbd: {  	_ =	sfence.sel $0xFFFF  }
0xbe: {  	[dreg:$0x0] =	wrdreg $0xFFFFFFFF;
	(pc) =	sbr.abs _section_cstart, $3  }
0xbf: {  	[dreg:$0x1] =	wrdreg $0xFFFFFFFF  }
0xc0: {  	_ =	task.clear_ibuf [dreg:s6], $0x2FFFF;
	_ =	strace $0x9FFFFFFF  }
0xc1: {  	(tm) =	ssettm $0x7FFFFFFF  }
tec
execute0_lowered:
.L_overlay_start_1:
0x0: {  	(tag) =	ssettag $0x1  }
0x1: {  	s1 =	srdreg.scid;
	s0 =	stileid.u32  }
0x2: {  	s30 =	sand.u32 $0x1, s1;
	s24 =	sshll.u32 s0, $0x1  }
0x3: {  	s12 =	sor.u32 s30, s24  }
0x4: {  	s11 =	rddreg [dreg:$0x0];
	s2 =	simm.s32 $0x0;
	s28 =	smul.u32 $0xF00, s12  }
0x5: {  	[smem:$0x7FF] =	sst s2  }
0x6: {  	s26 =	sadd.s32 $0x23E00, s11;
	s3 =	sshrl.u32 s28, $0x3;
	s15 =	sadd.s32 $0x1E0, s28  }
0x7: {  	_ =	strace $0x80000047;
	s3 =	sadd.s32 s26, s3;
	s4 =	sshrl.u32 s15, $0x3  }
0x8: {  	[tilespmem:s2], [sflag:$0x1] =	stream.linear.gather [hbm4b:s3+s2], $0x1E0, $0x38;
	[tilespmem:$0x1E400] =	vst v63  }
0x9: {  	s5 =	simm.s32 $0x200;
	s6 =	simm.s32 $0x1;
	s4 =	sadd.s32 s26, s4  }
0xa: {  	[tilespmem:s5], [sflag:$0x2] =	stream.linear.gather [hbm4b:s4+s2], $0x1E0, $0x38;
	[tilespmem:$0x1E400] =	vst v63  }
0xb: {  	_ =	swait.ge [sflag:s6], $0x1E0  }
0xc: {  	s8 =	simm.s32 $0x1E0;
	s9 =	simm.s32 $0x400;
	[sflag:s6] =	ssyncset.done $0x0  }
0xd: {  	s10 =	simm.s32 $0x3;
	s7 =	sadd.s32 $0x3E00, s11;
	[sflag:s6] =	ssyncadd.s32 $0xFFFFFE20  }
0xe: {  	[tilespmem:s9], [sflag:$0x3] =	stream.indirect.gather [hbm4b:s7+s8], $0x80, s2, s8, $0xb8;
	[tilespmem:$0x1E400] =	vst v63  }
0xf: {  	s12 =	smul.u32 $0xF000, s12;
	_ =	swait.ge [sflag:s10], $0xF000  }
0x10: {  	s29 =	sadd.s32 $0x27A00, s11;
	s18 =	sadd.s32 $0x3C0, s28;
	[sflag:s10] =	ssyncset.done $0x0  }
0x11: {  	s11 =	sadd.s32 s29, s12;
	s25 =	sshrl.u32 s18, $0x3;
	[sflag:s10] =	ssyncadd.s32 $0xFFFF1000  }
0x12: {  	[hbm4b:s11+s2] =	stream.linear.scatter [tilespmem:s9], [sflag:$0x4], $0xF000, $0x38;
	[tilespmem:$0x1E400] =	vst v63  }
0x13: {  	s13 =	simm.s32 $0x2;
	s12 =	sadd.s32 s26, s25  }
0x14: {  	[tilespmem:s2], [sflag:$0x1] =	stream.linear.gather [hbm4b:s12+s2], $0x1E0, $0x38;
	[tilespmem:$0x1E400] =	vst v63  }
0x15: {  	_ =	swait.ge [sflag:s13], $0x1E0  }
0x16: {  	[sflag:s13] =	ssyncset.done $0x0  }
0x17: {  	s14 =	simm.s32 $0xF400;
	[sflag:s13] =	ssyncadd.s32 $0xFFFFFE20  }
0x18: {  	[tilespmem:s14], [sflag:$0x3] =	stream.indirect.gather [hbm4b:s7+s8], $0x80, s5, s8, $0xb8;
	[tilespmem:$0x1E400] =	vst v63  }
0x19: {  	_ =	swait.ge [sflag:s10], $0xF000  }
0x1a: {  	s21 =	sadd.s32 $0x5A0, s28;
	s15 =	sshll.u32 s15, $0x4;
	[sflag:s10] =	ssyncset.done $0x0  }
0x1b: {  	s16 =	sshrl.u32 s21, $0x3;
	s15 =	sadd.s32 s29, s15;
	[sflag:s10] =	ssyncadd.s32 $0xFFFF1000  }
0x1c: {  	[hbm4b:s15+s2] =	stream.linear.scatter [tilespmem:s14], [sflag:$0x5], $0xF000, $0x38;
	[tilespmem:$0x1E400] =	vst v63  }
0x1d: {  	s16 =	sadd.s32 s26, s16  }
0x1e: {  	[tilespmem:s5], [sflag:$0x2] =	stream.linear.gather [hbm4b:s16+s2], $0x1E0, $0x38;
	[tilespmem:$0x1E400] =	vst v63  }
0x1f: {  	_ =	swait.ge [sflag:s6], $0x1E0  }
0x20: {  	[sflag:s6] =	ssyncset.done $0x0  }
0x21: {  	s17 =	simm.s32 $0x4;
	[sflag:s6] =	ssyncadd.s32 $0xFFFFFE20  }
0x22: {  	_ =	swait.ge [sflag:s17], $0xF000  }
0x23: {  	[sflag:s17] =	ssyncset.done $0x0  }
0x24: {  	[sflag:s17] =	ssyncadd.s32 $0xFFFF1000  }
0x25: {  	[tilespmem:s9], [sflag:$0x3] =	stream.indirect.gather [hbm4b:s7+s8], $0x80, s2, s8, $0xb8;
	[tilespmem:$0x1E400] =	vst v63  }
0x26: {  	_ =	swait.ge [sflag:s10], $0xF000  }
0x27: {  	s23 =	sadd.s32 $0x780, s28;
	s18 =	sshll.u32 s18, $0x4;
	[sflag:s10] =	ssyncset.done $0x0  }
0x28: {  	s19 =	sshrl.u32 s23, $0x3;
	s18 =	sadd.s32 s29, s18;
	[sflag:s10] =	ssyncadd.s32 $0xFFFF1000  }
0x29: {  	[hbm4b:s18+s2] =	stream.linear.scatter [tilespmem:s9], [sflag:$0x4], $0xF000, $0x38;
	[tilespmem:$0x1E400] =	vst v63  }
0x2a: {  	s19 =	sadd.s32 s26, s19  }
0x2b: {  	[tilespmem:s2], [sflag:$0x1] =	stream.linear.gather [hbm4b:s19+s2], $0x1E0, $0x38;
	[tilespmem:$0x1E400] =	vst v63  }
0x2c: {  	_ =	swait.ge [sflag:s13], $0x1E0  }
0x2d: {  	[sflag:s13] =	ssyncset.done $0x0  }
0x2e: {  	s20 =	simm.s32 $0x5;
	[sflag:s13] =	ssyncadd.s32 $0xFFFFFE20  }
0x2f: {  	_ =	swait.ge [sflag:s20], $0xF000  }
0x30: {  	[sflag:s20] =	ssyncset.done $0x0  }
0x31: {  	[sflag:s20] =	ssyncadd.s32 $0xFFFF1000  }
0x32: {  	[tilespmem:s14], [sflag:$0x3] =	stream.indirect.gather [hbm4b:s7+s8], $0x80, s5, s8, $0xb8;
	[tilespmem:$0x1E400] =	vst v63  }
0x33: {  	_ =	swait.ge [sflag:s10], $0xF000  }
0x34: {  	s21 =	sshll.u32 s21, $0x4;
	s25 =	sadd.s32 $0x960, s28;
	[sflag:s10] =	ssyncset.done $0x0  }
0x35: {  	s21 =	sadd.s32 s29, s21;
	s22 =	sshrl.u32 s25, $0x3;
	[sflag:s10] =	ssyncadd.s32 $0xFFFF1000  }
0x36: {  	[hbm4b:s21+s2] =	stream.linear.scatter [tilespmem:s14], [sflag:$0x5], $0xF000, $0x38;
	[tilespmem:$0x1E400] =	vst v63  }
0x37: {  	s22 =	sadd.s32 s26, s22  }
0x38: {  	[tilespmem:s5], [sflag:$0x2] =	stream.linear.gather [hbm4b:s22+s2], $0x1E0, $0x38;
	[tilespmem:$0x1E400] =	vst v63  }
0x39: {  	_ =	swait.ge [sflag:s6], $0x1E0  }
0x3a: {  	[sflag:s6] =	ssyncset.done $0x0  }
0x3b: {  	[sflag:s6] =	ssyncadd.s32 $0xFFFFFE20  }
0x3c: {  	_ =	swait.ge [sflag:s17], $0xF000  }
0x3d: {  	[sflag:s17] =	ssyncset.done $0x0  }
0x3e: {  	[sflag:s17] =	ssyncadd.s32 $0xFFFF1000  }
0x3f: {  	[tilespmem:s9], [sflag:$0x3] =	stream.indirect.gather [hbm4b:s7+s8], $0x80, s2, s8, $0xb8;
	[tilespmem:$0x1E400] =	vst v63  }
0x40: {  	_ =	swait.ge [sflag:s10], $0xF000  }
0x41: {  	s31 =	sadd.s32 $0xB40, s28;
	s23 =	sshll.u32 s23, $0x4;
	[sflag:s10] =	ssyncset.done $0x0  }
0x42: {  	s24 =	sshrl.u32 s31, $0x3;
	s23 =	sadd.s32 s29, s23;
	[sflag:s10] =	ssyncadd.s32 $0xFFFF1000  }
0x43: {  	[hbm4b:s23+s2] =	stream.linear.scatter [tilespmem:s9], [sflag:$0x4], $0xF000, $0x38;
	[tilespmem:$0x1E400] =	vst v63  }
0x44: {  	s24 =	sadd.s32 s26, s24  }
0x45: {  	[tilespmem:s2], [sflag:$0x1] =	stream.linear.gather [hbm4b:s24+s2], $0x1E0, $0x38;
	[tilespmem:$0x1E400] =	vst v63  }
0x46: {  	_ =	swait.ge [sflag:s13], $0x1E0  }
0x47: {  	[sflag:s13] =	ssyncset.done $0x0  }
0x48: {  	[sflag:s13] =	ssyncadd.s32 $0xFFFFFE20  }
0x49: {  	_ =	swait.ge [sflag:s20], $0xF000  }
0x4a: {  	[sflag:s20] =	ssyncset.done $0x0  }
0x4b: {  	[sflag:s20] =	ssyncadd.s32 $0xFFFF1000  }
0x4c: {  	[tilespmem:s14], [sflag:$0x3] =	stream.indirect.gather [hbm4b:s7+s8], $0x80, s5, s8, $0xb8;
	[tilespmem:$0x1E400] =	vst v63  }
0x4d: {  	_ =	swait.ge [sflag:s10], $0xF000  }
0x4e: {  	s1 =	sadd.s32 $0xD20, s28;
	s25 =	sshll.u32 s25, $0x4;
	[sflag:s10] =	ssyncset.done $0x0  }
0x4f: {  	s28 =	sshrl.u32 s1, $0x3;
	s25 =	sadd.s32 s29, s25;
	[sflag:s10] =	ssyncadd.s32 $0xFFFF1000  }
0x50: {  	[hbm4b:s25+s2] =	stream.linear.scatter [tilespmem:s14], [sflag:$0x5], $0xF000, $0x38;
	[tilespmem:$0x1E400] =	vst v63  }
0x51: {  	s26 =	sadd.s32 s26, s28  }
0x52: {  	[tilespmem:s5], [sflag:$0x2] =	stream.linear.gather [hbm4b:s26+s2], $0x1E0, $0x38;
	[tilespmem:$0x1E400] =	vst v63  }
0x53: {  	_ =	swait.ge [sflag:s6], $0x1E0  }
0x54: {  	[sflag:s6] =	ssyncset.done $0x0  }
0x55: {  	[sflag:s6] =	ssyncadd.s32 $0xFFFFFE20  }
0x56: {  	_ =	swait.ge [sflag:s17], $0xF000  }
0x57: {  	[sflag:s17] =	ssyncset.done $0x0  }
0x58: {  	[sflag:s17] =	ssyncadd.s32 $0xFFFF1000  }
0x59: {  	[tilespmem:s9], [sflag:$0x3] =	stream.indirect.gather [hbm4b:s7+s8], $0x80, s2, s8, $0xb8;
	[tilespmem:$0x1E400] =	vst v63  }
0x5a: {  	_ =	swait.ge [sflag:s10], $0xF000  }
0x5b: {  	s28 =	sshll.u32 s31, $0x4;
	[sflag:s10] =	ssyncset.done $0x0  }
0x5c: {  	s28 =	sadd.s32 s29, s28;
	[sflag:s10] =	ssyncadd.s32 $0xFFFF1000  }
0x5d: {  	[hbm4b:s28+s2] =	stream.linear.scatter [tilespmem:s9], [sflag:$0x4], $0xF000, $0x38;
	[tilespmem:$0x1E400] =	vst v63  }
0x5e: {  	_ =	swait.ge [sflag:s13], $0x1E0  }
0x5f: {  	[sflag:s13] =	ssyncset.done $0x0  }
0x60: {  	[sflag:s13] =	ssyncadd.s32 $0xFFFFFE20  }
0x61: {  	_ =	swait.ge [sflag:s20], $0xF000  }
0x62: {  	s31 =	ssub.s32 $0x2, s30;
	[sflag:s20] =	ssyncset.done $0x0  }
0x63: {  	s1 =	sshll.u32 s1, $0x4;
	s30 =	sshrl.u32 s31, $0x1;
	[sflag:s20] =	ssyncadd.s32 $0xFFFF1000  }
0x64: {  	[tilespmem:s14], [sflag:$0x3] =	stream.indirect.gather [hbm4b:s7+s8], $0x80, s5, s8, $0xb8;
	[tilespmem:$0x1E400] =	vst v63  }
0x65: {  	s29 =	sadd.s32 s29, s1;
	s1 =	ssub.s32 s31, s30;
	_ =	swait.ge [sflag:s10], $0xF000  }
0x66: {  	s1 =	smax.u32 s1, $0x1;
	[sflag:s10] =	ssyncset.done $0x0  }
0x67: {  	p0 =	sne.s32 s1, $0x1;
	[sflag:s10] =	ssyncadd.s32 $0xFFFF1000  }
0x68: {  	[hbm4b:s29+s2] =	stream.linear.scatter [tilespmem:s14], [sflag:$0x5], $0xF000, $0x38;
	[tilespmem:$0x1E400] =	vst v63  }
.Ltmp0:
0x69: {  	_ =	swait.ge [sflag:s17], $0xF000;
	(pc) =	sbr.rel @!p0 .LBB2_2-.Ltmp0, $4  }
0x6a: {  	[sflag:s17] =	ssyncset.done $0x0  }
0x6b: {  	[sflag:s17] =	ssyncadd.s32 $0xFFFF1000  }
0x6c: {  	_ =	swait.ge [sflag:s20], $0xF000  }
0x6d: {  	s30 =	sadd.s32 $0xFFFFFFFF, s1;
	[sflag:s20] =	ssyncset.done $0x0  }
.LBB2_1:
0x6e: {  	p0 =	sne.s32 s30, $0x1;
	s30 =	sadd.s32 $0xFFFFFFFF, s30;
	[sflag:s20] =	ssyncadd.s32 $0xFFFF1000  }
0x6f: {  	[tilespmem:s2], [sflag:$0x1] =	stream.linear.gather [hbm4b:s3+s2], $0x1E0, $0x38;
	[tilespmem:$0x1E400] =	vst v63  }
0x70: {  	_ = 	snop  }
0x71: {  	[tilespmem:s5], [sflag:$0x2] =	stream.linear.gather [hbm4b:s4+s2], $0x1E0, $0x38;
	[tilespmem:$0x1E400] =	vst v63  }
0x72: {  	_ =	swait.ge [sflag:s6], $0x1E0  }
0x73: {  	[sflag:s6] =	ssyncset.done $0x0  }
0x74: {  	[sflag:s6] =	ssyncadd.s32 $0xFFFFFE20  }
0x75: {  	[tilespmem:s9], [sflag:$0x3] =	stream.indirect.gather [hbm4b:s7+s8], $0x80, s2, s8, $0xb8;
	[tilespmem:$0x1E400] =	vst v63  }
0x76: {  	_ =	swait.ge [sflag:s10], $0xF000  }
0x77: {  	[sflag:s10] =	ssyncset.done $0x0  }
0x78: {  	[sflag:s10] =	ssyncadd.s32 $0xFFFF1000  }
0x79: {  	[hbm4b:s11+s2] =	stream.linear.scatter [tilespmem:s9], [sflag:$0x4], $0xF000, $0x38;
	[tilespmem:$0x1E400] =	vst v63  }
0x7a: {  	_ = 	snop  }
0x7b: {  	[tilespmem:s2], [sflag:$0x1] =	stream.linear.gather [hbm4b:s12+s2], $0x1E0, $0x38;
	[tilespmem:$0x1E400] =	vst v63  }
0x7c: {  	_ =	swait.ge [sflag:s13], $0x1E0  }
0x7d: {  	[sflag:s13] =	ssyncset.done $0x0  }
0x7e: {  	[sflag:s13] =	ssyncadd.s32 $0xFFFFFE20  }
0x7f: {  	[tilespmem:s14], [sflag:$0x3] =	stream.indirect.gather [hbm4b:s7+s8], $0x80, s5, s8, $0xb8;
	[tilespmem:$0x1E400] =	vst v63  }
0x80: {  	_ =	swait.ge [sflag:s10], $0xF000  }
0x81: {  	[sflag:s10] =	ssyncset.done $0x0  }
0x82: {  	[sflag:s10] =	ssyncadd.s32 $0xFFFF1000  }
0x83: {  	[hbm4b:s15+s2] =	stream.linear.scatter [tilespmem:s14], [sflag:$0x5], $0xF000, $0x38;
	[tilespmem:$0x1E400] =	vst v63  }
0x84: {  	_ = 	snop  }
0x85: {  	[tilespmem:s5], [sflag:$0x2] =	stream.linear.gather [hbm4b:s16+s2], $0x1E0, $0x38;
	[tilespmem:$0x1E400] =	vst v63  }
0x86: {  	_ =	swait.ge [sflag:s6], $0x1E0  }
0x87: {  	[sflag:s6] =	ssyncset.done $0x0  }
0x88: {  	[sflag:s6] =	ssyncadd.s32 $0xFFFFFE20  }
0x89: {  	_ =	swait.ge [sflag:s17], $0xF000  }
0x8a: {  	[sflag:s17] =	ssyncset.done $0x0  }
0x8b: {  	[sflag:s17] =	ssyncadd.s32 $0xFFFF1000  }
0x8c: {  	[tilespmem:s9], [sflag:$0x3] =	stream.indirect.gather [hbm4b:s7+s8], $0x80, s2, s8, $0xb8;
	[tilespmem:$0x1E400] =	vst v63  }
0x8d: {  	_ =	swait.ge [sflag:s10], $0xF000  }
0x8e: {  	[sflag:s10] =	ssyncset.done $0x0  }
0x8f: {  	[sflag:s10] =	ssyncadd.s32 $0xFFFF1000  }
0x90: {  	[hbm4b:s18+s2] =	stream.linear.scatter [tilespmem:s9], [sflag:$0x4], $0xF000, $0x38;
	[tilespmem:$0x1E400] =	vst v63  }
0x91: {  	_ = 	snop  }
0x92: {  	[tilespmem:s2], [sflag:$0x1] =	stream.linear.gather [hbm4b:s19+s2], $0x1E0, $0x38;
	[tilespmem:$0x1E400] =	vst v63  }
0x93: {  	_ =	swait.ge [sflag:s13], $0x1E0  }
0x94: {  	[sflag:s13] =	ssyncset.done $0x0  }
0x95: {  	[sflag:s13] =	ssyncadd.s32 $0xFFFFFE20  }
0x96: {  	_ =	swait.ge [sflag:s20], $0xF000  }
0x97: {  	[sflag:s20] =	ssyncset.done $0x0  }
0x98: {  	[sflag:s20] =	ssyncadd.s32 $0xFFFF1000  }
0x99: {  	[tilespmem:s14], [sflag:$0x3] =	stream.indirect.gather [hbm4b:s7+s8], $0x80, s5, s8, $0xb8;
	[tilespmem:$0x1E400] =	vst v63  }
0x9a: {  	_ =	swait.ge [sflag:s10], $0xF000  }
0x9b: {  	[sflag:s10] =	ssyncset.done $0x0  }
0x9c: {  	[sflag:s10] =	ssyncadd.s32 $0xFFFF1000  }
0x9d: {  	[hbm4b:s21+s2] =	stream.linear.scatter [tilespmem:s14], [sflag:$0x5], $0xF000, $0x38;
	[tilespmem:$0x1E400] =	vst v63  }
0x9e: {  	_ = 	snop  }
0x9f: {  	[tilespmem:s5], [sflag:$0x2] =	stream.linear.gather [hbm4b:s22+s2], $0x1E0, $0x38;
	[tilespmem:$0x1E400] =	vst v63  }
0xa0: {  	_ =	swait.ge [sflag:s6], $0x1E0  }
0xa1: {  	[sflag:s6] =	ssyncset.done $0x0  }
0xa2: {  	[sflag:s6] =	ssyncadd.s32 $0xFFFFFE20  }
0xa3: {  	_ =	swait.ge [sflag:s17], $0xF000  }
0xa4: {  	[sflag:s17] =	ssyncset.done $0x0  }
0xa5: {  	[sflag:s17] =	ssyncadd.s32 $0xFFFF1000  }
0xa6: {  	[tilespmem:s9], [sflag:$0x3] =	stream.indirect.gather [hbm4b:s7+s8], $0x80, s2, s8, $0xb8;
	[tilespmem:$0x1E400] =	vst v63  }
0xa7: {  	_ =	swait.ge [sflag:s10], $0xF000  }
0xa8: {  	[sflag:s10] =	ssyncset.done $0x0  }
0xa9: {  	[sflag:s10] =	ssyncadd.s32 $0xFFFF1000  }
0xaa: {  	[hbm4b:s23+s2] =	stream.linear.scatter [tilespmem:s9], [sflag:$0x4], $0xF000, $0x38;
	[tilespmem:$0x1E400] =	vst v63  }
0xab: {  	_ = 	snop  }
0xac: {  	[tilespmem:s2], [sflag:$0x1] =	stream.linear.gather [hbm4b:s24+s2], $0x1E0, $0x38;
	[tilespmem:$0x1E400] =	vst v63  }
0xad: {  	_ =	swait.ge [sflag:s13], $0x1E0  }
0xae: {  	[sflag:s13] =	ssyncset.done $0x0  }
0xaf: {  	[sflag:s13] =	ssyncadd.s32 $0xFFFFFE20  }
0xb0: {  	_ =	swait.ge [sflag:s20], $0xF000  }
0xb1: {  	[sflag:s20] =	ssyncset.done $0x0  }
0xb2: {  	[sflag:s20] =	ssyncadd.s32 $0xFFFF1000  }
0xb3: {  	[tilespmem:s14], [sflag:$0x3] =	stream.indirect.gather [hbm4b:s7+s8], $0x80, s5, s8, $0xb8;
	[tilespmem:$0x1E400] =	vst v63  }
0xb4: {  	_ =	swait.ge [sflag:s10], $0xF000  }
0xb5: {  	[sflag:s10] =	ssyncset.done $0x0  }
0xb6: {  	[sflag:s10] =	ssyncadd.s32 $0xFFFF1000  }
0xb7: {  	[hbm4b:s25+s2] =	stream.linear.scatter [tilespmem:s14], [sflag:$0x5], $0xF000, $0x38;
	[tilespmem:$0x1E400] =	vst v63  }
0xb8: {  	_ = 	snop  }
0xb9: {  	[tilespmem:s5], [sflag:$0x2] =	stream.linear.gather [hbm4b:s26+s2], $0x1E0, $0x38;
	[tilespmem:$0x1E400] =	vst v63  }
0xba: {  	_ =	swait.ge [sflag:s6], $0x1E0  }
0xbb: {  	[sflag:s6] =	ssyncset.done $0x0  }
0xbc: {  	[sflag:s6] =	ssyncadd.s32 $0xFFFFFE20  }
0xbd: {  	_ =	swait.ge [sflag:s17], $0xF000  }
0xbe: {  	[sflag:s17] =	ssyncset.done $0x0  }
0xbf: {  	[sflag:s17] =	ssyncadd.s32 $0xFFFF1000  }
0xc0: {  	[tilespmem:s9], [sflag:$0x3] =	stream.indirect.gather [hbm4b:s7+s8], $0x80, s2, s8, $0xb8;
	[tilespmem:$0x1E400] =	vst v63  }
0xc1: {  	_ =	swait.ge [sflag:s10], $0xF000  }
0xc2: {  	[sflag:s10] =	ssyncset.done $0x0  }
0xc3: {  	[sflag:s10] =	ssyncadd.s32 $0xFFFF1000  }
0xc4: {  	[hbm4b:s28+s2] =	stream.linear.scatter [tilespmem:s9], [sflag:$0x4], $0xF000, $0x38;
	[tilespmem:$0x1E400] =	vst v63  }
0xc5: {  	_ =	swait.ge [sflag:s13], $0x1E0  }
0xc6: {  	[sflag:s13] =	ssyncset.done $0x0  }
0xc7: {  	[sflag:s13] =	ssyncadd.s32 $0xFFFFFE20  }
0xc8: {  	_ =	swait.ge [sflag:s20], $0xF000  }
0xc9: {  	[sflag:s20] =	ssyncset.done $0x0  }
0xca: {  	[sflag:s20] =	ssyncadd.s32 $0xFFFF1000  }
0xcb: {  	[tilespmem:s14], [sflag:$0x3] =	stream.indirect.gather [hbm4b:s7+s8], $0x80, s5, s8, $0xb8;
	[tilespmem:$0x1E400] =	vst v63  }
0xcc: {  	_ =	swait.ge [sflag:s10], $0xF000  }
0xcd: {  	[sflag:s10] =	ssyncset.done $0x0  }
0xce: {  	[sflag:s10] =	ssyncadd.s32 $0xFFFF1000  }
0xcf: {  	[hbm4b:s29+s2] =	stream.linear.scatter [tilespmem:s14], [sflag:$0x5], $0xF000, $0x38;
	[tilespmem:$0x1E400] =	vst v63  }
.Ltmp1:
0xd0: {  	_ =	swait.ge [sflag:s17], $0xF000;
	(pc) =	sbr.rel @p0 .LBB2_1-.Ltmp1, $4  }
0xd1: {  	[sflag:s17] =	ssyncset.done $0x0  }
0xd2: {  	[sflag:s17] =	ssyncadd.s32 $0xFFFF1000  }
0xd3: {  	_ =	swait.ge [sflag:s20], $0xF000  }
0xd4: {  	[sflag:s20] =	ssyncset.done $0x0  }
.LBB2_2:
0xd5: {  	[sflag:s20] =	ssyncadd.s32 $0xFFFF1000  }
0xd6: {  	_ =	sfence.sel $0x180000  }
0xd7: {  	[bflag:$0x0] =	sbarrier.arrive $0xFFFF  }
0xd8: {  	_ =	strace $0x90000047  }
0xd9: {  	[bflag:$0x2] =	sbarrier.arrive $0xFFFF  }
0xda: {  	p0 =	sne.s32 s0, $0x0;
	s0 =	rddreg [dreg:$0x1]  }
0xdb: {  	s0 =	sadd.s32 @!p0 $0x100000, s0  }
0xdc: {  	[sflag:s0] =	ssyncadd.tile.s32 @!p0 $0x1;
	_ =	shalt  }
.Lfunc_end2:
_tile_overlayer_lowered:
.L_overlay_start_2:
0xdd: {  	(tag) =	ssettag $0x2  }
0xde: {  	s0 =	rddreg [dreg:$0x0];
	s2 =	stileid.u32  }
0xdf: {  	s1 =	rddreg [dreg:$0x1];
	p0 =	sne.s32 s2, $0x0  }
0xe0: {  	s3 =	rddreg [dreg:$0x2];
	[bflag:$0x3] =	sbarrier.arrive $0xFFFF;
	s2 =	simm.s32 @!p0 $0x1C06  }
0xe1: {  	[timem:s3], [sflag:s2] =	dma.local @!p0 [hbm:s0], s1  }
0xe2: {  	s0 =	simm.s32 @!p0 $0x6  }
0xe3: {  	_ =	swait.ge @!p0 [sflag:s0], s1  }
0xe4: {  	s1 =	ssub.s32 @!p0 $0x0, s1;
	[sflag:s0] =	ssyncset.done @!p0 $0x0  }
0xe5: {  	[sflag:s0] =	ssyncadd.s32 @!p0 s1  }
0xe6: {  	[bflag:$0x3] =	sbarrier.arrive $0xFFFF  }
0xe7: {  	_ =	shalt  }

</sc_bundles>
